<compile_context>
chip_gen: v7x
topology: tpu7x:2x2x1
jax: 0.10.2.dev20260603
libtpu: 0.0.44.dev20260713+nightly
codegen_flags: <defaults>
</compile_context>

<pallas_src>
import jax
import jax.numpy as jnp
from jax import lax
from jax.experimental import pallas as pl
from jax.experimental.pallas import tpu as pltpu
from jax.experimental.pallas import tpu_sc as plsc

_POOL = 8
_NSLOT = _POOL + 2
_NC, _NS, _LANES = 2, 16, 16
_NW = _NC * _NS


def _cs_body(ft_ref, cs_ref):
    x = ft_ref[0]
    t_len, dblk = x.shape
    ri = lax.broadcasted_iota(jnp.int32, (128, 128), 0)
    ci = lax.broadcasted_iota(jnp.int32, (128, 128), 1)
    ltri = (ri >= ci).astype(jnp.float32)
    carry = jnp.zeros((1, dblk), jnp.float32)
    pieces = [jnp.zeros((1, dblk), jnp.float32)]
    for k in range(t_len // 128):
        ik = jnp.dot(ltri, x[k * 128:(k + 1) * 128],
                     precision=lax.Precision.HIGHEST)
        blk = ik + carry
        pieces.append(blk)
        carry = blk[127:128, :]
    pieces.append(jnp.zeros((7, dblk), jnp.float32))
    cs_ref[0] = jnp.concatenate(pieces, axis=0)


def _prefix_table(ft):
    b, t, d = ft.shape
    dblk = 256
    return pl.pallas_call(
        _cs_body,
        grid=(b, d // dblk),
        in_specs=[pl.BlockSpec((1, t, dblk), lambda i, j: (i, 0, j))],
        out_specs=pl.BlockSpec((1, t + 8, dblk), lambda i, j: (i, 0, j)),
        out_shape=jax.ShapeDtypeStruct((b, t + 8, d), jnp.float32),
    )(ft)


def _sc_pool(cs_flat, starts, ends, n_span, n_per_batch, cs_rows_per_batch, d):
    spw = n_span // _NW
    krows = 16
    nchunk = spw * _NSLOT // krows

    mesh = plsc.VectorSubcoreMesh(core_axis_name="c", subcore_axis_name="s")

    def body(cs_hbm, st_hbm, en_hbm, out_hbm, st_v, en_v, cb_v, sc_v,
             buf0, buf1, gs0, gs1, ws0, ws1):
        wid = lax.axis_index("s") * _NC + lax.axis_index("c")
        span0 = wid * spw
        csbase = (span0 // n_per_batch) * cs_rows_per_batch
        pltpu.sync_copy(st_hbm.at[pl.ds(span0, spw)], st_v)
        pltpu.sync_copy(en_hbm.at[pl.ds(span0, spw)], en_v)

        zero16 = jnp.zeros((_LANES,), jnp.int32)
        onef = jnp.ones((_LANES,), jnp.float32)
        zerof = jnp.zeros((_LANES,), jnp.float32)
        bufs = (buf0, buf1)
        gsems = (gs0, gs1)
        wsems = (ws0, ws1)

        def gbody(g, carry):
            sl = g * _LANES + lax.iota(jnp.int32, _LANES)
            start = st_v[pl.ds(g * _LANES, _LANES)]
            end = en_v[pl.ds(g * _LANES, _LANES)]
            ln = end - start
            m = jnp.maximum(ln - 2, 0)
            lm = m >> 3
            lr = m & 7
            big = ln > _POOL + 2
            inv = 1.0 / jnp.maximum(lm + lr, 1).astype(jnp.float32)
            base = sl
            for s in range(_NSLOT):
                if s == 0:
                    hi, lo, sc = start + 1, start, onef
                elif s == _NSLOT - 1:
                    p = ln > 1
                    hi = jnp.where(p, end, 0)
                    lo = jnp.where(p, end - 1, 0)
                    sc = jnp.where(p, onef, zerof)
                else:
                    exact = (ln >= s + 2) & (ln <= _POOL + 2)
                    hi = jnp.where(big, start + 1 + s * lm + lr,
                                   jnp.where(exact, start + s + 1, 0))
                    lo = jnp.where(big, start + 1 + (s - 1) * lm,
                                   jnp.where(exact, start + s, 0))
                    sc = jnp.where(big, inv, jnp.where(exact, onef, zerof))
                pos = s * spw + base
                ph = ((pos >> 4) << 5) + (pos & 15)
                plsc.store_scatter(cb_v, [ph], hi + csbase)
                plsc.store_scatter(cb_v, [ph + 16], lo + csbase)
                plsc.store_scatter(sc_v, [pos], sc)
            return carry

        lax.fori_loop(0, spw // _LANES, gbody, 0)

        def gather_of(c, par):
            return pltpu.make_async_copy(
                cs_hbm.at[cb_v.at[pl.ds(c * 2 * krows, 2 * krows)]],
                bufs[par], gsems[par])

        def write_of(c, par):
            s = c >> 3
            g = c & 7
            return pltpu.make_async_copy(
                bufs[par].at[pl.ds(0, krows)],
                out_hbm.at[pl.ds(span0 + g * krows, krows), pl.ds(s * d, d)],
                wsems[par])

        gather_of(0, 0).start()

        def cbody(cc, carry):
            for par in range(2):
                c = cc * 2 + par
                nxt = c + 1
                @pl.when(nxt < nchunk)
                def _():
                    @pl.when(c >= 1)
                    def _():
                        write_of(nxt - 2, 1 - par).wait()
                    gather_of(nxt, 1 - par).start()

                gather_of(c, par).wait()

                def rbody(r, carry2):
                    sv = plsc.load_gather(sc_v, [zero16 + (c * krows + r)])

                    def jbody(j, carry3):
                        for u in range(16):
                            off = j * 16 * _LANES + u * _LANES
                            h = bufs[par][r, pl.ds(off, _LANES)]
                            l = bufs[par][r + krows, pl.ds(off, _LANES)]
                            bufs[par][r, pl.ds(off, _LANES)] = (h - l) * sv
                        return carry3

                    lax.fori_loop(0, d // _LANES // 16, jbody, 0)
                    return carry2

                lax.fori_loop(0, krows, rbody, 0)
                write_of(c, par).start()
            return carry

        lax.fori_loop(0, nchunk // 2, cbody, 0)
        write_of(nchunk - 2, 0).wait()
        write_of(nchunk - 1, 1).wait()

    return pl.kernel(
        body,
        mesh=mesh,
        compiler_params=pltpu.CompilerParams(needs_layout_passes=False),
        out_type=jax.ShapeDtypeStruct((n_span, _NSLOT * d), jnp.float32),
        scratch_types=[
            pltpu.VMEM((spw,), jnp.int32),
            pltpu.VMEM((spw,), jnp.int32),
            pltpu.VMEM((nchunk * 2 * krows,), jnp.int32),
            pltpu.VMEM((nchunk * krows,), jnp.float32),
            pltpu.VMEM((2 * krows, d), jnp.float32),
            pltpu.VMEM((2 * krows, d), jnp.float32),
            pltpu.SemaphoreType.DMA,
            pltpu.SemaphoreType.DMA,
            pltpu.SemaphoreType.DMA,
            pltpu.SemaphoreType.DMA,
        ],
    )(cs_flat, starts, ends)


def kernel(features, tois, embeddings):
    b, d, t = features.shape
    n = tois.shape[1]
    ft = jnp.transpose(features, (0, 2, 1))
    cs = _prefix_table(ft)
    cs_flat = cs.reshape(b * (t + 8), d)
    tois_flat = tois.reshape(b * n, 2).astype(jnp.int32)
    starts = tois_flat[:, 0]
    ends = tois_flat[:, 1]
    out = _sc_pool(cs_flat, starts, ends, b * n, n, t + 8, d)
    cum = jnp.cumsum(jnp.full((b,), n, dtype=jnp.int32))
    return (out, cum)

# --- scband reference (transcript-rebuilt; emitter-appended) ---
"""Pipeline reference for scband-toi-pooling-76510547411005 (READ-ONLY COPY).

The authoritative reference and input builder live on the scoring server;
editing this copy changes nothing except your own understanding.
"""

import jax, jax.numpy as jnp
import numpy as np

POOL = 8

def setup_inputs(seed: int = 0) -> dict:
    key = jax.random.key(seed)
    k1, k2 = jax.random.split(key)
    features = jax.random.normal(k1, (8, 1024, 2048), dtype=jnp.float32)
    tois = jnp.sort(jax.random.randint(k2, (8, 512, 2), 0, 2048), axis=-1)
    embeddings = jnp.zeros((8, 16, 2048), dtype=jnp.float32)
    return {"features": features, "tois": tois, "embeddings": embeddings}


def _hit(feature, start, end, pooling_size):
    # feature: [d, T]; start/end: [N]
    d, T = feature.shape
    N = start.shape[0]
    length = end - start
    ret = jnp.zeros((pooling_size + 2, d, N), dtype=feature.dtype)
    # slot 0: first token of each span
    ret = ret.at[0].set(feature[:, start])
    # slot pooling_size+1: last token for spans with length > 1
    lg1 = length > 1
    end_feat = feature[:, jnp.clip(end - 1, 0, T - 1)]
    ret = ret.at[pooling_size + 1].set(jnp.where(lg1[None, :], end_feat, 0.0))
    # exact-length spans: length == i + 2 -> copy interior tokens directly
    for i in range(1, pooling_size + 1):
        mask = (length == i + 2)
        for j in range(1, i + 1):
            idx = jnp.clip(start + j, 0, T - 1)
            val = feature[:, idx]
            ret = ret.at[j].set(jnp.where(mask[None, :], val, ret[j]))
    # long spans: length > pooling_size + 2 -> average-pool interior via cumsum
    big = length > pooling_size + 2
    cs = jnp.concatenate([jnp.zeros((d, 1), feature.dtype), jnp.cumsum(feature, axis=1)], axis=1)
    lm = (length - 2) // pooling_size
    lr = (length - 2) % pooling_size
    denom = jnp.where(big, (lm + lr).astype(feature.dtype), 1.0)
    for i in range(1, pooling_size + 1):
        hi = jnp.clip(start + 1 + i * lm + lr, 0, T)
        lo = jnp.clip(start + 1 + (i - 1) * lm, 0, T)
        val = (cs[:, hi] - cs[:, lo]) / denom[None, :]
        ret = ret.at[i].set(jnp.where(big[None, :], val, ret[i]))
    return ret.reshape(-1, N)


def reference(features, tois, embeddings):
    # config.if_span_te is False -> embeddings unused; returns (pooled, cumsum of span counts)
    B = features.shape[0]
    results = []
    lens = []
    for i in range(B):
        feature = features[i]
        start = tois[i, :, 0]
        end = tois[i, :, 1]
        results.append(_hit(feature, start, end, POOL).T)
        lens.append(tois[i].shape[0])
    out = jnp.concatenate(results, axis=0)
    cum = jnp.cumsum(jnp.array(lens, dtype=jnp.int32))
    return (out, cum)

if __name__ == "__main__":
    import jax
    _d = setup_inputs()
    print(jax.jit(kernel)(*tuple(_d.values())))

</pallas_src>

<mosaic_0001>
#map = affine_map<(d0, d1) -> (0, 0)>
#map1 = affine_map<(d0, d1) -> (0)>
module attributes {stable_mosaic.version = 14 : i64} {
  func.func @body(%arg0: i32, %arg1: i32, %arg2: memref<16448x1024xf32, #tpu.memory_space<hbm>>, %arg3: memref<4096xi32, #tpu.memory_space<hbm>>, %arg4: memref<4096xi32, #tpu.memory_space<hbm>>, %arg5: memref<4096x10240xf32, #tpu.memory_space<hbm>>, %arg6: memref<128xi32, #tpu.memory_space<vmem>>, %arg7: memref<128xi32, #tpu.memory_space<vmem>>, %arg8: memref<2560xi32, #tpu.memory_space<vmem>>, %arg9: memref<1280xf32, #tpu.memory_space<vmem>>, %arg10: memref<32x1024xf32, #tpu.memory_space<vmem>>, %arg11: memref<32x1024xf32, #tpu.memory_space<vmem>>, %arg12: memref<!tpu.dma_semaphore, #tpu.memory_space<semaphore_mem>>, %arg13: memref<!tpu.dma_semaphore, #tpu.memory_space<semaphore_mem>>, %arg14: memref<!tpu.dma_semaphore, #tpu.memory_space<semaphore_mem>>, %arg15: memref<!tpu.dma_semaphore, #tpu.memory_space<semaphore_mem>>) attributes {dimension_semantics = [#tpu.dimension_semantics<core_parallel>, #tpu.dimension_semantics<subcore_parallel>], iteration_bounds = array<i64: 2, 16>, scalar_prefetch = 0 : i64, scratch_operands = 10 : i64, tpu.core_type = #tpu.core_type<sc_vector_subcore>, window_params = [{transform_indices = #map}, {transform_indices = #map1}, {transform_indices = #map1}, {transform_indices = #map}]} {
    %mul3A = arith.constant 2 : i32
    %mul3A_0 = arith.muli %arg1, %mul3A : i32
    %add3A = arith.addi %mul3A_0, %arg0 : i32
    %mul3A_1 = arith.constant 128 : i32
    %mul3A_2 = arith.muli %add3A, %mul3A_1 : i32
    %jit3A = arith.constant 512 : i32
    %div3A = arith.divsi %mul3A_2, %jit3A : i32
    %sign3A = arith.constant 0 : i32
    %sign3A_3 = arith.cmpi sgt, %mul3A_2, %sign3A : i32
    %sign3A_4 = arith.extui %sign3A_3 : i1 to i32
    %sign3A_5 = arith.constant 0 : i32
    %sign3A_6 = arith.cmpi slt, %mul3A_2, %sign3A_5 : i32
    %sign3A_7 = arith.extui %sign3A_6 : i1 to i32
    %sign3A_8 = arith.subi %sign3A_4, %sign3A_7 : i32
    %sign3A_9 = arith.constant 0 : i32
    %sign3A_10 = arith.cmpi sgt, %jit3A, %sign3A_9 : i32
    %sign3A_11 = arith.extui %sign3A_10 : i1 to i32
    %sign3A_12 = arith.constant 0 : i32
    %sign3A_13 = arith.cmpi slt, %jit3A, %sign3A_12 : i32
    %sign3A_14 = arith.extui %sign3A_13 : i1 to i32
    %sign3A_15 = arith.subi %sign3A_11, %sign3A_14 : i32
    %ne3A = arith.cmpi ne, %sign3A_8, %sign3A_15 : i32
    %rem3A = arith.remsi %mul3A_2, %jit3A : i32
    %ne3A_16 = arith.constant 0 : i32
    %ne3A_17 = arith.cmpi ne, %rem3A, %ne3A_16 : i32
    %and3A = arith.andi %ne3A, %ne3A_17 : i1
    %sub3A = arith.constant 1 : i32
    %sub3A_18 = arith.subi %div3A, %sub3A : i32
    %select_n3A = arith.select %and3A, %sub3A_18, %div3A : i32
    %mul3A_19 = arith.constant 2056 : i32
    %mul3A_20 = arith.muli %select_n3A, %mul3A_19 : i32
    "tpu.region"() ({
      %run_scoped3A = tpu.sem_alloc : memref<!tpu.dma_semaphore, #tpu.memory_space<semaphore_mem>>
      %dma_start3A_64 = tpu.memref_slice %arg3[%mul3A_2] : memref<4096xi32, #tpu.memory_space<hbm>> -> memref<128xi32, #tpu.memory_space<hbm>>
      %dma_start3A_65 = tpu.memref_slice %arg3[%mul3A_2] : memref<4096xi32, #tpu.memory_space<hbm>> -> memref<128xi32, #tpu.memory_space<hbm>>
      tpu.enqueue_dma source(%dma_start3A_65 : memref<128xi32, #tpu.memory_space<hbm>>) target(%arg6 : memref<128xi32, #tpu.memory_space<vmem>>) target_semaphore(%run_scoped3A : memref<!tpu.dma_semaphore, #tpu.memory_space<semaphore_mem>>)
      %dma_wait3A_66 = tpu.memref_slice %arg3[%mul3A_2] : memref<4096xi32, #tpu.memory_space<hbm>> -> memref<128xi32, #tpu.memory_space<hbm>>
      %dma_wait3A_67 = tpu.memref_slice %arg3[%mul3A_2] : memref<4096xi32, #tpu.memory_space<hbm>> -> memref<128xi32, #tpu.memory_space<hbm>>
      tpu.wait_dma2 semaphore(%run_scoped3A : memref<!tpu.dma_semaphore, #tpu.memory_space<semaphore_mem>>) src(%dma_wait3A_67 : memref<128xi32, #tpu.memory_space<hbm>>) dst(%arg6 : memref<128xi32, #tpu.memory_space<vmem>>)
      tpu.yield
    }) : () -> ()
    "tpu.region"() ({
      %run_scoped3A = tpu.sem_alloc : memref<!tpu.dma_semaphore, #tpu.memory_space<semaphore_mem>>
      %dma_start3A_64 = tpu.memref_slice %arg4[%mul3A_2] : memref<4096xi32, #tpu.memory_space<hbm>> -> memref<128xi32, #tpu.memory_space<hbm>>
      %dma_start3A_65 = tpu.memref_slice %arg4[%mul3A_2] : memref<4096xi32, #tpu.memory_space<hbm>> -> memref<128xi32, #tpu.memory_space<hbm>>
      tpu.enqueue_dma source(%dma_start3A_65 : memref<128xi32, #tpu.memory_space<hbm>>) target(%arg7 : memref<128xi32, #tpu.memory_space<vmem>>) target_semaphore(%run_scoped3A : memref<!tpu.dma_semaphore, #tpu.memory_space<semaphore_mem>>)
      %dma_wait3A_66 = tpu.memref_slice %arg4[%mul3A_2] : memref<4096xi32, #tpu.memory_space<hbm>> -> memref<128xi32, #tpu.memory_space<hbm>>
      %dma_wait3A_67 = tpu.memref_slice %arg4[%mul3A_2] : memref<4096xi32, #tpu.memory_space<hbm>> -> memref<128xi32, #tpu.memory_space<hbm>>
      tpu.wait_dma2 semaphore(%run_scoped3A : memref<!tpu.dma_semaphore, #tpu.memory_space<semaphore_mem>>) src(%dma_wait3A_67 : memref<128xi32, #tpu.memory_space<hbm>>) dst(%arg7 : memref<128xi32, #tpu.memory_space<vmem>>)
      tpu.yield
    }) : () -> ()
    %broadcast_in_dim3A = arith.constant 0 : i32
    %broadcast_in_dim3A_21 = vector.broadcast %broadcast_in_dim3A : i32 to vector<16xi32>
    %broadcast_in_dim3A_22 = arith.constant 1.000000e+00 : f32
    %broadcast_in_dim3A_23 = vector.broadcast %broadcast_in_dim3A_22 : f32 to vector<16xf32>
    %broadcast_in_dim3A_24 = arith.constant 0.000000e+00 : f32
    %broadcast_in_dim3A_25 = vector.broadcast %broadcast_in_dim3A_24 : f32 to vector<16xf32>
    %scan3A = arith.constant 0 : i32
    %scan3A_26 = arith.constant 0 : i32
    %scan3A_27 = arith.constant 8 : i32
    %scan3A_28 = arith.addi %scan3A_26, %scan3A_27 : i32
    %scan3A_29 = arith.constant 1 : i32
    scf.for %scan3A_64 = %scan3A_26 to %scan3A_28 step %scan3A_29  : i32 {
      %mul3A_65 = arith.constant 16 : i32
      %mul3A_66 = arith.muli %scan3A_64, %mul3A_65 : i32
      %iota3A = tpu.iota {dimensions = array<i32: 0>} : vector<16xi32>
      %add3A_67 = vector.broadcast %mul3A_66 : i32 to vector<16xi32>
      %add3A_68 = arith.addi %add3A_67, %iota3A : vector<16xi32>
      %mul3A_69 = arith.constant 16 : i32
      %mul3A_70 = arith.muli %scan3A_64, %mul3A_69 : i32
      %get3A = arith.index_cast %mul3A_70 : i32 to index
      %get3A_71 = tpu.vector_load %arg6[%get3A] {strides = array<i32>} : memref<128xi32, #tpu.memory_space<vmem>>, vector<16xi32>,
      %mul3A_72 = arith.constant 16 : i32
      %mul3A_73 = arith.muli %scan3A_64, %mul3A_72 : i32
      %get3A_74 = arith.index_cast %mul3A_73 : i32 to index
      %get3A_75 = tpu.vector_load %arg7[%get3A_74] {strides = array<i32>} : memref<128xi32, #tpu.memory_space<vmem>>, vector<16xi32>,
      %sub3A_76 = arith.subi %get3A_75, %get3A_71 : vector<16xi32>
      %sub3A_77 = arith.constant 2 : i32
      %sub3A_78 = vector.broadcast %sub3A_77 : i32 to vector<16xi32>
      %sub3A_79 = arith.subi %sub3A_76, %sub3A_78 : vector<16xi32>
      %max3A = arith.constant 0 : i32
      %max3A_80 = vector.broadcast %max3A : i32 to vector<16xi32>
      %max3A_81 = arith.maxsi %sub3A_79, %max3A_80 : vector<16xi32>
      %shift_right_arithmetic3A = arith.constant 3 : i32
      %shift_right_arithmetic3A_82 = vector.broadcast %shift_right_arithmetic3A : i32 to vector<16xi32>
      %shift_right_arithmetic3A_83 = arith.shrsi %max3A_81, %shift_right_arithmetic3A_82 : vector<16xi32>
      %and3A_84 = arith.constant 7 : i32
      %and3A_85 = vector.broadcast %and3A_84 : i32 to vector<16xi32>
      %and3A_86 = arith.andi %max3A_81, %and3A_85 : vector<16xi32>
      %gt3A = arith.constant 10 : i32
      %gt3A_87 = vector.broadcast %gt3A : i32 to vector<16xi32>
      %gt3A_88 = arith.cmpi sgt, %sub3A_76, %gt3A_87 : vector<16xi32>
      %add3A_89 = arith.addi %shift_right_arithmetic3A_83, %and3A_86 : vector<16xi32>
      %max3A_90 = arith.constant 1 : i32
      %max3A_91 = vector.broadcast %max3A_90 : i32 to vector<16xi32>
      %max3A_92 = arith.maxsi %add3A_89, %max3A_91 : vector<16xi32>
      %convert_element_type3A = arith.sitofp %max3A_92 : vector<16xi32> to vector<16xf32>
      %div3A_93 = arith.constant 1.000000e+00 : f32
      %div3A_94 = vector.broadcast %div3A_93 : f32 to vector<16xf32>
      %div3A_95 = arith.divf %div3A_94, %convert_element_type3A : vector<16xf32>
      %add3A_96 = arith.constant 1 : i32
      %add3A_97 = vector.broadcast %add3A_96 : i32 to vector<16xi32>
      %add3A_98 = arith.addi %get3A_71, %add3A_97 : vector<16xi32>
      %add3A_99 = arith.constant 0 : i32
      %add3A_100 = vector.broadcast %add3A_99 : i32 to vector<16xi32>
      %add3A_101 = arith.addi %add3A_100, %add3A_68 : vector<16xi32>
      %shift_right_arithmetic3A_102 = arith.constant 4 : i32
      %shift_right_arithmetic3A_103 = vector.broadcast %shift_right_arithmetic3A_102 : i32 to vector<16xi32>
      %shift_right_arithmetic3A_104 = arith.shrsi %add3A_101, %shift_right_arithmetic3A_103 : vector<16xi32>
      %shift_left3A = arith.constant 5 : i32
      %shift_left3A_105 = vector.broadcast %shift_left3A : i32 to vector<16xi32>
      %shift_left3A_106 = arith.shli %shift_right_arithmetic3A_104, %shift_left3A_105 : vector<16xi32>
      %and3A_107 = arith.constant 15 : i32
      %and3A_108 = vector.broadcast %and3A_107 : i32 to vector<16xi32>
      %and3A_109 = arith.andi %add3A_101, %and3A_108 : vector<16xi32>
      %add3A_110 = arith.addi %shift_left3A_106, %and3A_109 : vector<16xi32>
      %add3A_111 = vector.broadcast %mul3A_20 : i32 to vector<16xi32>
      %add3A_112 = arith.addi %add3A_98, %add3A_111 : vector<16xi32>
      tpu.vector_store_idx %arg8[%add3A_110], %add3A_112 : memref<2560xi32, #tpu.memory_space<vmem>>[vector<16xi32>], vector<16xi32>,
      %add3A_113 = arith.constant 16 : i32
      %add3A_114 = vector.broadcast %add3A_113 : i32 to vector<16xi32>
      %add3A_115 = arith.addi %add3A_110, %add3A_114 : vector<16xi32>
      %add3A_116 = vector.broadcast %mul3A_20 : i32 to vector<16xi32>
      %add3A_117 = arith.addi %get3A_71, %add3A_116 : vector<16xi32>
      tpu.vector_store_idx %arg8[%add3A_115], %add3A_117 : memref<2560xi32, #tpu.memory_space<vmem>>[vector<16xi32>], vector<16xi32>,
      tpu.vector_store_idx %arg9[%add3A_101], %broadcast_in_dim3A_23 : memref<1280xf32, #tpu.memory_space<vmem>>[vector<16xi32>], vector<16xf32>,
      %ge3A = arith.constant 3 : i32
      %ge3A_118 = vector.broadcast %ge3A : i32 to vector<16xi32>
      %ge3A_119 = arith.cmpi sge, %sub3A_76, %ge3A_118 : vector<16xi32>
      %le3A = arith.constant 10 : i32
      %le3A_120 = vector.broadcast %le3A : i32 to vector<16xi32>
      %le3A_121 = arith.cmpi sle, %sub3A_76, %le3A_120 : vector<16xi32>
      %and3A_122 = arith.andi %ge3A_119, %le3A_121 : vector<16xi1>
      %add3A_123 = arith.constant 1 : i32
      %add3A_124 = vector.broadcast %add3A_123 : i32 to vector<16xi32>
      %add3A_125 = arith.addi %get3A_71, %add3A_124 : vector<16xi32>
      %mul3A_126 = arith.constant 1 : i32
      %mul3A_127 = vector.broadcast %mul3A_126 : i32 to vector<16xi32>
      %mul3A_128 = arith.muli %mul3A_127, %shift_right_arithmetic3A_83 : vector<16xi32>
      %add3A_129 = arith.addi %add3A_125, %mul3A_128 : vector<16xi32>
      %add3A_130 = arith.addi %add3A_129, %and3A_86 : vector<16xi32>
      %add3A_131 = arith.constant 1 : i32
      %add3A_132 = vector.broadcast %add3A_131 : i32 to vector<16xi32>
      %add3A_133 = arith.addi %get3A_71, %add3A_132 : vector<16xi32>
      %add3A_134 = arith.constant 1 : i32
      %add3A_135 = vector.broadcast %add3A_134 : i32 to vector<16xi32>
      %add3A_136 = arith.addi %add3A_133, %add3A_135 : vector<16xi32>
      %jit3A_137 = arith.constant 0 : i32
      %broadcast_in_dim3A_138 = vector.broadcast %jit3A_137 : i32 to vector<16xi32>
      %select_n3A_139 = arith.select %and3A_122, %add3A_136, %broadcast_in_dim3A_138 : vector<16xi1>, vector<16xi32>
      %select_n3A_140 = arith.select %gt3A_88, %add3A_130, %select_n3A_139 : vector<16xi1>, vector<16xi32>
      %add3A_141 = arith.constant 1 : i32
      %add3A_142 = vector.broadcast %add3A_141 : i32 to vector<16xi32>
      %add3A_143 = arith.addi %get3A_71, %add3A_142 : vector<16xi32>
      %mul3A_144 = arith.constant 0 : i32
      %mul3A_145 = vector.broadcast %mul3A_144 : i32 to vector<16xi32>
      %mul3A_146 = arith.muli %mul3A_145, %shift_right_arithmetic3A_83 : vector<16xi32>
      %add3A_147 = arith.addi %add3A_143, %mul3A_146 : vector<16xi32>
      %add3A_148 = arith.constant 1 : i32
      %add3A_149 = vector.broadcast %add3A_148 : i32 to vector<16xi32>
      %add3A_150 = arith.addi %get3A_71, %add3A_149 : vector<16xi32>
      %jit3A_151 = arith.constant 0 : i32
      %broadcast_in_dim3A_152 = vector.broadcast %jit3A_151 : i32 to vector<16xi32>
      %select_n3A_153 = arith.select %and3A_122, %add3A_150, %broadcast_in_dim3A_152 : vector<16xi1>, vector<16xi32>
      %select_n3A_154 = arith.select %gt3A_88, %add3A_147, %select_n3A_153 : vector<16xi1>, vector<16xi32>
      %select_n3A_155 = arith.select %and3A_122, %broadcast_in_dim3A_23, %broadcast_in_dim3A_25 : vector<16xi1>, vector<16xf32>
      %select_n3A_156 = arith.select %gt3A_88, %div3A_95, %select_n3A_155 : vector<16xi1>, vector<16xf32>
      %add3A_157 = arith.constant 128 : i32
      %add3A_158 = vector.broadcast %add3A_157 : i32 to vector<16xi32>
      %add3A_159 = arith.addi %add3A_158, %add3A_68 : vector<16xi32>
      %shift_right_arithmetic3A_160 = arith.constant 4 : i32
      %shift_right_arithmetic3A_161 = vector.broadcast %shift_right_arithmetic3A_160 : i32 to vector<16xi32>
      %shift_right_arithmetic3A_162 = arith.shrsi %add3A_159, %shift_right_arithmetic3A_161 : vector<16xi32>
      %shift_left3A_163 = arith.constant 5 : i32
      %shift_left3A_164 = vector.broadcast %shift_left3A_163 : i32 to vector<16xi32>
      %shift_left3A_165 = arith.shli %shift_right_arithmetic3A_162, %shift_left3A_164 : vector<16xi32>
      %and3A_166 = arith.constant 15 : i32
      %and3A_167 = vector.broadcast %and3A_166 : i32 to vector<16xi32>
      %and3A_168 = arith.andi %add3A_159, %and3A_167 : vector<16xi32>
      %add3A_169 = arith.addi %shift_left3A_165, %and3A_168 : vector<16xi32>
      %add3A_170 = vector.broadcast %mul3A_20 : i32 to vector<16xi32>
      %add3A_171 = arith.addi %select_n3A_140, %add3A_170 : vector<16xi32>
      tpu.vector_store_idx %arg8[%add3A_169], %add3A_171 : memref<2560xi32, #tpu.memory_space<vmem>>[vector<16xi32>], vector<16xi32>,
      %add3A_172 = arith.constant 16 : i32
      %add3A_173 = vector.broadcast %add3A_172 : i32 to vector<16xi32>
      %add3A_174 = arith.addi %add3A_169, %add3A_173 : vector<16xi32>
      %add3A_175 = vector.broadcast %mul3A_20 : i32 to vector<16xi32>
      %add3A_176 = arith.addi %select_n3A_154, %add3A_175 : vector<16xi32>
      tpu.vector_store_idx %arg8[%add3A_174], %add3A_176 : memref<2560xi32, #tpu.memory_space<vmem>>[vector<16xi32>], vector<16xi32>,
      tpu.vector_store_idx %arg9[%add3A_159], %select_n3A_156 : memref<1280xf32, #tpu.memory_space<vmem>>[vector<16xi32>], vector<16xf32>,
      %ge3A_177 = arith.constant 4 : i32
      %ge3A_178 = vector.broadcast %ge3A_177 : i32 to vector<16xi32>
      %ge3A_179 = arith.cmpi sge, %sub3A_76, %ge3A_178 : vector<16xi32>
      %le3A_180 = arith.constant 10 : i32
      %le3A_181 = vector.broadcast %le3A_180 : i32 to vector<16xi32>
      %le3A_182 = arith.cmpi sle, %sub3A_76, %le3A_181 : vector<16xi32>
      %and3A_183 = arith.andi %ge3A_179, %le3A_182 : vector<16xi1>
      %add3A_184 = arith.constant 1 : i32
      %add3A_185 = vector.broadcast %add3A_184 : i32 to vector<16xi32>
      %add3A_186 = arith.addi %get3A_71, %add3A_185 : vector<16xi32>
      %mul3A_187 = arith.constant 2 : i32
      %mul3A_188 = vector.broadcast %mul3A_187 : i32 to vector<16xi32>
      %mul3A_189 = arith.muli %mul3A_188, %shift_right_arithmetic3A_83 : vector<16xi32>
      %add3A_190 = arith.addi %add3A_186, %mul3A_189 : vector<16xi32>
      %add3A_191 = arith.addi %add3A_190, %and3A_86 : vector<16xi32>
      %add3A_192 = arith.constant 2 : i32
      %add3A_193 = vector.broadcast %add3A_192 : i32 to vector<16xi32>
      %add3A_194 = arith.addi %get3A_71, %add3A_193 : vector<16xi32>
      %add3A_195 = arith.constant 1 : i32
      %add3A_196 = vector.broadcast %add3A_195 : i32 to vector<16xi32>
      %add3A_197 = arith.addi %add3A_194, %add3A_196 : vector<16xi32>
      %jit3A_198 = arith.constant 0 : i32
      %broadcast_in_dim3A_199 = vector.broadcast %jit3A_198 : i32 to vector<16xi32>
      %select_n3A_200 = arith.select %and3A_183, %add3A_197, %broadcast_in_dim3A_199 : vector<16xi1>, vector<16xi32>
      %select_n3A_201 = arith.select %gt3A_88, %add3A_191, %select_n3A_200 : vector<16xi1>, vector<16xi32>
      %add3A_202 = arith.constant 1 : i32
      %add3A_203 = vector.broadcast %add3A_202 : i32 to vector<16xi32>
      %add3A_204 = arith.addi %get3A_71, %add3A_203 : vector<16xi32>
      %mul3A_205 = arith.constant 1 : i32
      %mul3A_206 = vector.broadcast %mul3A_205 : i32 to vector<16xi32>
      %mul3A_207 = arith.muli %mul3A_206, %shift_right_arithmetic3A_83 : vector<16xi32>
      %add3A_208 = arith.addi %add3A_204, %mul3A_207 : vector<16xi32>
      %add3A_209 = arith.constant 2 : i32
      %add3A_210 = vector.broadcast %add3A_209 : i32 to vector<16xi32>
      %add3A_211 = arith.addi %get3A_71, %add3A_210 : vector<16xi32>
      %jit3A_212 = arith.constant 0 : i32
      %broadcast_in_dim3A_213 = vector.broadcast %jit3A_212 : i32 to vector<16xi32>
      %select_n3A_214 = arith.select %and3A_183, %add3A_211, %broadcast_in_dim3A_213 : vector<16xi1>, vector<16xi32>
      %select_n3A_215 = arith.select %gt3A_88, %add3A_208, %select_n3A_214 : vector<16xi1>, vector<16xi32>
      %select_n3A_216 = arith.select %and3A_183, %broadcast_in_dim3A_23, %broadcast_in_dim3A_25 : vector<16xi1>, vector<16xf32>
      %select_n3A_217 = arith.select %gt3A_88, %div3A_95, %select_n3A_216 : vector<16xi1>, vector<16xf32>
      %add3A_218 = arith.constant 256 : i32
      %add3A_219 = vector.broadcast %add3A_218 : i32 to vector<16xi32>
      %add3A_220 = arith.addi %add3A_219, %add3A_68 : vector<16xi32>
      %shift_right_arithmetic3A_221 = arith.constant 4 : i32
      %shift_right_arithmetic3A_222 = vector.broadcast %shift_right_arithmetic3A_221 : i32 to vector<16xi32>
      %shift_right_arithmetic3A_223 = arith.shrsi %add3A_220, %shift_right_arithmetic3A_222 : vector<16xi32>
      %shift_left3A_224 = arith.constant 5 : i32
      %shift_left3A_225 = vector.broadcast %shift_left3A_224 : i32 to vector<16xi32>
      %shift_left3A_226 = arith.shli %shift_right_arithmetic3A_223, %shift_left3A_225 : vector<16xi32>
      %and3A_227 = arith.constant 15 : i32
      %and3A_228 = vector.broadcast %and3A_227 : i32 to vector<16xi32>
      %and3A_229 = arith.andi %add3A_220, %and3A_228 : vector<16xi32>
      %add3A_230 = arith.addi %shift_left3A_226, %and3A_229 : vector<16xi32>
      %add3A_231 = vector.broadcast %mul3A_20 : i32 to vector<16xi32>
      %add3A_232 = arith.addi %select_n3A_201, %add3A_231 : vector<16xi32>
      tpu.vector_store_idx %arg8[%add3A_230], %add3A_232 : memref<2560xi32, #tpu.memory_space<vmem>>[vector<16xi32>], vector<16xi32>,
      %add3A_233 = arith.constant 16 : i32
      %add3A_234 = vector.broadcast %add3A_233 : i32 to vector<16xi32>
      %add3A_235 = arith.addi %add3A_230, %add3A_234 : vector<16xi32>
      %add3A_236 = vector.broadcast %mul3A_20 : i32 to vector<16xi32>
      %add3A_237 = arith.addi %select_n3A_215, %add3A_236 : vector<16xi32>
      tpu.vector_store_idx %arg8[%add3A_235], %add3A_237 : memref<2560xi32, #tpu.memory_space<vmem>>[vector<16xi32>], vector<16xi32>,
      tpu.vector_store_idx %arg9[%add3A_220], %select_n3A_217 : memref<1280xf32, #tpu.memory_space<vmem>>[vector<16xi32>], vector<16xf32>,
      %ge3A_238 = arith.constant 5 : i32
      %ge3A_239 = vector.broadcast %ge3A_238 : i32 to vector<16xi32>
      %ge3A_240 = arith.cmpi sge, %sub3A_76, %ge3A_239 : vector<16xi32>
      %le3A_241 = arith.constant 10 : i32
      %le3A_242 = vector.broadcast %le3A_241 : i32 to vector<16xi32>
      %le3A_243 = arith.cmpi sle, %sub3A_76, %le3A_242 : vector<16xi32>
      %and3A_244 = arith.andi %ge3A_240, %le3A_243 : vector<16xi1>
      %add3A_245 = arith.constant 1 : i32
      %add3A_246 = vector.broadcast %add3A_245 : i32 to vector<16xi32>
      %add3A_247 = arith.addi %get3A_71, %add3A_246 : vector<16xi32>
      %mul3A_248 = arith.constant 3 : i32
      %mul3A_249 = vector.broadcast %mul3A_248 : i32 to vector<16xi32>
      %mul3A_250 = arith.muli %mul3A_249, %shift_right_arithmetic3A_83 : vector<16xi32>
      %add3A_251 = arith.addi %add3A_247, %mul3A_250 : vector<16xi32>
      %add3A_252 = arith.addi %add3A_251, %and3A_86 : vector<16xi32>
      %add3A_253 = arith.constant 3 : i32
      %add3A_254 = vector.broadcast %add3A_253 : i32 to vector<16xi32>
      %add3A_255 = arith.addi %get3A_71, %add3A_254 : vector<16xi32>
      %add3A_256 = arith.constant 1 : i32
      %add3A_257 = vector.broadcast %add3A_256 : i32 to vector<16xi32>
      %add3A_258 = arith.addi %add3A_255, %add3A_257 : vector<16xi32>
      %jit3A_259 = arith.constant 0 : i32
      %broadcast_in_dim3A_260 = vector.broadcast %jit3A_259 : i32 to vector<16xi32>
      %select_n3A_261 = arith.select %and3A_244, %add3A_258, %broadcast_in_dim3A_260 : vector<16xi1>, vector<16xi32>
      %select_n3A_262 = arith.select %gt3A_88, %add3A_252, %select_n3A_261 : vector<16xi1>, vector<16xi32>
      %add3A_263 = arith.constant 1 : i32
      %add3A_264 = vector.broadcast %add3A_263 : i32 to vector<16xi32>
      %add3A_265 = arith.addi %get3A_71, %add3A_264 : vector<16xi32>
      %mul3A_266 = arith.constant 2 : i32
      %mul3A_267 = vector.broadcast %mul3A_266 : i32 to vector<16xi32>
      %mul3A_268 = arith.muli %mul3A_267, %shift_right_arithmetic3A_83 : vector<16xi32>
      %add3A_269 = arith.addi %add3A_265, %mul3A_268 : vector<16xi32>
      %add3A_270 = arith.constant 3 : i32
      %add3A_271 = vector.broadcast %add3A_270 : i32 to vector<16xi32>
      %add3A_272 = arith.addi %get3A_71, %add3A_271 : vector<16xi32>
      %jit3A_273 = arith.constant 0 : i32
      %broadcast_in_dim3A_274 = vector.broadcast %jit3A_273 : i32 to vector<16xi32>
      %select_n3A_275 = arith.select %and3A_244, %add3A_272, %broadcast_in_dim3A_274 : vector<16xi1>, vector<16xi32>
      %select_n3A_276 = arith.select %gt3A_88, %add3A_269, %select_n3A_275 : vector<16xi1>, vector<16xi32>
      %select_n3A_277 = arith.select %and3A_244, %broadcast_in_dim3A_23, %broadcast_in_dim3A_25 : vector<16xi1>, vector<16xf32>
      %select_n3A_278 = arith.select %gt3A_88, %div3A_95, %select_n3A_277 : vector<16xi1>, vector<16xf32>
      %add3A_279 = arith.constant 384 : i32
      %add3A_280 = vector.broadcast %add3A_279 : i32 to vector<16xi32>
      %add3A_281 = arith.addi %add3A_280, %add3A_68 : vector<16xi32>
      %shift_right_arithmetic3A_282 = arith.constant 4 : i32
      %shift_right_arithmetic3A_283 = vector.broadcast %shift_right_arithmetic3A_282 : i32 to vector<16xi32>
      %shift_right_arithmetic3A_284 = arith.shrsi %add3A_281, %shift_right_arithmetic3A_283 : vector<16xi32>
      %shift_left3A_285 = arith.constant 5 : i32
      %shift_left3A_286 = vector.broadcast %shift_left3A_285 : i32 to vector<16xi32>
      %shift_left3A_287 = arith.shli %shift_right_arithmetic3A_284, %shift_left3A_286 : vector<16xi32>
      %and3A_288 = arith.constant 15 : i32
      %and3A_289 = vector.broadcast %and3A_288 : i32 to vector<16xi32>
      %and3A_290 = arith.andi %add3A_281, %and3A_289 : vector<16xi32>
      %add3A_291 = arith.addi %shift_left3A_287, %and3A_290 : vector<16xi32>
      %add3A_292 = vector.broadcast %mul3A_20 : i32 to vector<16xi32>
      %add3A_293 = arith.addi %select_n3A_262, %add3A_292 : vector<16xi32>
      tpu.vector_store_idx %arg8[%add3A_291], %add3A_293 : memref<2560xi32, #tpu.memory_space<vmem>>[vector<16xi32>], vector<16xi32>,
      %add3A_294 = arith.constant 16 : i32
      %add3A_295 = vector.broadcast %add3A_294 : i32 to vector<16xi32>
      %add3A_296 = arith.addi %add3A_291, %add3A_295 : vector<16xi32>
      %add3A_297 = vector.broadcast %mul3A_20 : i32 to vector<16xi32>
      %add3A_298 = arith.addi %select_n3A_276, %add3A_297 : vector<16xi32>
      tpu.vector_store_idx %arg8[%add3A_296], %add3A_298 : memref<2560xi32, #tpu.memory_space<vmem>>[vector<16xi32>], vector<16xi32>,
      tpu.vector_store_idx %arg9[%add3A_281], %select_n3A_278 : memref<1280xf32, #tpu.memory_space<vmem>>[vector<16xi32>], vector<16xf32>,
      %ge3A_299 = arith.constant 6 : i32
      %ge3A_300 = vector.broadcast %ge3A_299 : i32 to vector<16xi32>
      %ge3A_301 = arith.cmpi sge, %sub3A_76, %ge3A_300 : vector<16xi32>
      %le3A_302 = arith.constant 10 : i32
      %le3A_303 = vector.broadcast %le3A_302 : i32 to vector<16xi32>
      %le3A_304 = arith.cmpi sle, %sub3A_76, %le3A_303 : vector<16xi32>
      %and3A_305 = arith.andi %ge3A_301, %le3A_304 : vector<16xi1>
      %add3A_306 = arith.constant 1 : i32
      %add3A_307 = vector.broadcast %add3A_306 : i32 to vector<16xi32>
      %add3A_308 = arith.addi %get3A_71, %add3A_307 : vector<16xi32>
      %mul3A_309 = arith.constant 4 : i32
      %mul3A_310 = vector.broadcast %mul3A_309 : i32 to vector<16xi32>
      %mul3A_311 = arith.muli %mul3A_310, %shift_right_arithmetic3A_83 : vector<16xi32>
      %add3A_312 = arith.addi %add3A_308, %mul3A_311 : vector<16xi32>
      %add3A_313 = arith.addi %add3A_312, %and3A_86 : vector<16xi32>
      %add3A_314 = arith.constant 4 : i32
      %add3A_315 = vector.broadcast %add3A_314 : i32 to vector<16xi32>
      %add3A_316 = arith.addi %get3A_71, %add3A_315 : vector<16xi32>
      %add3A_317 = arith.constant 1 : i32
      %add3A_318 = vector.broadcast %add3A_317 : i32 to vector<16xi32>
      %add3A_319 = arith.addi %add3A_316, %add3A_318 : vector<16xi32>
      %jit3A_320 = arith.constant 0 : i32
      %broadcast_in_dim3A_321 = vector.broadcast %jit3A_320 : i32 to vector<16xi32>
      %select_n3A_322 = arith.select %and3A_305, %add3A_319, %broadcast_in_dim3A_321 : vector<16xi1>, vector<16xi32>
      %select_n3A_323 = arith.select %gt3A_88, %add3A_313, %select_n3A_322 : vector<16xi1>, vector<16xi32>
      %add3A_324 = arith.constant 1 : i32
      %add3A_325 = vector.broadcast %add3A_324 : i32 to vector<16xi32>
      %add3A_326 = arith.addi %get3A_71, %add3A_325 : vector<16xi32>
      %mul3A_327 = arith.constant 3 : i32
      %mul3A_328 = vector.broadcast %mul3A_327 : i32 to vector<16xi32>
      %mul3A_329 = arith.muli %mul3A_328, %shift_right_arithmetic3A_83 : vector<16xi32>
      %add3A_330 = arith.addi %add3A_326, %mul3A_329 : vector<16xi32>
      %add3A_331 = arith.constant 4 : i32
      %add3A_332 = vector.broadcast %add3A_331 : i32 to vector<16xi32>
      %add3A_333 = arith.addi %get3A_71, %add3A_332 : vector<16xi32>
      %jit3A_334 = arith.constant 0 : i32
      %broadcast_in_dim3A_335 = vector.broadcast %jit3A_334 : i32 to vector<16xi32>
      %select_n3A_336 = arith.select %and3A_305, %add3A_333, %broadcast_in_dim3A_335 : vector<16xi1>, vector<16xi32>
      %select_n3A_337 = arith.select %gt3A_88, %add3A_330, %select_n3A_336 : vector<16xi1>, vector<16xi32>
      %select_n3A_338 = arith.select %and3A_305, %broadcast_in_dim3A_23, %broadcast_in_dim3A_25 : vector<16xi1>, vector<16xf32>
      %select_n3A_339 = arith.select %gt3A_88, %div3A_95, %select_n3A_338 : vector<16xi1>, vector<16xf32>
      %add3A_340 = arith.constant 512 : i32
      %add3A_341 = vector.broadcast %add3A_340 : i32 to vector<16xi32>
      %add3A_342 = arith.addi %add3A_341, %add3A_68 : vector<16xi32>
      %shift_right_arithmetic3A_343 = arith.constant 4 : i32
      %shift_right_arithmetic3A_344 = vector.broadcast %shift_right_arithmetic3A_343 : i32 to vector<16xi32>
      %shift_right_arithmetic3A_345 = arith.shrsi %add3A_342, %shift_right_arithmetic3A_344 : vector<16xi32>
      %shift_left3A_346 = arith.constant 5 : i32
      %shift_left3A_347 = vector.broadcast %shift_left3A_346 : i32 to vector<16xi32>
      %shift_left3A_348 = arith.shli %shift_right_arithmetic3A_345, %shift_left3A_347 : vector<16xi32>
      %and3A_349 = arith.constant 15 : i32
      %and3A_350 = vector.broadcast %and3A_349 : i32 to vector<16xi32>
      %and3A_351 = arith.andi %add3A_342, %and3A_350 : vector<16xi32>
      %add3A_352 = arith.addi %shift_left3A_348, %and3A_351 : vector<16xi32>
      %add3A_353 = vector.broadcast %mul3A_20 : i32 to vector<16xi32>
      %add3A_354 = arith.addi %select_n3A_323, %add3A_353 : vector<16xi32>
      tpu.vector_store_idx %arg8[%add3A_352], %add3A_354 : memref<2560xi32, #tpu.memory_space<vmem>>[vector<16xi32>], vector<16xi32>,
      %add3A_355 = arith.constant 16 : i32
      %add3A_356 = vector.broadcast %add3A_355 : i32 to vector<16xi32>
      %add3A_357 = arith.addi %add3A_352, %add3A_356 : vector<16xi32>
      %add3A_358 = vector.broadcast %mul3A_20 : i32 to vector<16xi32>
      %add3A_359 = arith.addi %select_n3A_337, %add3A_358 : vector<16xi32>
      tpu.vector_store_idx %arg8[%add3A_357], %add3A_359 : memref<2560xi32, #tpu.memory_space<vmem>>[vector<16xi32>], vector<16xi32>,
      tpu.vector_store_idx %arg9[%add3A_342], %select_n3A_339 : memref<1280xf32, #tpu.memory_space<vmem>>[vector<16xi32>], vector<16xf32>,
      %ge3A_360 = arith.constant 7 : i32
      %ge3A_361 = vector.broadcast %ge3A_360 : i32 to vector<16xi32>
      %ge3A_362 = arith.cmpi sge, %sub3A_76, %ge3A_361 : vector<16xi32>
      %le3A_363 = arith.constant 10 : i32
      %le3A_364 = vector.broadcast %le3A_363 : i32 to vector<16xi32>
      %le3A_365 = arith.cmpi sle, %sub3A_76, %le3A_364 : vector<16xi32>
      %and3A_366 = arith.andi %ge3A_362, %le3A_365 : vector<16xi1>
      %add3A_367 = arith.constant 1 : i32
      %add3A_368 = vector.broadcast %add3A_367 : i32 to vector<16xi32>
      %add3A_369 = arith.addi %get3A_71, %add3A_368 : vector<16xi32>
      %mul3A_370 = arith.constant 5 : i32
      %mul3A_371 = vector.broadcast %mul3A_370 : i32 to vector<16xi32>
      %mul3A_372 = arith.muli %mul3A_371, %shift_right_arithmetic3A_83 : vector<16xi32>
      %add3A_373 = arith.addi %add3A_369, %mul3A_372 : vector<16xi32>
      %add3A_374 = arith.addi %add3A_373, %and3A_86 : vector<16xi32>
      %add3A_375 = arith.constant 5 : i32
      %add3A_376 = vector.broadcast %add3A_375 : i32 to vector<16xi32>
      %add3A_377 = arith.addi %get3A_71, %add3A_376 : vector<16xi32>
      %add3A_378 = arith.constant 1 : i32
      %add3A_379 = vector.broadcast %add3A_378 : i32 to vector<16xi32>
      %add3A_380 = arith.addi %add3A_377, %add3A_379 : vector<16xi32>
      %jit3A_381 = arith.constant 0 : i32
      %broadcast_in_dim3A_382 = vector.broadcast %jit3A_381 : i32 to vector<16xi32>
      %select_n3A_383 = arith.select %and3A_366, %add3A_380, %broadcast_in_dim3A_382 : vector<16xi1>, vector<16xi32>
      %select_n3A_384 = arith.select %gt3A_88, %add3A_374, %select_n3A_383 : vector<16xi1>, vector<16xi32>
      %add3A_385 = arith.constant 1 : i32
      %add3A_386 = vector.broadcast %add3A_385 : i32 to vector<16xi32>
      %add3A_387 = arith.addi %get3A_71, %add3A_386 : vector<16xi32>
      %mul3A_388 = arith.constant 4 : i32
      %mul3A_389 = vector.broadcast %mul3A_388 : i32 to vector<16xi32>
      %mul3A_390 = arith.muli %mul3A_389, %shift_right_arithmetic3A_83 : vector<16xi32>
      %add3A_391 = arith.addi %add3A_387, %mul3A_390 : vector<16xi32>
      %add3A_392 = arith.constant 5 : i32
      %add3A_393 = vector.broadcast %add3A_392 : i32 to vector<16xi32>
      %add3A_394 = arith.addi %get3A_71, %add3A_393 : vector<16xi32>
      %jit3A_395 = arith.constant 0 : i32
      %broadcast_in_dim3A_396 = vector.broadcast %jit3A_395 : i32 to vector<16xi32>
      %select_n3A_397 = arith.select %and3A_366, %add3A_394, %broadcast_in_dim3A_396 : vector<16xi1>, vector<16xi32>
      %select_n3A_398 = arith.select %gt3A_88, %add3A_391, %select_n3A_397 : vector<16xi1>, vector<16xi32>
      %select_n3A_399 = arith.select %and3A_366, %broadcast_in_dim3A_23, %broadcast_in_dim3A_25 : vector<16xi1>, vector<16xf32>
      %select_n3A_400 = arith.select %gt3A_88, %div3A_95, %select_n3A_399 : vector<16xi1>, vector<16xf32>
      %add3A_401 = arith.constant 640 : i32
      %add3A_402 = vector.broadcast %add3A_401 : i32 to vector<16xi32>
      %add3A_403 = arith.addi %add3A_402, %add3A_68 : vector<16xi32>
      %shift_right_arithmetic3A_404 = arith.constant 4 : i32
      %shift_right_arithmetic3A_405 = vector.broadcast %shift_right_arithmetic3A_404 : i32 to vector<16xi32>
      %shift_right_arithmetic3A_406 = arith.shrsi %add3A_403, %shift_right_arithmetic3A_405 : vector<16xi32>
      %shift_left3A_407 = arith.constant 5 : i32
      %shift_left3A_408 = vector.broadcast %shift_left3A_407 : i32 to vector<16xi32>
      %shift_left3A_409 = arith.shli %shift_right_arithmetic3A_406, %shift_left3A_408 : vector<16xi32>
      %and3A_410 = arith.constant 15 : i32
      %and3A_411 = vector.broadcast %and3A_410 : i32 to vector<16xi32>
      %and3A_412 = arith.andi %add3A_403, %and3A_411 : vector<16xi32>
      %add3A_413 = arith.addi %shift_left3A_409, %and3A_412 : vector<16xi32>
      %add3A_414 = vector.broadcast %mul3A_20 : i32 to vector<16xi32>
      %add3A_415 = arith.addi %select_n3A_384, %add3A_414 : vector<16xi32>
      tpu.vector_store_idx %arg8[%add3A_413], %add3A_415 : memref<2560xi32, #tpu.memory_space<vmem>>[vector<16xi32>], vector<16xi32>,
      %add3A_416 = arith.constant 16 : i32
      %add3A_417 = vector.broadcast %add3A_416 : i32 to vector<16xi32>
      %add3A_418 = arith.addi %add3A_413, %add3A_417 : vector<16xi32>
      %add3A_419 = vector.broadcast %mul3A_20 : i32 to vector<16xi32>
      %add3A_420 = arith.addi %select_n3A_398, %add3A_419 : vector<16xi32>
      tpu.vector_store_idx %arg8[%add3A_418], %add3A_420 : memref<2560xi32, #tpu.memory_space<vmem>>[vector<16xi32>], vector<16xi32>,
      tpu.vector_store_idx %arg9[%add3A_403], %select_n3A_400 : memref<1280xf32, #tpu.memory_space<vmem>>[vector<16xi32>], vector<16xf32>,
      %ge3A_421 = arith.constant 8 : i32
      %ge3A_422 = vector.broadcast %ge3A_421 : i32 to vector<16xi32>
      %ge3A_423 = arith.cmpi sge, %sub3A_76, %ge3A_422 : vector<16xi32>
      %le3A_424 = arith.constant 10 : i32
      %le3A_425 = vector.broadcast %le3A_424 : i32 to vector<16xi32>
      %le3A_426 = arith.cmpi sle, %sub3A_76, %le3A_425 : vector<16xi32>
      %and3A_427 = arith.andi %ge3A_423, %le3A_426 : vector<16xi1>
      %add3A_428 = arith.constant 1 : i32
      %add3A_429 = vector.broadcast %add3A_428 : i32 to vector<16xi32>
      %add3A_430 = arith.addi %get3A_71, %add3A_429 : vector<16xi32>
      %mul3A_431 = arith.constant 6 : i32
      %mul3A_432 = vector.broadcast %mul3A_431 : i32 to vector<16xi32>
      %mul3A_433 = arith.muli %mul3A_432, %shift_right_arithmetic3A_83 : vector<16xi32>
      %add3A_434 = arith.addi %add3A_430, %mul3A_433 : vector<16xi32>
      %add3A_435 = arith.addi %add3A_434, %and3A_86 : vector<16xi32>
      %add3A_436 = arith.constant 6 : i32
      %add3A_437 = vector.broadcast %add3A_436 : i32 to vector<16xi32>
      %add3A_438 = arith.addi %get3A_71, %add3A_437 : vector<16xi32>
      %add3A_439 = arith.constant 1 : i32
      %add3A_440 = vector.broadcast %add3A_439 : i32 to vector<16xi32>
      %add3A_441 = arith.addi %add3A_438, %add3A_440 : vector<16xi32>
      %jit3A_442 = arith.constant 0 : i32
      %broadcast_in_dim3A_443 = vector.broadcast %jit3A_442 : i32 to vector<16xi32>
      %select_n3A_444 = arith.select %and3A_427, %add3A_441, %broadcast_in_dim3A_443 : vector<16xi1>, vector<16xi32>
      %select_n3A_445 = arith.select %gt3A_88, %add3A_435, %select_n3A_444 : vector<16xi1>, vector<16xi32>
      %add3A_446 = arith.constant 1 : i32
      %add3A_447 = vector.broadcast %add3A_446 : i32 to vector<16xi32>
      %add3A_448 = arith.addi %get3A_71, %add3A_447 : vector<16xi32>
      %mul3A_449 = arith.constant 5 : i32
      %mul3A_450 = vector.broadcast %mul3A_449 : i32 to vector<16xi32>
      %mul3A_451 = arith.muli %mul3A_450, %shift_right_arithmetic3A_83 : vector<16xi32>
      %add3A_452 = arith.addi %add3A_448, %mul3A_451 : vector<16xi32>
      %add3A_453 = arith.constant 6 : i32
      %add3A_454 = vector.broadcast %add3A_453 : i32 to vector<16xi32>
      %add3A_455 = arith.addi %get3A_71, %add3A_454 : vector<16xi32>
      %jit3A_456 = arith.constant 0 : i32
      %broadcast_in_dim3A_457 = vector.broadcast %jit3A_456 : i32 to vector<16xi32>
      %select_n3A_458 = arith.select %and3A_427, %add3A_455, %broadcast_in_dim3A_457 : vector<16xi1>, vector<16xi32>
      %select_n3A_459 = arith.select %gt3A_88, %add3A_452, %select_n3A_458 : vector<16xi1>, vector<16xi32>
      %select_n3A_460 = arith.select %and3A_427, %broadcast_in_dim3A_23, %broadcast_in_dim3A_25 : vector<16xi1>, vector<16xf32>
      %select_n3A_461 = arith.select %gt3A_88, %div3A_95, %select_n3A_460 : vector<16xi1>, vector<16xf32>
      %add3A_462 = arith.constant 768 : i32
      %add3A_463 = vector.broadcast %add3A_462 : i32 to vector<16xi32>
      %add3A_464 = arith.addi %add3A_463, %add3A_68 : vector<16xi32>
      %shift_right_arithmetic3A_465 = arith.constant 4 : i32
      %shift_right_arithmetic3A_466 = vector.broadcast %shift_right_arithmetic3A_465 : i32 to vector<16xi32>
      %shift_right_arithmetic3A_467 = arith.shrsi %add3A_464, %shift_right_arithmetic3A_466 : vector<16xi32>
      %shift_left3A_468 = arith.constant 5 : i32
      %shift_left3A_469 = vector.broadcast %shift_left3A_468 : i32 to vector<16xi32>
      %shift_left3A_470 = arith.shli %shift_right_arithmetic3A_467, %shift_left3A_469 : vector<16xi32>
      %and3A_471 = arith.constant 15 : i32
      %and3A_472 = vector.broadcast %and3A_471 : i32 to vector<16xi32>
      %and3A_473 = arith.andi %add3A_464, %and3A_472 : vector<16xi32>
      %add3A_474 = arith.addi %shift_left3A_470, %and3A_473 : vector<16xi32>
      %add3A_475 = vector.broadcast %mul3A_20 : i32 to vector<16xi32>
      %add3A_476 = arith.addi %select_n3A_445, %add3A_475 : vector<16xi32>
      tpu.vector_store_idx %arg8[%add3A_474], %add3A_476 : memref<2560xi32, #tpu.memory_space<vmem>>[vector<16xi32>], vector<16xi32>,
      %add3A_477 = arith.constant 16 : i32
      %add3A_478 = vector.broadcast %add3A_477 : i32 to vector<16xi32>
      %add3A_479 = arith.addi %add3A_474, %add3A_478 : vector<16xi32>
      %add3A_480 = vector.broadcast %mul3A_20 : i32 to vector<16xi32>
      %add3A_481 = arith.addi %select_n3A_459, %add3A_480 : vector<16xi32>
      tpu.vector_store_idx %arg8[%add3A_479], %add3A_481 : memref<2560xi32, #tpu.memory_space<vmem>>[vector<16xi32>], vector<16xi32>,
      tpu.vector_store_idx %arg9[%add3A_464], %select_n3A_461 : memref<1280xf32, #tpu.memory_space<vmem>>[vector<16xi32>], vector<16xf32>,
      %ge3A_482 = arith.constant 9 : i32
      %ge3A_483 = vector.broadcast %ge3A_482 : i32 to vector<16xi32>
      %ge3A_484 = arith.cmpi sge, %sub3A_76, %ge3A_483 : vector<16xi32>
      %le3A_485 = arith.constant 10 : i32
      %le3A_486 = vector.broadcast %le3A_485 : i32 to vector<16xi32>
      %le3A_487 = arith.cmpi sle, %sub3A_76, %le3A_486 : vector<16xi32>
      %and3A_488 = arith.andi %ge3A_484, %le3A_487 : vector<16xi1>
      %add3A_489 = arith.constant 1 : i32
      %add3A_490 = vector.broadcast %add3A_489 : i32 to vector<16xi32>
      %add3A_491 = arith.addi %get3A_71, %add3A_490 : vector<16xi32>
      %mul3A_492 = arith.constant 7 : i32
      %mul3A_493 = vector.broadcast %mul3A_492 : i32 to vector<16xi32>
      %mul3A_494 = arith.muli %mul3A_493, %shift_right_arithmetic3A_83 : vector<16xi32>
      %add3A_495 = arith.addi %add3A_491, %mul3A_494 : vector<16xi32>
      %add3A_496 = arith.addi %add3A_495, %and3A_86 : vector<16xi32>
      %add3A_497 = arith.constant 7 : i32
      %add3A_498 = vector.broadcast %add3A_497 : i32 to vector<16xi32>
      %add3A_499 = arith.addi %get3A_71, %add3A_498 : vector<16xi32>
      %add3A_500 = arith.constant 1 : i32
      %add3A_501 = vector.broadcast %add3A_500 : i32 to vector<16xi32>
      %add3A_502 = arith.addi %add3A_499, %add3A_501 : vector<16xi32>
      %jit3A_503 = arith.constant 0 : i32
      %broadcast_in_dim3A_504 = vector.broadcast %jit3A_503 : i32 to vector<16xi32>
      %select_n3A_505 = arith.select %and3A_488, %add3A_502, %broadcast_in_dim3A_504 : vector<16xi1>, vector<16xi32>
      %select_n3A_506 = arith.select %gt3A_88, %add3A_496, %select_n3A_505 : vector<16xi1>, vector<16xi32>
      %add3A_507 = arith.constant 1 : i32
      %add3A_508 = vector.broadcast %add3A_507 : i32 to vector<16xi32>
      %add3A_509 = arith.addi %get3A_71, %add3A_508 : vector<16xi32>
      %mul3A_510 = arith.constant 6 : i32
      %mul3A_511 = vector.broadcast %mul3A_510 : i32 to vector<16xi32>
      %mul3A_512 = arith.muli %mul3A_511, %shift_right_arithmetic3A_83 : vector<16xi32>
      %add3A_513 = arith.addi %add3A_509, %mul3A_512 : vector<16xi32>
      %add3A_514 = arith.constant 7 : i32
      %add3A_515 = vector.broadcast %add3A_514 : i32 to vector<16xi32>
      %add3A_516 = arith.addi %get3A_71, %add3A_515 : vector<16xi32>
      %jit3A_517 = arith.constant 0 : i32
      %broadcast_in_dim3A_518 = vector.broadcast %jit3A_517 : i32 to vector<16xi32>
      %select_n3A_519 = arith.select %and3A_488, %add3A_516, %broadcast_in_dim3A_518 : vector<16xi1>, vector<16xi32>
      %select_n3A_520 = arith.select %gt3A_88, %add3A_513, %select_n3A_519 : vector<16xi1>, vector<16xi32>
      %select_n3A_521 = arith.select %and3A_488, %broadcast_in_dim3A_23, %broadcast_in_dim3A_25 : vector<16xi1>, vector<16xf32>
      %select_n3A_522 = arith.select %gt3A_88, %div3A_95, %select_n3A_521 : vector<16xi1>, vector<16xf32>
      %add3A_523 = arith.constant 896 : i32
      %add3A_524 = vector.broadcast %add3A_523 : i32 to vector<16xi32>
      %add3A_525 = arith.addi %add3A_524, %add3A_68 : vector<16xi32>
      %shift_right_arithmetic3A_526 = arith.constant 4 : i32
      %shift_right_arithmetic3A_527 = vector.broadcast %shift_right_arithmetic3A_526 : i32 to vector<16xi32>
      %shift_right_arithmetic3A_528 = arith.shrsi %add3A_525, %shift_right_arithmetic3A_527 : vector<16xi32>
      %shift_left3A_529 = arith.constant 5 : i32
      %shift_left3A_530 = vector.broadcast %shift_left3A_529 : i32 to vector<16xi32>
      %shift_left3A_531 = arith.shli %shift_right_arithmetic3A_528, %shift_left3A_530 : vector<16xi32>
      %and3A_532 = arith.constant 15 : i32
      %and3A_533 = vector.broadcast %and3A_532 : i32 to vector<16xi32>
      %and3A_534 = arith.andi %add3A_525, %and3A_533 : vector<16xi32>
      %add3A_535 = arith.addi %shift_left3A_531, %and3A_534 : vector<16xi32>
      %add3A_536 = vector.broadcast %mul3A_20 : i32 to vector<16xi32>
      %add3A_537 = arith.addi %select_n3A_506, %add3A_536 : vector<16xi32>
      tpu.vector_store_idx %arg8[%add3A_535], %add3A_537 : memref<2560xi32, #tpu.memory_space<vmem>>[vector<16xi32>], vector<16xi32>,
      %add3A_538 = arith.constant 16 : i32
      %add3A_539 = vector.broadcast %add3A_538 : i32 to vector<16xi32>
      %add3A_540 = arith.addi %add3A_535, %add3A_539 : vector<16xi32>
      %add3A_541 = vector.broadcast %mul3A_20 : i32 to vector<16xi32>
      %add3A_542 = arith.addi %select_n3A_520, %add3A_541 : vector<16xi32>
      tpu.vector_store_idx %arg8[%add3A_540], %add3A_542 : memref<2560xi32, #tpu.memory_space<vmem>>[vector<16xi32>], vector<16xi32>,
      tpu.vector_store_idx %arg9[%add3A_525], %select_n3A_522 : memref<1280xf32, #tpu.memory_space<vmem>>[vector<16xi32>], vector<16xf32>,
      %ge3A_543 = arith.constant 10 : i32
      %ge3A_544 = vector.broadcast %ge3A_543 : i32 to vector<16xi32>
      %ge3A_545 = arith.cmpi sge, %sub3A_76, %ge3A_544 : vector<16xi32>
      %le3A_546 = arith.constant 10 : i32
      %le3A_547 = vector.broadcast %le3A_546 : i32 to vector<16xi32>
      %le3A_548 = arith.cmpi sle, %sub3A_76, %le3A_547 : vector<16xi32>
      %and3A_549 = arith.andi %ge3A_545, %le3A_548 : vector<16xi1>
      %add3A_550 = arith.constant 1 : i32
      %add3A_551 = vector.broadcast %add3A_550 : i32 to vector<16xi32>
      %add3A_552 = arith.addi %get3A_71, %add3A_551 : vector<16xi32>
      %mul3A_553 = arith.constant 8 : i32
      %mul3A_554 = vector.broadcast %mul3A_553 : i32 to vector<16xi32>
      %mul3A_555 = arith.muli %mul3A_554, %shift_right_arithmetic3A_83 : vector<16xi32>
      %add3A_556 = arith.addi %add3A_552, %mul3A_555 : vector<16xi32>
      %add3A_557 = arith.addi %add3A_556, %and3A_86 : vector<16xi32>
      %add3A_558 = arith.constant 8 : i32
      %add3A_559 = vector.broadcast %add3A_558 : i32 to vector<16xi32>
      %add3A_560 = arith.addi %get3A_71, %add3A_559 : vector<16xi32>
      %add3A_561 = arith.constant 1 : i32
      %add3A_562 = vector.broadcast %add3A_561 : i32 to vector<16xi32>
      %add3A_563 = arith.addi %add3A_560, %add3A_562 : vector<16xi32>
      %jit3A_564 = arith.constant 0 : i32
      %broadcast_in_dim3A_565 = vector.broadcast %jit3A_564 : i32 to vector<16xi32>
      %select_n3A_566 = arith.select %and3A_549, %add3A_563, %broadcast_in_dim3A_565 : vector<16xi1>, vector<16xi32>
      %select_n3A_567 = arith.select %gt3A_88, %add3A_557, %select_n3A_566 : vector<16xi1>, vector<16xi32>
      %add3A_568 = arith.constant 1 : i32
      %add3A_569 = vector.broadcast %add3A_568 : i32 to vector<16xi32>
      %add3A_570 = arith.addi %get3A_71, %add3A_569 : vector<16xi32>
      %mul3A_571 = arith.constant 7 : i32
      %mul3A_572 = vector.broadcast %mul3A_571 : i32 to vector<16xi32>
      %mul3A_573 = arith.muli %mul3A_572, %shift_right_arithmetic3A_83 : vector<16xi32>
      %add3A_574 = arith.addi %add3A_570, %mul3A_573 : vector<16xi32>
      %add3A_575 = arith.constant 8 : i32
      %add3A_576 = vector.broadcast %add3A_575 : i32 to vector<16xi32>
      %add3A_577 = arith.addi %get3A_71, %add3A_576 : vector<16xi32>
      %jit3A_578 = arith.constant 0 : i32
      %broadcast_in_dim3A_579 = vector.broadcast %jit3A_578 : i32 to vector<16xi32>
      %select_n3A_580 = arith.select %and3A_549, %add3A_577, %broadcast_in_dim3A_579 : vector<16xi1>, vector<16xi32>
      %select_n3A_581 = arith.select %gt3A_88, %add3A_574, %select_n3A_580 : vector<16xi1>, vector<16xi32>
      %select_n3A_582 = arith.select %and3A_549, %broadcast_in_dim3A_23, %broadcast_in_dim3A_25 : vector<16xi1>, vector<16xf32>
      %select_n3A_583 = arith.select %gt3A_88, %div3A_95, %select_n3A_582 : vector<16xi1>, vector<16xf32>
      %add3A_584 = arith.constant 1024 : i32
      %add3A_585 = vector.broadcast %add3A_584 : i32 to vector<16xi32>
      %add3A_586 = arith.addi %add3A_585, %add3A_68 : vector<16xi32>
      %shift_right_arithmetic3A_587 = arith.constant 4 : i32
      %shift_right_arithmetic3A_588 = vector.broadcast %shift_right_arithmetic3A_587 : i32 to vector<16xi32>
      %shift_right_arithmetic3A_589 = arith.shrsi %add3A_586, %shift_right_arithmetic3A_588 : vector<16xi32>
      %shift_left3A_590 = arith.constant 5 : i32
      %shift_left3A_591 = vector.broadcast %shift_left3A_590 : i32 to vector<16xi32>
      %shift_left3A_592 = arith.shli %shift_right_arithmetic3A_589, %shift_left3A_591 : vector<16xi32>
      %and3A_593 = arith.constant 15 : i32
      %and3A_594 = vector.broadcast %and3A_593 : i32 to vector<16xi32>
      %and3A_595 = arith.andi %add3A_586, %and3A_594 : vector<16xi32>
      %add3A_596 = arith.addi %shift_left3A_592, %and3A_595 : vector<16xi32>
      %add3A_597 = vector.broadcast %mul3A_20 : i32 to vector<16xi32>
      %add3A_598 = arith.addi %select_n3A_567, %add3A_597 : vector<16xi32>
      tpu.vector_store_idx %arg8[%add3A_596], %add3A_598 : memref<2560xi32, #tpu.memory_space<vmem>>[vector<16xi32>], vector<16xi32>,
      %add3A_599 = arith.constant 16 : i32
      %add3A_600 = vector.broadcast %add3A_599 : i32 to vector<16xi32>
      %add3A_601 = arith.addi %add3A_596, %add3A_600 : vector<16xi32>
      %add3A_602 = vector.broadcast %mul3A_20 : i32 to vector<16xi32>
      %add3A_603 = arith.addi %select_n3A_581, %add3A_602 : vector<16xi32>
      tpu.vector_store_idx %arg8[%add3A_601], %add3A_603 : memref<2560xi32, #tpu.memory_space<vmem>>[vector<16xi32>], vector<16xi32>,
      tpu.vector_store_idx %arg9[%add3A_586], %select_n3A_583 : memref<1280xf32, #tpu.memory_space<vmem>>[vector<16xi32>], vector<16xf32>,
      %gt3A_604 = arith.constant 1 : i32
      %gt3A_605 = vector.broadcast %gt3A_604 : i32 to vector<16xi32>
      %gt3A_606 = arith.cmpi sgt, %sub3A_76, %gt3A_605 : vector<16xi32>
      %jit3A_607 = arith.constant 0 : i32
      %broadcast_in_dim3A_608 = vector.broadcast %jit3A_607 : i32 to vector<16xi32>
      %select_n3A_609 = arith.select %gt3A_606, %get3A_75, %broadcast_in_dim3A_608 : vector<16xi1>, vector<16xi32>
      %sub3A_610 = arith.constant 1 : i32
      %sub3A_611 = vector.broadcast %sub3A_610 : i32 to vector<16xi32>
      %sub3A_612 = arith.subi %get3A_75, %sub3A_611 : vector<16xi32>
      %jit3A_613 = arith.constant 0 : i32
      %broadcast_in_dim3A_614 = vector.broadcast %jit3A_613 : i32 to vector<16xi32>
      %select_n3A_615 = arith.select %gt3A_606, %sub3A_612, %broadcast_in_dim3A_614 : vector<16xi1>, vector<16xi32>
      %select_n3A_616 = arith.select %gt3A_606, %broadcast_in_dim3A_23, %broadcast_in_dim3A_25 : vector<16xi1>, vector<16xf32>
      %add3A_617 = arith.constant 1152 : i32
      %add3A_618 = vector.broadcast %add3A_617 : i32 to vector<16xi32>
      %add3A_619 = arith.addi %add3A_618, %add3A_68 : vector<16xi32>
      %shift_right_arithmetic3A_620 = arith.constant 4 : i32
      %shift_right_arithmetic3A_621 = vector.broadcast %shift_right_arithmetic3A_620 : i32 to vector<16xi32>
      %shift_right_arithmetic3A_622 = arith.shrsi %add3A_619, %shift_right_arithmetic3A_621 : vector<16xi32>
      %shift_left3A_623 = arith.constant 5 : i32
      %shift_left3A_624 = vector.broadcast %shift_left3A_623 : i32 to vector<16xi32>
      %shift_left3A_625 = arith.shli %shift_right_arithmetic3A_622, %shift_left3A_624 : vector<16xi32>
      %and3A_626 = arith.constant 15 : i32
      %and3A_627 = vector.broadcast %and3A_626 : i32 to vector<16xi32>
      %and3A_628 = arith.andi %add3A_619, %and3A_627 : vector<16xi32>
      %add3A_629 = arith.addi %shift_left3A_625, %and3A_628 : vector<16xi32>
      %add3A_630 = vector.broadcast %mul3A_20 : i32 to vector<16xi32>
      %add3A_631 = arith.addi %select_n3A_609, %add3A_630 : vector<16xi32>
      tpu.vector_store_idx %arg8[%add3A_629], %add3A_631 : memref<2560xi32, #tpu.memory_space<vmem>>[vector<16xi32>], vector<16xi32>,
      %add3A_632 = arith.constant 16 : i32
      %add3A_633 = vector.broadcast %add3A_632 : i32 to vector<16xi32>
      %add3A_634 = arith.addi %add3A_629, %add3A_633 : vector<16xi32>
      %add3A_635 = vector.broadcast %mul3A_20 : i32 to vector<16xi32>
      %add3A_636 = arith.addi %select_n3A_615, %add3A_635 : vector<16xi32>
      tpu.vector_store_idx %arg8[%add3A_634], %add3A_636 : memref<2560xi32, #tpu.memory_space<vmem>>[vector<16xi32>], vector<16xi32>,
      tpu.vector_store_idx %arg9[%add3A_619], %select_n3A_616 : memref<1280xf32, #tpu.memory_space<vmem>>[vector<16xi32>], vector<16xf32>,
    }
    %scan3A_30 = arith.constant 8 : i32
    %dma_start3A = arith.constant 0 : i32
    %dma_start3A_31 = tpu.memref_slice %arg8[%dma_start3A] : memref<2560xi32, #tpu.memory_space<vmem>> -> memref<32xi32, #tpu.memory_space<vmem>>
    %dma_start3A_32 = arith.constant 0 : i32
    %dma_start3A_33 = arith.constant 0 : i32
    %dma_start3A_34 = tpu.memref_slice %arg2[%dma_start3A_32, %dma_start3A_33] : memref<16448x1024xf32, #tpu.memory_space<hbm>> -> memref<16448x1024xf32, #tpu.memory_space<hbm>>
    tpu.enqueue_indirect_dma source(%dma_start3A_34 : memref<16448x1024xf32, #tpu.memory_space<hbm>>) target(%arg10 : memref<32x1024xf32, #tpu.memory_space<vmem>>) offsets(%dma_start3A_31 : memref<32xi32, #tpu.memory_space<vmem>>) semaphore(%arg12 : memref<!tpu.dma_semaphore, #tpu.memory_space<semaphore_mem>>)
    %scan3A_35 = arith.constant 0 : i32
    %scan3A_36 = arith.constant 0 : i32
    %scan3A_37 = arith.constant 40 : i32
    %scan3A_38 = arith.addi %scan3A_36, %scan3A_37 : i32
    %scan3A_39 = arith.constant 1 : i32
    scf.for %scan3A_64 = %scan3A_36 to %scan3A_38 step %scan3A_39  : i32 {
      %mul3A_65 = arith.constant 2 : i32
      %mul3A_66 = arith.muli %scan3A_64, %mul3A_65 : i32
      %add3A_67 = arith.constant 0 : i32
      %add3A_68 = arith.addi %mul3A_66, %add3A_67 : i32
      %add3A_69 = arith.constant 1 : i32
      %add3A_70 = arith.addi %add3A_68, %add3A_69 : i32
      %lt3A = arith.constant 80 : i32
      %lt3A_71 = arith.cmpi slt, %add3A_70, %lt3A : i32
      %convert_element_type3A = arith.extui %lt3A_71 : i1 to i32
      %cond3A = arith.constant 0 : i32
      %cond3A_72 = arith.cmpi ne, %convert_element_type3A, %cond3A : i32
      scf.if %cond3A_72 {
        %ge3A = arith.constant 1 : i32
        %ge3A_145 = arith.cmpi sge, %add3A_68, %ge3A : i32
        %convert_element_type3A_146 = arith.extui %ge3A_145 : i1 to i32
        %cond3A_147 = arith.constant 0 : i32
        %cond3A_148 = arith.cmpi ne, %convert_element_type3A_146, %cond3A_147 : i32
        scf.if %cond3A_148 {
          %sub3A_157 = arith.constant 2 : i32
          %sub3A_158 = arith.subi %add3A_70, %sub3A_157 : i32
          %shift_right_arithmetic3A_159 = arith.constant 3 : i32
          %shift_right_arithmetic3A_160 = arith.shrsi %sub3A_158, %shift_right_arithmetic3A_159 : i32
          %and3A_161 = arith.constant 7 : i32
          %and3A_162 = arith.andi %sub3A_158, %and3A_161 : i32
          %mul3A_163 = arith.constant 16 : i32
          %mul3A_164 = arith.muli %and3A_162, %mul3A_163 : i32
          %add3A_165 = arith.addi %mul3A_2, %mul3A_164 : i32
          %mul3A_166 = arith.constant 1024 : i32
          %mul3A_167 = arith.muli %shift_right_arithmetic3A_160, %mul3A_166 : i32
          %dma_wait3A_168 = arith.constant 0 : i32
          %dma_wait3A_169 = arith.constant 0 : i32
          %dma_wait3A_170 = tpu.memref_slice %arg11[%dma_wait3A_168, %dma_wait3A_169] : memref<32x1024xf32, #tpu.memory_space<vmem>> -> memref<16x1024xf32, #tpu.memory_space<vmem>>
          %dma_wait3A_171 = tpu.memref_slice %arg5[%add3A_165, %mul3A_167] : memref<4096x10240xf32, #tpu.memory_space<hbm>> -> memref<16x1024xf32, #tpu.memory_space<hbm>>
          %dma_wait3A_172 = tpu.memref_slice %arg5[%add3A_165, %mul3A_167] : memref<4096x10240xf32, #tpu.memory_space<hbm>> -> memref<16x1024xf32, #tpu.memory_space<hbm>>
          %dma_wait3A_173 = arith.constant 0 : i32
          %dma_wait3A_174 = arith.constant 0 : i32
          %dma_wait3A_175 = tpu.memref_slice %arg11[%dma_wait3A_173, %dma_wait3A_174] : memref<32x1024xf32, #tpu.memory_space<vmem>> -> memref<16x1024xf32, #tpu.memory_space<vmem>>
          tpu.wait_dma2 semaphore(%arg15 : memref<!tpu.dma_semaphore, #tpu.memory_space<semaphore_mem>>) src(%dma_wait3A_175 : memref<16x1024xf32, #tpu.memory_space<vmem>>) dst(%dma_wait3A_172 : memref<16x1024xf32, #tpu.memory_space<hbm>>)
        } else {
        }
        %mul3A_149 = arith.constant 2 : i32
        %mul3A_150 = arith.muli %add3A_70, %mul3A_149 : i32
        %mul3A_151 = arith.constant 16 : i32
        %mul3A_152 = arith.muli %mul3A_150, %mul3A_151 : i32
        %dma_start3A_153 = tpu.memref_slice %arg8[%mul3A_152] : memref<2560xi32, #tpu.memory_space<vmem>> -> memref<32xi32, #tpu.memory_space<vmem>>
        %dma_start3A_154 = arith.constant 0 : i32
        %dma_start3A_155 = arith.constant 0 : i32
        %dma_start3A_156 = tpu.memref_slice %arg2[%dma_start3A_154, %dma_start3A_155] : memref<16448x1024xf32, #tpu.memory_space<hbm>> -> memref<16448x1024xf32, #tpu.memory_space<hbm>>
        tpu.enqueue_indirect_dma source(%dma_start3A_156 : memref<16448x1024xf32, #tpu.memory_space<hbm>>) target(%arg11 : memref<32x1024xf32, #tpu.memory_space<vmem>>) offsets(%dma_start3A_153 : memref<32xi32, #tpu.memory_space<vmem>>) semaphore(%arg13 : memref<!tpu.dma_semaphore, #tpu.memory_space<semaphore_mem>>)
      } else {
      }
      %mul3A_73 = arith.constant 2 : i32
      %mul3A_74 = arith.muli %add3A_68, %mul3A_73 : i32
      %mul3A_75 = arith.constant 16 : i32
      %mul3A_76 = arith.muli %mul3A_74, %mul3A_75 : i32
      %dma_wait3A_77 = tpu.memref_slice %arg8[%mul3A_76] : memref<2560xi32, #tpu.memory_space<vmem>> -> memref<32xi32, #tpu.memory_space<vmem>>
      %dma_wait3A_78 = arith.constant 0 : i32
      %dma_wait3A_79 = arith.constant 0 : i32
      %dma_wait3A_80 = tpu.memref_slice %arg2[%dma_wait3A_78, %dma_wait3A_79] : memref<16448x1024xf32, #tpu.memory_space<hbm>> -> memref<16448x1024xf32, #tpu.memory_space<hbm>>
      tpu.wait_indirect_dma semaphore(%arg12 : memref<!tpu.dma_semaphore, #tpu.memory_space<semaphore_mem>>) src(%dma_wait3A_80 : memref<16448x1024xf32, #tpu.memory_space<hbm>>) dst(%arg10 : memref<32x1024xf32, #tpu.memory_space<vmem>>)
      %scan3A_81 = arith.constant 0 : i32
      %scan3A_82 = arith.constant 0 : i32
      %scan3A_83 = arith.constant 16 : i32
      %scan3A_84 = arith.addi %scan3A_82, %scan3A_83 : i32
      %scan3A_85 = arith.constant 1 : i32
      scf.for %scan3A_145 = %scan3A_82 to %scan3A_84 step %scan3A_85  : i32 {
        %mul3A_146 = arith.constant 16 : i32
        %mul3A_147 = arith.muli %add3A_68, %mul3A_146 : i32
        %add3A_148 = arith.addi %mul3A_147, %scan3A_145 : i32
        %add3A_149 = vector.broadcast %add3A_148 : i32 to vector<16xi32>
        %add3A_150 = arith.addi %broadcast_in_dim3A_21, %add3A_149 : vector<16xi32>
        %gather3A = tpu.vector_load_idx %arg9[%add3A_150] : memref<1280xf32, #tpu.memory_space<vmem>>[vector<16xi32>], vector<16xf32>,
        %scan3A_151 = arith.constant 0 : i32
        %scan3A_152 = arith.constant 0 : i32
        %scan3A_153 = arith.constant 4 : i32
        %scan3A_154 = arith.addi %scan3A_152, %scan3A_153 : i32
        %scan3A_155 = arith.constant 1 : i32
        scf.for %scan3A_157 = %scan3A_152 to %scan3A_154 step %scan3A_155  : i32 {
          %mul3A_158 = arith.constant 16 : i32
          %mul3A_159 = arith.muli %scan3A_157, %mul3A_158 : i32
          %mul3A_160 = arith.constant 16 : i32
          %mul3A_161 = arith.muli %mul3A_159, %mul3A_160 : i32
          %add3A_162 = arith.constant 0 : i32
          %add3A_163 = arith.addi %mul3A_161, %add3A_162 : i32
          %get3A = arith.index_cast %scan3A_145 : i32 to index
          %get3A_164 = arith.index_cast %add3A_163 : i32 to index
          %get3A_165 = tpu.vector_load %arg10[%get3A, %get3A_164] {strides = array<i32>} : memref<32x1024xf32, #tpu.memory_space<vmem>>, vector<16xf32>,
          %add3A_166 = arith.constant 16 : i32
          %add3A_167 = arith.addi %scan3A_145, %add3A_166 : i32
          %get3A_168 = arith.index_cast %add3A_167 : i32 to index
          %get3A_169 = arith.index_cast %add3A_163 : i32 to index
          %get3A_170 = tpu.vector_load %arg10[%get3A_168, %get3A_169] {strides = array<i32>} : memref<32x1024xf32, #tpu.memory_space<vmem>>, vector<16xf32>,
          %sub3A_171 = arith.subf %get3A_165, %get3A_170 : vector<16xf32>
          %mul3A_172 = arith.mulf %sub3A_171, %gather3A : vector<16xf32>
          %swap3A = arith.index_cast %scan3A_145 : i32 to index
          %swap3A_173 = arith.index_cast %add3A_163 : i32 to index
          %swap3A_174 = tpu.vector_load %arg10[%swap3A, %swap3A_173] {strides = array<i32>} : memref<32x1024xf32, #tpu.memory_space<vmem>>, vector<16xf32>,
          tpu.vector_store %arg10[%swap3A, %swap3A_173], %mul3A_172 {strides = array<i32>} : memref<32x1024xf32, #tpu.memory_space<vmem>>, vector<16xf32>,
          %mul3A_175 = arith.constant 16 : i32
          %mul3A_176 = arith.muli %scan3A_157, %mul3A_175 : i32
          %mul3A_177 = arith.constant 16 : i32
          %mul3A_178 = arith.muli %mul3A_176, %mul3A_177 : i32
          %add3A_179 = arith.constant 16 : i32
          %add3A_180 = arith.addi %mul3A_178, %add3A_179 : i32
          %get3A_181 = arith.index_cast %scan3A_145 : i32 to index
          %get3A_182 = arith.index_cast %add3A_180 : i32 to index
          %get3A_183 = tpu.vector_load %arg10[%get3A_181, %get3A_182] {strides = array<i32>} : memref<32x1024xf32, #tpu.memory_space<vmem>>, vector<16xf32>,
          %add3A_184 = arith.constant 16 : i32
          %add3A_185 = arith.addi %scan3A_145, %add3A_184 : i32
          %get3A_186 = arith.index_cast %add3A_185 : i32 to index
          %get3A_187 = arith.index_cast %add3A_180 : i32 to index
          %get3A_188 = tpu.vector_load %arg10[%get3A_186, %get3A_187] {strides = array<i32>} : memref<32x1024xf32, #tpu.memory_space<vmem>>, vector<16xf32>,
          %sub3A_189 = arith.subf %get3A_183, %get3A_188 : vector<16xf32>
          %mul3A_190 = arith.mulf %sub3A_189, %gather3A : vector<16xf32>
          %swap3A_191 = arith.index_cast %scan3A_145 : i32 to index
          %swap3A_192 = arith.index_cast %add3A_180 : i32 to index
          %swap3A_193 = tpu.vector_load %arg10[%swap3A_191, %swap3A_192] {strides = array<i32>} : memref<32x1024xf32, #tpu.memory_space<vmem>>, vector<16xf32>,
          tpu.vector_store %arg10[%swap3A_191, %swap3A_192], %mul3A_190 {strides = array<i32>} : memref<32x1024xf32, #tpu.memory_space<vmem>>, vector<16xf32>,
          %mul3A_194 = arith.constant 16 : i32
          %mul3A_195 = arith.muli %scan3A_157, %mul3A_194 : i32
          %mul3A_196 = arith.constant 16 : i32
          %mul3A_197 = arith.muli %mul3A_195, %mul3A_196 : i32
          %add3A_198 = arith.constant 32 : i32
          %add3A_199 = arith.addi %mul3A_197, %add3A_198 : i32
          %get3A_200 = arith.index_cast %scan3A_145 : i32 to index
          %get3A_201 = arith.index_cast %add3A_199 : i32 to index
          %get3A_202 = tpu.vector_load %arg10[%get3A_200, %get3A_201] {strides = array<i32>} : memref<32x1024xf32, #tpu.memory_space<vmem>>, vector<16xf32>,
          %add3A_203 = arith.constant 16 : i32
          %add3A_204 = arith.addi %scan3A_145, %add3A_203 : i32
          %get3A_205 = arith.index_cast %add3A_204 : i32 to index
          %get3A_206 = arith.index_cast %add3A_199 : i32 to index
          %get3A_207 = tpu.vector_load %arg10[%get3A_205, %get3A_206] {strides = array<i32>} : memref<32x1024xf32, #tpu.memory_space<vmem>>, vector<16xf32>,
          %sub3A_208 = arith.subf %get3A_202, %get3A_207 : vector<16xf32>
          %mul3A_209 = arith.mulf %sub3A_208, %gather3A : vector<16xf32>
          %swap3A_210 = arith.index_cast %scan3A_145 : i32 to index
          %swap3A_211 = arith.index_cast %add3A_199 : i32 to index
          %swap3A_212 = tpu.vector_load %arg10[%swap3A_210, %swap3A_211] {strides = array<i32>} : memref<32x1024xf32, #tpu.memory_space<vmem>>, vector<16xf32>,
          tpu.vector_store %arg10[%swap3A_210, %swap3A_211], %mul3A_209 {strides = array<i32>} : memref<32x1024xf32, #tpu.memory_space<vmem>>, vector<16xf32>,
          %mul3A_213 = arith.constant 16 : i32
          %mul3A_214 = arith.muli %scan3A_157, %mul3A_213 : i32
          %mul3A_215 = arith.constant 16 : i32
          %mul3A_216 = arith.muli %mul3A_214, %mul3A_215 : i32
          %add3A_217 = arith.constant 48 : i32
          %add3A_218 = arith.addi %mul3A_216, %add3A_217 : i32
          %get3A_219 = arith.index_cast %scan3A_145 : i32 to index
          %get3A_220 = arith.index_cast %add3A_218 : i32 to index
          %get3A_221 = tpu.vector_load %arg10[%get3A_219, %get3A_220] {strides = array<i32>} : memref<32x1024xf32, #tpu.memory_space<vmem>>, vector<16xf32>,
          %add3A_222 = arith.constant 16 : i32
          %add3A_223 = arith.addi %scan3A_145, %add3A_222 : i32
          %get3A_224 = arith.index_cast %add3A_223 : i32 to index
          %get3A_225 = arith.index_cast %add3A_218 : i32 to index
          %get3A_226 = tpu.vector_load %arg10[%get3A_224, %get3A_225] {strides = array<i32>} : memref<32x1024xf32, #tpu.memory_space<vmem>>, vector<16xf32>,
          %sub3A_227 = arith.subf %get3A_221, %get3A_226 : vector<16xf32>
          %mul3A_228 = arith.mulf %sub3A_227, %gather3A : vector<16xf32>
          %swap3A_229 = arith.index_cast %scan3A_145 : i32 to index
          %swap3A_230 = arith.index_cast %add3A_218 : i32 to index
          %swap3A_231 = tpu.vector_load %arg10[%swap3A_229, %swap3A_230] {strides = array<i32>} : memref<32x1024xf32, #tpu.memory_space<vmem>>, vector<16xf32>,
          tpu.vector_store %arg10[%swap3A_229, %swap3A_230], %mul3A_228 {strides = array<i32>} : memref<32x1024xf32, #tpu.memory_space<vmem>>, vector<16xf32>,
          %mul3A_232 = arith.constant 16 : i32
          %mul3A_233 = arith.muli %scan3A_157, %mul3A_232 : i32
          %mul3A_234 = arith.constant 16 : i32
          %mul3A_235 = arith.muli %mul3A_233, %mul3A_234 : i32
          %add3A_236 = arith.constant 64 : i32
          %add3A_237 = arith.addi %mul3A_235, %add3A_236 : i32
          %get3A_238 = arith.index_cast %scan3A_145 : i32 to index
          %get3A_239 = arith.index_cast %add3A_237 : i32 to index
          %get3A_240 = tpu.vector_load %arg10[%get3A_238, %get3A_239] {strides = array<i32>} : memref<32x1024xf32, #tpu.memory_space<vmem>>, vector<16xf32>,
          %add3A_241 = arith.constant 16 : i32
          %add3A_242 = arith.addi %scan3A_145, %add3A_241 : i32
          %get3A_243 = arith.index_cast %add3A_242 : i32 to index
          %get3A_244 = arith.index_cast %add3A_237 : i32 to index
          %get3A_245 = tpu.vector_load %arg10[%get3A_243, %get3A_244] {strides = array<i32>} : memref<32x1024xf32, #tpu.memory_space<vmem>>, vector<16xf32>,
          %sub3A_246 = arith.subf %get3A_240, %get3A_245 : vector<16xf32>
          %mul3A_247 = arith.mulf %sub3A_246, %gather3A : vector<16xf32>
          %swap3A_248 = arith.index_cast %scan3A_145 : i32 to index
          %swap3A_249 = arith.index_cast %add3A_237 : i32 to index
          %swap3A_250 = tpu.vector_load %arg10[%swap3A_248, %swap3A_249] {strides = array<i32>} : memref<32x1024xf32, #tpu.memory_space<vmem>>, vector<16xf32>,
          tpu.vector_store %arg10[%swap3A_248, %swap3A_249], %mul3A_247 {strides = array<i32>} : memref<32x1024xf32, #tpu.memory_space<vmem>>, vector<16xf32>,
          %mul3A_251 = arith.constant 16 : i32
          %mul3A_252 = arith.muli %scan3A_157, %mul3A_251 : i32
          %mul3A_253 = arith.constant 16 : i32
          %mul3A_254 = arith.muli %mul3A_252, %mul3A_253 : i32
          %add3A_255 = arith.constant 80 : i32
          %add3A_256 = arith.addi %mul3A_254, %add3A_255 : i32
          %get3A_257 = arith.index_cast %scan3A_145 : i32 to index
          %get3A_258 = arith.index_cast %add3A_256 : i32 to index
          %get3A_259 = tpu.vector_load %arg10[%get3A_257, %get3A_258] {strides = array<i32>} : memref<32x1024xf32, #tpu.memory_space<vmem>>, vector<16xf32>,
          %add3A_260 = arith.constant 16 : i32
          %add3A_261 = arith.addi %scan3A_145, %add3A_260 : i32
          %get3A_262 = arith.index_cast %add3A_261 : i32 to index
          %get3A_263 = arith.index_cast %add3A_256 : i32 to index
          %get3A_264 = tpu.vector_load %arg10[%get3A_262, %get3A_263] {strides = array<i32>} : memref<32x1024xf32, #tpu.memory_space<vmem>>, vector<16xf32>,
          %sub3A_265 = arith.subf %get3A_259, %get3A_264 : vector<16xf32>
          %mul3A_266 = arith.mulf %sub3A_265, %gather3A : vector<16xf32>
          %swap3A_267 = arith.index_cast %scan3A_145 : i32 to index
          %swap3A_268 = arith.index_cast %add3A_256 : i32 to index
          %swap3A_269 = tpu.vector_load %arg10[%swap3A_267, %swap3A_268] {strides = array<i32>} : memref<32x1024xf32, #tpu.memory_space<vmem>>, vector<16xf32>,
          tpu.vector_store %arg10[%swap3A_267, %swap3A_268], %mul3A_266 {strides = array<i32>} : memref<32x1024xf32, #tpu.memory_space<vmem>>, vector<16xf32>,
          %mul3A_270 = arith.constant 16 : i32
          %mul3A_271 = arith.muli %scan3A_157, %mul3A_270 : i32
          %mul3A_272 = arith.constant 16 : i32
          %mul3A_273 = arith.muli %mul3A_271, %mul3A_272 : i32
          %add3A_274 = arith.constant 96 : i32
          %add3A_275 = arith.addi %mul3A_273, %add3A_274 : i32
          %get3A_276 = arith.index_cast %scan3A_145 : i32 to index
          %get3A_277 = arith.index_cast %add3A_275 : i32 to index
          %get3A_278 = tpu.vector_load %arg10[%get3A_276, %get3A_277] {strides = array<i32>} : memref<32x1024xf32, #tpu.memory_space<vmem>>, vector<16xf32>,
          %add3A_279 = arith.constant 16 : i32
          %add3A_280 = arith.addi %scan3A_145, %add3A_279 : i32
          %get3A_281 = arith.index_cast %add3A_280 : i32 to index
          %get3A_282 = arith.index_cast %add3A_275 : i32 to index
          %get3A_283 = tpu.vector_load %arg10[%get3A_281, %get3A_282] {strides = array<i32>} : memref<32x1024xf32, #tpu.memory_space<vmem>>, vector<16xf32>,
          %sub3A_284 = arith.subf %get3A_278, %get3A_283 : vector<16xf32>
          %mul3A_285 = arith.mulf %sub3A_284, %gather3A : vector<16xf32>
          %swap3A_286 = arith.index_cast %scan3A_145 : i32 to index
          %swap3A_287 = arith.index_cast %add3A_275 : i32 to index
          %swap3A_288 = tpu.vector_load %arg10[%swap3A_286, %swap3A_287] {strides = array<i32>} : memref<32x1024xf32, #tpu.memory_space<vmem>>, vector<16xf32>,
          tpu.vector_store %arg10[%swap3A_286, %swap3A_287], %mul3A_285 {strides = array<i32>} : memref<32x1024xf32, #tpu.memory_space<vmem>>, vector<16xf32>,
          %mul3A_289 = arith.constant 16 : i32
          %mul3A_290 = arith.muli %scan3A_157, %mul3A_289 : i32
          %mul3A_291 = arith.constant 16 : i32
          %mul3A_292 = arith.muli %mul3A_290, %mul3A_291 : i32
          %add3A_293 = arith.constant 112 : i32
          %add3A_294 = arith.addi %mul3A_292, %add3A_293 : i32
          %get3A_295 = arith.index_cast %scan3A_145 : i32 to index
          %get3A_296 = arith.index_cast %add3A_294 : i32 to index
          %get3A_297 = tpu.vector_load %arg10[%get3A_295, %get3A_296] {strides = array<i32>} : memref<32x1024xf32, #tpu.memory_space<vmem>>, vector<16xf32>,
          %add3A_298 = arith.constant 16 : i32
          %add3A_299 = arith.addi %scan3A_145, %add3A_298 : i32
          %get3A_300 = arith.index_cast %add3A_299 : i32 to index
          %get3A_301 = arith.index_cast %add3A_294 : i32 to index
          %get3A_302 = tpu.vector_load %arg10[%get3A_300, %get3A_301] {strides = array<i32>} : memref<32x1024xf32, #tpu.memory_space<vmem>>, vector<16xf32>,
          %sub3A_303 = arith.subf %get3A_297, %get3A_302 : vector<16xf32>
          %mul3A_304 = arith.mulf %sub3A_303, %gather3A : vector<16xf32>
          %swap3A_305 = arith.index_cast %scan3A_145 : i32 to index
          %swap3A_306 = arith.index_cast %add3A_294 : i32 to index
          %swap3A_307 = tpu.vector_load %arg10[%swap3A_305, %swap3A_306] {strides = array<i32>} : memref<32x1024xf32, #tpu.memory_space<vmem>>, vector<16xf32>,
          tpu.vector_store %arg10[%swap3A_305, %swap3A_306], %mul3A_304 {strides = array<i32>} : memref<32x1024xf32, #tpu.memory_space<vmem>>, vector<16xf32>,
          %mul3A_308 = arith.constant 16 : i32
          %mul3A_309 = arith.muli %scan3A_157, %mul3A_308 : i32
          %mul3A_310 = arith.constant 16 : i32
          %mul3A_311 = arith.muli %mul3A_309, %mul3A_310 : i32
          %add3A_312 = arith.constant 128 : i32
          %add3A_313 = arith.addi %mul3A_311, %add3A_312 : i32
          %get3A_314 = arith.index_cast %scan3A_145 : i32 to index
          %get3A_315 = arith.index_cast %add3A_313 : i32 to index
          %get3A_316 = tpu.vector_load %arg10[%get3A_314, %get3A_315] {strides = array<i32>} : memref<32x1024xf32, #tpu.memory_space<vmem>>, vector<16xf32>,
          %add3A_317 = arith.constant 16 : i32
          %add3A_318 = arith.addi %scan3A_145, %add3A_317 : i32
          %get3A_319 = arith.index_cast %add3A_318 : i32 to index
          %get3A_320 = arith.index_cast %add3A_313 : i32 to index
          %get3A_321 = tpu.vector_load %arg10[%get3A_319, %get3A_320] {strides = array<i32>} : memref<32x1024xf32, #tpu.memory_space<vmem>>, vector<16xf32>,
          %sub3A_322 = arith.subf %get3A_316, %get3A_321 : vector<16xf32>
          %mul3A_323 = arith.mulf %sub3A_322, %gather3A : vector<16xf32>
          %swap3A_324 = arith.index_cast %scan3A_145 : i32 to index
          %swap3A_325 = arith.index_cast %add3A_313 : i32 to index
          %swap3A_326 = tpu.vector_load %arg10[%swap3A_324, %swap3A_325] {strides = array<i32>} : memref<32x1024xf32, #tpu.memory_space<vmem>>, vector<16xf32>,
          tpu.vector_store %arg10[%swap3A_324, %swap3A_325], %mul3A_323 {strides = array<i32>} : memref<32x1024xf32, #tpu.memory_space<vmem>>, vector<16xf32>,
          %mul3A_327 = arith.constant 16 : i32
          %mul3A_328 = arith.muli %scan3A_157, %mul3A_327 : i32
          %mul3A_329 = arith.constant 16 : i32
          %mul3A_330 = arith.muli %mul3A_328, %mul3A_329 : i32
          %add3A_331 = arith.constant 144 : i32
          %add3A_332 = arith.addi %mul3A_330, %add3A_331 : i32
          %get3A_333 = arith.index_cast %scan3A_145 : i32 to index
          %get3A_334 = arith.index_cast %add3A_332 : i32 to index
          %get3A_335 = tpu.vector_load %arg10[%get3A_333, %get3A_334] {strides = array<i32>} : memref<32x1024xf32, #tpu.memory_space<vmem>>, vector<16xf32>,
          %add3A_336 = arith.constant 16 : i32
          %add3A_337 = arith.addi %scan3A_145, %add3A_336 : i32
          %get3A_338 = arith.index_cast %add3A_337 : i32 to index
          %get3A_339 = arith.index_cast %add3A_332 : i32 to index
          %get3A_340 = tpu.vector_load %arg10[%get3A_338, %get3A_339] {strides = array<i32>} : memref<32x1024xf32, #tpu.memory_space<vmem>>, vector<16xf32>,
          %sub3A_341 = arith.subf %get3A_335, %get3A_340 : vector<16xf32>
          %mul3A_342 = arith.mulf %sub3A_341, %gather3A : vector<16xf32>
          %swap3A_343 = arith.index_cast %scan3A_145 : i32 to index
          %swap3A_344 = arith.index_cast %add3A_332 : i32 to index
          %swap3A_345 = tpu.vector_load %arg10[%swap3A_343, %swap3A_344] {strides = array<i32>} : memref<32x1024xf32, #tpu.memory_space<vmem>>, vector<16xf32>,
          tpu.vector_store %arg10[%swap3A_343, %swap3A_344], %mul3A_342 {strides = array<i32>} : memref<32x1024xf32, #tpu.memory_space<vmem>>, vector<16xf32>,
          %mul3A_346 = arith.constant 16 : i32
          %mul3A_347 = arith.muli %scan3A_157, %mul3A_346 : i32
          %mul3A_348 = arith.constant 16 : i32
          %mul3A_349 = arith.muli %mul3A_347, %mul3A_348 : i32
          %add3A_350 = arith.constant 160 : i32
          %add3A_351 = arith.addi %mul3A_349, %add3A_350 : i32
          %get3A_352 = arith.index_cast %scan3A_145 : i32 to index
          %get3A_353 = arith.index_cast %add3A_351 : i32 to index
          %get3A_354 = tpu.vector_load %arg10[%get3A_352, %get3A_353] {strides = array<i32>} : memref<32x1024xf32, #tpu.memory_space<vmem>>, vector<16xf32>,
          %add3A_355 = arith.constant 16 : i32
          %add3A_356 = arith.addi %scan3A_145, %add3A_355 : i32
          %get3A_357 = arith.index_cast %add3A_356 : i32 to index
          %get3A_358 = arith.index_cast %add3A_351 : i32 to index
          %get3A_359 = tpu.vector_load %arg10[%get3A_357, %get3A_358] {strides = array<i32>} : memref<32x1024xf32, #tpu.memory_space<vmem>>, vector<16xf32>,
          %sub3A_360 = arith.subf %get3A_354, %get3A_359 : vector<16xf32>
          %mul3A_361 = arith.mulf %sub3A_360, %gather3A : vector<16xf32>
          %swap3A_362 = arith.index_cast %scan3A_145 : i32 to index
          %swap3A_363 = arith.index_cast %add3A_351 : i32 to index
          %swap3A_364 = tpu.vector_load %arg10[%swap3A_362, %swap3A_363] {strides = array<i32>} : memref<32x1024xf32, #tpu.memory_space<vmem>>, vector<16xf32>,
          tpu.vector_store %arg10[%swap3A_362, %swap3A_363], %mul3A_361 {strides = array<i32>} : memref<32x1024xf32, #tpu.memory_space<vmem>>, vector<16xf32>,
          %mul3A_365 = arith.constant 16 : i32
          %mul3A_366 = arith.muli %scan3A_157, %mul3A_365 : i32
          %mul3A_367 = arith.constant 16 : i32
          %mul3A_368 = arith.muli %mul3A_366, %mul3A_367 : i32
          %add3A_369 = arith.constant 176 : i32
          %add3A_370 = arith.addi %mul3A_368, %add3A_369 : i32
          %get3A_371 = arith.index_cast %scan3A_145 : i32 to index
          %get3A_372 = arith.index_cast %add3A_370 : i32 to index
          %get3A_373 = tpu.vector_load %arg10[%get3A_371, %get3A_372] {strides = array<i32>} : memref<32x1024xf32, #tpu.memory_space<vmem>>, vector<16xf32>,
          %add3A_374 = arith.constant 16 : i32
          %add3A_375 = arith.addi %scan3A_145, %add3A_374 : i32
          %get3A_376 = arith.index_cast %add3A_375 : i32 to index
          %get3A_377 = arith.index_cast %add3A_370 : i32 to index
          %get3A_378 = tpu.vector_load %arg10[%get3A_376, %get3A_377] {strides = array<i32>} : memref<32x1024xf32, #tpu.memory_space<vmem>>, vector<16xf32>,
          %sub3A_379 = arith.subf %get3A_373, %get3A_378 : vector<16xf32>
          %mul3A_380 = arith.mulf %sub3A_379, %gather3A : vector<16xf32>
          %swap3A_381 = arith.index_cast %scan3A_145 : i32 to index
          %swap3A_382 = arith.index_cast %add3A_370 : i32 to index
          %swap3A_383 = tpu.vector_load %arg10[%swap3A_381, %swap3A_382] {strides = array<i32>} : memref<32x1024xf32, #tpu.memory_space<vmem>>, vector<16xf32>,
          tpu.vector_store %arg10[%swap3A_381, %swap3A_382], %mul3A_380 {strides = array<i32>} : memref<32x1024xf32, #tpu.memory_space<vmem>>, vector<16xf32>,
          %mul3A_384 = arith.constant 16 : i32
          %mul3A_385 = arith.muli %scan3A_157, %mul3A_384 : i32
          %mul3A_386 = arith.constant 16 : i32
          %mul3A_387 = arith.muli %mul3A_385, %mul3A_386 : i32
          %add3A_388 = arith.constant 192 : i32
          %add3A_389 = arith.addi %mul3A_387, %add3A_388 : i32
          %get3A_390 = arith.index_cast %scan3A_145 : i32 to index
          %get3A_391 = arith.index_cast %add3A_389 : i32 to index
          %get3A_392 = tpu.vector_load %arg10[%get3A_390, %get3A_391] {strides = array<i32>} : memref<32x1024xf32, #tpu.memory_space<vmem>>, vector<16xf32>,
          %add3A_393 = arith.constant 16 : i32
          %add3A_394 = arith.addi %scan3A_145, %add3A_393 : i32
          %get3A_395 = arith.index_cast %add3A_394 : i32 to index
          %get3A_396 = arith.index_cast %add3A_389 : i32 to index
          %get3A_397 = tpu.vector_load %arg10[%get3A_395, %get3A_396] {strides = array<i32>} : memref<32x1024xf32, #tpu.memory_space<vmem>>, vector<16xf32>,
          %sub3A_398 = arith.subf %get3A_392, %get3A_397 : vector<16xf32>
          %mul3A_399 = arith.mulf %sub3A_398, %gather3A : vector<16xf32>
          %swap3A_400 = arith.index_cast %scan3A_145 : i32 to index
          %swap3A_401 = arith.index_cast %add3A_389 : i32 to index
          %swap3A_402 = tpu.vector_load %arg10[%swap3A_400, %swap3A_401] {strides = array<i32>} : memref<32x1024xf32, #tpu.memory_space<vmem>>, vector<16xf32>,
          tpu.vector_store %arg10[%swap3A_400, %swap3A_401], %mul3A_399 {strides = array<i32>} : memref<32x1024xf32, #tpu.memory_space<vmem>>, vector<16xf32>,
          %mul3A_403 = arith.constant 16 : i32
          %mul3A_404 = arith.muli %scan3A_157, %mul3A_403 : i32
          %mul3A_405 = arith.constant 16 : i32
          %mul3A_406 = arith.muli %mul3A_404, %mul3A_405 : i32
          %add3A_407 = arith.constant 208 : i32
          %add3A_408 = arith.addi %mul3A_406, %add3A_407 : i32
          %get3A_409 = arith.index_cast %scan3A_145 : i32 to index
          %get3A_410 = arith.index_cast %add3A_408 : i32 to index
          %get3A_411 = tpu.vector_load %arg10[%get3A_409, %get3A_410] {strides = array<i32>} : memref<32x1024xf32, #tpu.memory_space<vmem>>, vector<16xf32>,
          %add3A_412 = arith.constant 16 : i32
          %add3A_413 = arith.addi %scan3A_145, %add3A_412 : i32
          %get3A_414 = arith.index_cast %add3A_413 : i32 to index
          %get3A_415 = arith.index_cast %add3A_408 : i32 to index
          %get3A_416 = tpu.vector_load %arg10[%get3A_414, %get3A_415] {strides = array<i32>} : memref<32x1024xf32, #tpu.memory_space<vmem>>, vector<16xf32>,
          %sub3A_417 = arith.subf %get3A_411, %get3A_416 : vector<16xf32>
          %mul3A_418 = arith.mulf %sub3A_417, %gather3A : vector<16xf32>
          %swap3A_419 = arith.index_cast %scan3A_145 : i32 to index
          %swap3A_420 = arith.index_cast %add3A_408 : i32 to index
          %swap3A_421 = tpu.vector_load %arg10[%swap3A_419, %swap3A_420] {strides = array<i32>} : memref<32x1024xf32, #tpu.memory_space<vmem>>, vector<16xf32>,
          tpu.vector_store %arg10[%swap3A_419, %swap3A_420], %mul3A_418 {strides = array<i32>} : memref<32x1024xf32, #tpu.memory_space<vmem>>, vector<16xf32>,
          %mul3A_422 = arith.constant 16 : i32
          %mul3A_423 = arith.muli %scan3A_157, %mul3A_422 : i32
          %mul3A_424 = arith.constant 16 : i32
          %mul3A_425 = arith.muli %mul3A_423, %mul3A_424 : i32
          %add3A_426 = arith.constant 224 : i32
          %add3A_427 = arith.addi %mul3A_425, %add3A_426 : i32
          %get3A_428 = arith.index_cast %scan3A_145 : i32 to index
          %get3A_429 = arith.index_cast %add3A_427 : i32 to index
          %get3A_430 = tpu.vector_load %arg10[%get3A_428, %get3A_429] {strides = array<i32>} : memref<32x1024xf32, #tpu.memory_space<vmem>>, vector<16xf32>,
          %add3A_431 = arith.constant 16 : i32
          %add3A_432 = arith.addi %scan3A_145, %add3A_431 : i32
          %get3A_433 = arith.index_cast %add3A_432 : i32 to index
          %get3A_434 = arith.index_cast %add3A_427 : i32 to index
          %get3A_435 = tpu.vector_load %arg10[%get3A_433, %get3A_434] {strides = array<i32>} : memref<32x1024xf32, #tpu.memory_space<vmem>>, vector<16xf32>,
          %sub3A_436 = arith.subf %get3A_430, %get3A_435 : vector<16xf32>
          %mul3A_437 = arith.mulf %sub3A_436, %gather3A : vector<16xf32>
          %swap3A_438 = arith.index_cast %scan3A_145 : i32 to index
          %swap3A_439 = arith.index_cast %add3A_427 : i32 to index
          %swap3A_440 = tpu.vector_load %arg10[%swap3A_438, %swap3A_439] {strides = array<i32>} : memref<32x1024xf32, #tpu.memory_space<vmem>>, vector<16xf32>,
          tpu.vector_store %arg10[%swap3A_438, %swap3A_439], %mul3A_437 {strides = array<i32>} : memref<32x1024xf32, #tpu.memory_space<vmem>>, vector<16xf32>,
          %mul3A_441 = arith.constant 16 : i32
          %mul3A_442 = arith.muli %scan3A_157, %mul3A_441 : i32
          %mul3A_443 = arith.constant 16 : i32
          %mul3A_444 = arith.muli %mul3A_442, %mul3A_443 : i32
          %add3A_445 = arith.constant 240 : i32
          %add3A_446 = arith.addi %mul3A_444, %add3A_445 : i32
          %get3A_447 = arith.index_cast %scan3A_145 : i32 to index
          %get3A_448 = arith.index_cast %add3A_446 : i32 to index
          %get3A_449 = tpu.vector_load %arg10[%get3A_447, %get3A_448] {strides = array<i32>} : memref<32x1024xf32, #tpu.memory_space<vmem>>, vector<16xf32>,
          %add3A_450 = arith.constant 16 : i32
          %add3A_451 = arith.addi %scan3A_145, %add3A_450 : i32
          %get3A_452 = arith.index_cast %add3A_451 : i32 to index
          %get3A_453 = arith.index_cast %add3A_446 : i32 to index
          %get3A_454 = tpu.vector_load %arg10[%get3A_452, %get3A_453] {strides = array<i32>} : memref<32x1024xf32, #tpu.memory_space<vmem>>, vector<16xf32>,
          %sub3A_455 = arith.subf %get3A_449, %get3A_454 : vector<16xf32>
          %mul3A_456 = arith.mulf %sub3A_455, %gather3A : vector<16xf32>
          %swap3A_457 = arith.index_cast %scan3A_145 : i32 to index
          %swap3A_458 = arith.index_cast %add3A_446 : i32 to index
          %swap3A_459 = tpu.vector_load %arg10[%swap3A_457, %swap3A_458] {strides = array<i32>} : memref<32x1024xf32, #tpu.memory_space<vmem>>, vector<16xf32>,
          tpu.vector_store %arg10[%swap3A_457, %swap3A_458], %mul3A_456 {strides = array<i32>} : memref<32x1024xf32, #tpu.memory_space<vmem>>, vector<16xf32>,
        }
        %scan3A_156 = arith.constant 4 : i32
      }
      %scan3A_86 = arith.constant 16 : i32
      %shift_right_arithmetic3A = arith.constant 3 : i32
      %shift_right_arithmetic3A_87 = arith.shrsi %add3A_68, %shift_right_arithmetic3A : i32
      %and3A_88 = arith.constant 7 : i32
      %and3A_89 = arith.andi %add3A_68, %and3A_88 : i32
      %mul3A_90 = arith.constant 16 : i32
      %mul3A_91 = arith.muli %and3A_89, %mul3A_90 : i32
      %add3A_92 = arith.addi %mul3A_2, %mul3A_91 : i32
      %mul3A_93 = arith.constant 1024 : i32
      %mul3A_94 = arith.muli %shift_right_arithmetic3A_87, %mul3A_93 : i32
      %dma_start3A_95 = arith.constant 0 : i32
      %dma_start3A_96 = arith.constant 0 : i32
      %dma_start3A_97 = tpu.memref_slice %arg10[%dma_start3A_95, %dma_start3A_96] : memref<32x1024xf32, #tpu.memory_space<vmem>> -> memref<16x1024xf32, #tpu.memory_space<vmem>>
      %dma_start3A_98 = tpu.memref_slice %arg5[%add3A_92, %mul3A_94] : memref<4096x10240xf32, #tpu.memory_space<hbm>> -> memref<16x1024xf32, #tpu.memory_space<hbm>>
      %dma_start3A_99 = tpu.memref_slice %arg5[%add3A_92, %mul3A_94] : memref<4096x10240xf32, #tpu.memory_space<hbm>> -> memref<16x1024xf32, #tpu.memory_space<hbm>>
      %dma_start3A_100 = arith.constant 0 : i32
      %dma_start3A_101 = arith.constant 0 : i32
      %dma_start3A_102 = tpu.memref_slice %arg10[%dma_start3A_100, %dma_start3A_101] : memref<32x1024xf32, #tpu.memory_space<vmem>> -> memref<16x1024xf32, #tpu.memory_space<vmem>>
      tpu.enqueue_dma source(%dma_start3A_102 : memref<16x1024xf32, #tpu.memory_space<vmem>>) target(%dma_start3A_99 : memref<16x1024xf32, #tpu.memory_space<hbm>>) target_semaphore(%arg14 : memref<!tpu.dma_semaphore, #tpu.memory_space<semaphore_mem>>)
      %mul3A_103 = arith.constant 2 : i32
      %mul3A_104 = arith.muli %scan3A_64, %mul3A_103 : i32
      %add3A_105 = arith.constant 1 : i32
      %add3A_106 = arith.addi %mul3A_104, %add3A_105 : i32
      %add3A_107 = arith.constant 1 : i32
      %add3A_108 = arith.addi %add3A_106, %add3A_107 : i32
      %lt3A_109 = arith.constant 80 : i32
      %lt3A_110 = arith.cmpi slt, %add3A_108, %lt3A_109 : i32
      %convert_element_type3A_111 = arith.extui %lt3A_110 : i1 to i32
      %cond3A_112 = arith.constant 0 : i32
      %cond3A_113 = arith.cmpi ne, %convert_element_type3A_111, %cond3A_112 : i32
      scf.if %cond3A_113 {
        %ge3A = arith.constant 1 : i32
        %ge3A_145 = arith.cmpi sge, %add3A_106, %ge3A : i32
        %convert_element_type3A_146 = arith.extui %ge3A_145 : i1 to i32
        %cond3A_147 = arith.constant 0 : i32
        %cond3A_148 = arith.cmpi ne, %convert_element_type3A_146, %cond3A_147 : i32
        scf.if %cond3A_148 {
          %sub3A_157 = arith.constant 2 : i32
          %sub3A_158 = arith.subi %add3A_108, %sub3A_157 : i32
          %shift_right_arithmetic3A_159 = arith.constant 3 : i32
          %shift_right_arithmetic3A_160 = arith.shrsi %sub3A_158, %shift_right_arithmetic3A_159 : i32
          %and3A_161 = arith.constant 7 : i32
          %and3A_162 = arith.andi %sub3A_158, %and3A_161 : i32
          %mul3A_163 = arith.constant 16 : i32
          %mul3A_164 = arith.muli %and3A_162, %mul3A_163 : i32
          %add3A_165 = arith.addi %mul3A_2, %mul3A_164 : i32
          %mul3A_166 = arith.constant 1024 : i32
          %mul3A_167 = arith.muli %shift_right_arithmetic3A_160, %mul3A_166 : i32
          %dma_wait3A_168 = arith.constant 0 : i32
          %dma_wait3A_169 = arith.constant 0 : i32
          %dma_wait3A_170 = tpu.memref_slice %arg10[%dma_wait3A_168, %dma_wait3A_169] : memref<32x1024xf32, #tpu.memory_space<vmem>> -> memref<16x1024xf32, #tpu.memory_space<vmem>>
          %dma_wait3A_171 = tpu.memref_slice %arg5[%add3A_165, %mul3A_167] : memref<4096x10240xf32, #tpu.memory_space<hbm>> -> memref<16x1024xf32, #tpu.memory_space<hbm>>
          %dma_wait3A_172 = tpu.memref_slice %arg5[%add3A_165, %mul3A_167] : memref<4096x10240xf32, #tpu.memory_space<hbm>> -> memref<16x1024xf32, #tpu.memory_space<hbm>>
          %dma_wait3A_173 = arith.constant 0 : i32
          %dma_wait3A_174 = arith.constant 0 : i32
          %dma_wait3A_175 = tpu.memref_slice %arg10[%dma_wait3A_173, %dma_wait3A_174] : memref<32x1024xf32, #tpu.memory_space<vmem>> -> memref<16x1024xf32, #tpu.memory_space<vmem>>
          tpu.wait_dma2 semaphore(%arg14 : memref<!tpu.dma_semaphore, #tpu.memory_space<semaphore_mem>>) src(%dma_wait3A_175 : memref<16x1024xf32, #tpu.memory_space<vmem>>) dst(%dma_wait3A_172 : memref<16x1024xf32, #tpu.memory_space<hbm>>)
        } else {
        }
        %mul3A_149 = arith.constant 2 : i32
        %mul3A_150 = arith.muli %add3A_108, %mul3A_149 : i32
        %mul3A_151 = arith.constant 16 : i32
        %mul3A_152 = arith.muli %mul3A_150, %mul3A_151 : i32
        %dma_start3A_153 = tpu.memref_slice %arg8[%mul3A_152] : memref<2560xi32, #tpu.memory_space<vmem>> -> memref<32xi32, #tpu.memory_space<vmem>>
        %dma_start3A_154 = arith.constant 0 : i32
        %dma_start3A_155 = arith.constant 0 : i32
        %dma_start3A_156 = tpu.memref_slice %arg2[%dma_start3A_154, %dma_start3A_155] : memref<16448x1024xf32, #tpu.memory_space<hbm>> -> memref<16448x1024xf32, #tpu.memory_space<hbm>>
        tpu.enqueue_indirect_dma source(%dma_start3A_156 : memref<16448x1024xf32, #tpu.memory_space<hbm>>) target(%arg10 : memref<32x1024xf32, #tpu.memory_space<vmem>>) offsets(%dma_start3A_153 : memref<32xi32, #tpu.memory_space<vmem>>) semaphore(%arg12 : memref<!tpu.dma_semaphore, #tpu.memory_space<semaphore_mem>>)
      } else {
      }
      %mul3A_114 = arith.constant 2 : i32
      %mul3A_115 = arith.muli %add3A_106, %mul3A_114 : i32
      %mul3A_116 = arith.constant 16 : i32
      %mul3A_117 = arith.muli %mul3A_115, %mul3A_116 : i32
      %dma_wait3A_118 = tpu.memref_slice %arg8[%mul3A_117] : memref<2560xi32, #tpu.memory_space<vmem>> -> memref<32xi32, #tpu.memory_space<vmem>>
      %dma_wait3A_119 = arith.constant 0 : i32
      %dma_wait3A_120 = arith.constant 0 : i32
      %dma_wait3A_121 = tpu.memref_slice %arg2[%dma_wait3A_119, %dma_wait3A_120] : memref<16448x1024xf32, #tpu.memory_space<hbm>> -> memref<16448x1024xf32, #tpu.memory_space<hbm>>
      tpu.wait_indirect_dma semaphore(%arg13 : memref<!tpu.dma_semaphore, #tpu.memory_space<semaphore_mem>>) src(%dma_wait3A_121 : memref<16448x1024xf32, #tpu.memory_space<hbm>>) dst(%arg11 : memref<32x1024xf32, #tpu.memory_space<vmem>>)
      %scan3A_122 = arith.constant 0 : i32
      %scan3A_123 = arith.constant 0 : i32
      %scan3A_124 = arith.constant 16 : i32
      %scan3A_125 = arith.addi %scan3A_123, %scan3A_124 : i32
      %scan3A_126 = arith.constant 1 : i32
      scf.for %scan3A_145 = %scan3A_123 to %scan3A_125 step %scan3A_126  : i32 {
        %mul3A_146 = arith.constant 16 : i32
        %mul3A_147 = arith.muli %add3A_106, %mul3A_146 : i32
        %add3A_148 = arith.addi %mul3A_147, %scan3A_145 : i32
        %add3A_149 = vector.broadcast %add3A_148 : i32 to vector<16xi32>
        %add3A_150 = arith.addi %broadcast_in_dim3A_21, %add3A_149 : vector<16xi32>
        %gather3A = tpu.vector_load_idx %arg9[%add3A_150] : memref<1280xf32, #tpu.memory_space<vmem>>[vector<16xi32>], vector<16xf32>,
        %scan3A_151 = arith.constant 0 : i32
        %scan3A_152 = arith.constant 0 : i32
        %scan3A_153 = arith.constant 4 : i32
        %scan3A_154 = arith.addi %scan3A_152, %scan3A_153 : i32
        %scan3A_155 = arith.constant 1 : i32
        scf.for %scan3A_157 = %scan3A_152 to %scan3A_154 step %scan3A_155  : i32 {
          %mul3A_158 = arith.constant 16 : i32
          %mul3A_159 = arith.muli %scan3A_157, %mul3A_158 : i32
          %mul3A_160 = arith.constant 16 : i32
          %mul3A_161 = arith.muli %mul3A_159, %mul3A_160 : i32
          %add3A_162 = arith.constant 0 : i32
          %add3A_163 = arith.addi %mul3A_161, %add3A_162 : i32
          %get3A = arith.index_cast %scan3A_145 : i32 to index
          %get3A_164 = arith.index_cast %add3A_163 : i32 to index
          %get3A_165 = tpu.vector_load %arg11[%get3A, %get3A_164] {strides = array<i32>} : memref<32x1024xf32, #tpu.memory_space<vmem>>, vector<16xf32>,
          %add3A_166 = arith.constant 16 : i32
          %add3A_167 = arith.addi %scan3A_145, %add3A_166 : i32
          %get3A_168 = arith.index_cast %add3A_167 : i32 to index
          %get3A_169 = arith.index_cast %add3A_163 : i32 to index
          %get3A_170 = tpu.vector_load %arg11[%get3A_168, %get3A_169] {strides = array<i32>} : memref<32x1024xf32, #tpu.memory_space<vmem>>, vector<16xf32>,
          %sub3A_171 = arith.subf %get3A_165, %get3A_170 : vector<16xf32>
          %mul3A_172 = arith.mulf %sub3A_171, %gather3A : vector<16xf32>
          %swap3A = arith.index_cast %scan3A_145 : i32 to index
          %swap3A_173 = arith.index_cast %add3A_163 : i32 to index
          %swap3A_174 = tpu.vector_load %arg11[%swap3A, %swap3A_173] {strides = array<i32>} : memref<32x1024xf32, #tpu.memory_space<vmem>>, vector<16xf32>,
          tpu.vector_store %arg11[%swap3A, %swap3A_173], %mul3A_172 {strides = array<i32>} : memref<32x1024xf32, #tpu.memory_space<vmem>>, vector<16xf32>,
          %mul3A_175 = arith.constant 16 : i32
          %mul3A_176 = arith.muli %scan3A_157, %mul3A_175 : i32
          %mul3A_177 = arith.constant 16 : i32
          %mul3A_178 = arith.muli %mul3A_176, %mul3A_177 : i32
          %add3A_179 = arith.constant 16 : i32
          %add3A_180 = arith.addi %mul3A_178, %add3A_179 : i32
          %get3A_181 = arith.index_cast %scan3A_145 : i32 to index
          %get3A_182 = arith.index_cast %add3A_180 : i32 to index
          %get3A_183 = tpu.vector_load %arg11[%get3A_181, %get3A_182] {strides = array<i32>} : memref<32x1024xf32, #tpu.memory_space<vmem>>, vector<16xf32>,
          %add3A_184 = arith.constant 16 : i32
          %add3A_185 = arith.addi %scan3A_145, %add3A_184 : i32
          %get3A_186 = arith.index_cast %add3A_185 : i32 to index
          %get3A_187 = arith.index_cast %add3A_180 : i32 to index
          %get3A_188 = tpu.vector_load %arg11[%get3A_186, %get3A_187] {strides = array<i32>} : memref<32x1024xf32, #tpu.memory_space<vmem>>, vector<16xf32>,
          %sub3A_189 = arith.subf %get3A_183, %get3A_188 : vector<16xf32>
          %mul3A_190 = arith.mulf %sub3A_189, %gather3A : vector<16xf32>
          %swap3A_191 = arith.index_cast %scan3A_145 : i32 to index
          %swap3A_192 = arith.index_cast %add3A_180 : i32 to index
          %swap3A_193 = tpu.vector_load %arg11[%swap3A_191, %swap3A_192] {strides = array<i32>} : memref<32x1024xf32, #tpu.memory_space<vmem>>, vector<16xf32>,
          tpu.vector_store %arg11[%swap3A_191, %swap3A_192], %mul3A_190 {strides = array<i32>} : memref<32x1024xf32, #tpu.memory_space<vmem>>, vector<16xf32>,
          %mul3A_194 = arith.constant 16 : i32
          %mul3A_195 = arith.muli %scan3A_157, %mul3A_194 : i32
          %mul3A_196 = arith.constant 16 : i32
          %mul3A_197 = arith.muli %mul3A_195, %mul3A_196 : i32
          %add3A_198 = arith.constant 32 : i32
          %add3A_199 = arith.addi %mul3A_197, %add3A_198 : i32
          %get3A_200 = arith.index_cast %scan3A_145 : i32 to index
          %get3A_201 = arith.index_cast %add3A_199 : i32 to index
          %get3A_202 = tpu.vector_load %arg11[%get3A_200, %get3A_201] {strides = array<i32>} : memref<32x1024xf32, #tpu.memory_space<vmem>>, vector<16xf32>,
          %add3A_203 = arith.constant 16 : i32
          %add3A_204 = arith.addi %scan3A_145, %add3A_203 : i32
          %get3A_205 = arith.index_cast %add3A_204 : i32 to index
          %get3A_206 = arith.index_cast %add3A_199 : i32 to index
          %get3A_207 = tpu.vector_load %arg11[%get3A_205, %get3A_206] {strides = array<i32>} : memref<32x1024xf32, #tpu.memory_space<vmem>>, vector<16xf32>,
          %sub3A_208 = arith.subf %get3A_202, %get3A_207 : vector<16xf32>
          %mul3A_209 = arith.mulf %sub3A_208, %gather3A : vector<16xf32>
          %swap3A_210 = arith.index_cast %scan3A_145 : i32 to index
          %swap3A_211 = arith.index_cast %add3A_199 : i32 to index
          %swap3A_212 = tpu.vector_load %arg11[%swap3A_210, %swap3A_211] {strides = array<i32>} : memref<32x1024xf32, #tpu.memory_space<vmem>>, vector<16xf32>,
          tpu.vector_store %arg11[%swap3A_210, %swap3A_211], %mul3A_209 {strides = array<i32>} : memref<32x1024xf32, #tpu.memory_space<vmem>>, vector<16xf32>,
          %mul3A_213 = arith.constant 16 : i32
          %mul3A_214 = arith.muli %scan3A_157, %mul3A_213 : i32
          %mul3A_215 = arith.constant 16 : i32
          %mul3A_216 = arith.muli %mul3A_214, %mul3A_215 : i32
          %add3A_217 = arith.constant 48 : i32
          %add3A_218 = arith.addi %mul3A_216, %add3A_217 : i32
          %get3A_219 = arith.index_cast %scan3A_145 : i32 to index
          %get3A_220 = arith.index_cast %add3A_218 : i32 to index
          %get3A_221 = tpu.vector_load %arg11[%get3A_219, %get3A_220] {strides = array<i32>} : memref<32x1024xf32, #tpu.memory_space<vmem>>, vector<16xf32>,
          %add3A_222 = arith.constant 16 : i32
          %add3A_223 = arith.addi %scan3A_145, %add3A_222 : i32
          %get3A_224 = arith.index_cast %add3A_223 : i32 to index
          %get3A_225 = arith.index_cast %add3A_218 : i32 to index
          %get3A_226 = tpu.vector_load %arg11[%get3A_224, %get3A_225] {strides = array<i32>} : memref<32x1024xf32, #tpu.memory_space<vmem>>, vector<16xf32>,
          %sub3A_227 = arith.subf %get3A_221, %get3A_226 : vector<16xf32>
          %mul3A_228 = arith.mulf %sub3A_227, %gather3A : vector<16xf32>
          %swap3A_229 = arith.index_cast %scan3A_145 : i32 to index
          %swap3A_230 = arith.index_cast %add3A_218 : i32 to index
          %swap3A_231 = tpu.vector_load %arg11[%swap3A_229, %swap3A_230] {strides = array<i32>} : memref<32x1024xf32, #tpu.memory_space<vmem>>, vector<16xf32>,
          tpu.vector_store %arg11[%swap3A_229, %swap3A_230], %mul3A_228 {strides = array<i32>} : memref<32x1024xf32, #tpu.memory_space<vmem>>, vector<16xf32>,
          %mul3A_232 = arith.constant 16 : i32
          %mul3A_233 = arith.muli %scan3A_157, %mul3A_232 : i32
          %mul3A_234 = arith.constant 16 : i32
          %mul3A_235 = arith.muli %mul3A_233, %mul3A_234 : i32
          %add3A_236 = arith.constant 64 : i32
          %add3A_237 = arith.addi %mul3A_235, %add3A_236 : i32
          %get3A_238 = arith.index_cast %scan3A_145 : i32 to index
          %get3A_239 = arith.index_cast %add3A_237 : i32 to index
          %get3A_240 = tpu.vector_load %arg11[%get3A_238, %get3A_239] {strides = array<i32>} : memref<32x1024xf32, #tpu.memory_space<vmem>>, vector<16xf32>,
          %add3A_241 = arith.constant 16 : i32
          %add3A_242 = arith.addi %scan3A_145, %add3A_241 : i32
          %get3A_243 = arith.index_cast %add3A_242 : i32 to index
          %get3A_244 = arith.index_cast %add3A_237 : i32 to index
          %get3A_245 = tpu.vector_load %arg11[%get3A_243, %get3A_244] {strides = array<i32>} : memref<32x1024xf32, #tpu.memory_space<vmem>>, vector<16xf32>,
          %sub3A_246 = arith.subf %get3A_240, %get3A_245 : vector<16xf32>
          %mul3A_247 = arith.mulf %sub3A_246, %gather3A : vector<16xf32>
          %swap3A_248 = arith.index_cast %scan3A_145 : i32 to index
          %swap3A_249 = arith.index_cast %add3A_237 : i32 to index
          %swap3A_250 = tpu.vector_load %arg11[%swap3A_248, %swap3A_249] {strides = array<i32>} : memref<32x1024xf32, #tpu.memory_space<vmem>>, vector<16xf32>,
          tpu.vector_store %arg11[%swap3A_248, %swap3A_249], %mul3A_247 {strides = array<i32>} : memref<32x1024xf32, #tpu.memory_space<vmem>>, vector<16xf32>,
          %mul3A_251 = arith.constant 16 : i32
          %mul3A_252 = arith.muli %scan3A_157, %mul3A_251 : i32
          %mul3A_253 = arith.constant 16 : i32
          %mul3A_254 = arith.muli %mul3A_252, %mul3A_253 : i32
          %add3A_255 = arith.constant 80 : i32
          %add3A_256 = arith.addi %mul3A_254, %add3A_255 : i32
          %get3A_257 = arith.index_cast %scan3A_145 : i32 to index
          %get3A_258 = arith.index_cast %add3A_256 : i32 to index
          %get3A_259 = tpu.vector_load %arg11[%get3A_257, %get3A_258] {strides = array<i32>} : memref<32x1024xf32, #tpu.memory_space<vmem>>, vector<16xf32>,
          %add3A_260 = arith.constant 16 : i32
          %add3A_261 = arith.addi %scan3A_145, %add3A_260 : i32
          %get3A_262 = arith.index_cast %add3A_261 : i32 to index
          %get3A_263 = arith.index_cast %add3A_256 : i32 to index
          %get3A_264 = tpu.vector_load %arg11[%get3A_262, %get3A_263] {strides = array<i32>} : memref<32x1024xf32, #tpu.memory_space<vmem>>, vector<16xf32>,
          %sub3A_265 = arith.subf %get3A_259, %get3A_264 : vector<16xf32>
          %mul3A_266 = arith.mulf %sub3A_265, %gather3A : vector<16xf32>
          %swap3A_267 = arith.index_cast %scan3A_145 : i32 to index
          %swap3A_268 = arith.index_cast %add3A_256 : i32 to index
          %swap3A_269 = tpu.vector_load %arg11[%swap3A_267, %swap3A_268] {strides = array<i32>} : memref<32x1024xf32, #tpu.memory_space<vmem>>, vector<16xf32>,
          tpu.vector_store %arg11[%swap3A_267, %swap3A_268], %mul3A_266 {strides = array<i32>} : memref<32x1024xf32, #tpu.memory_space<vmem>>, vector<16xf32>,
          %mul3A_270 = arith.constant 16 : i32
          %mul3A_271 = arith.muli %scan3A_157, %mul3A_270 : i32
          %mul3A_272 = arith.constant 16 : i32
          %mul3A_273 = arith.muli %mul3A_271, %mul3A_272 : i32
          %add3A_274 = arith.constant 96 : i32
          %add3A_275 = arith.addi %mul3A_273, %add3A_274 : i32
          %get3A_276 = arith.index_cast %scan3A_145 : i32 to index
          %get3A_277 = arith.index_cast %add3A_275 : i32 to index
          %get3A_278 = tpu.vector_load %arg11[%get3A_276, %get3A_277] {strides = array<i32>} : memref<32x1024xf32, #tpu.memory_space<vmem>>, vector<16xf32>,
          %add3A_279 = arith.constant 16 : i32
          %add3A_280 = arith.addi %scan3A_145, %add3A_279 : i32
          %get3A_281 = arith.index_cast %add3A_280 : i32 to index
          %get3A_282 = arith.index_cast %add3A_275 : i32 to index
          %get3A_283 = tpu.vector_load %arg11[%get3A_281, %get3A_282] {strides = array<i32>} : memref<32x1024xf32, #tpu.memory_space<vmem>>, vector<16xf32>,
          %sub3A_284 = arith.subf %get3A_278, %get3A_283 : vector<16xf32>
          %mul3A_285 = arith.mulf %sub3A_284, %gather3A : vector<16xf32>
          %swap3A_286 = arith.index_cast %scan3A_145 : i32 to index
          %swap3A_287 = arith.index_cast %add3A_275 : i32 to index
          %swap3A_288 = tpu.vector_load %arg11[%swap3A_286, %swap3A_287] {strides = array<i32>} : memref<32x1024xf32, #tpu.memory_space<vmem>>, vector<16xf32>,
          tpu.vector_store %arg11[%swap3A_286, %swap3A_287], %mul3A_285 {strides = array<i32>} : memref<32x1024xf32, #tpu.memory_space<vmem>>, vector<16xf32>,
          %mul3A_289 = arith.constant 16 : i32
          %mul3A_290 = arith.muli %scan3A_157, %mul3A_289 : i32
          %mul3A_291 = arith.constant 16 : i32
          %mul3A_292 = arith.muli %mul3A_290, %mul3A_291 : i32
          %add3A_293 = arith.constant 112 : i32
          %add3A_294 = arith.addi %mul3A_292, %add3A_293 : i32
          %get3A_295 = arith.index_cast %scan3A_145 : i32 to index
          %get3A_296 = arith.index_cast %add3A_294 : i32 to index
          %get3A_297 = tpu.vector_load %arg11[%get3A_295, %get3A_296] {strides = array<i32>} : memref<32x1024xf32, #tpu.memory_space<vmem>>, vector<16xf32>,
          %add3A_298 = arith.constant 16 : i32
          %add3A_299 = arith.addi %scan3A_145, %add3A_298 : i32
          %get3A_300 = arith.index_cast %add3A_299 : i32 to index
          %get3A_301 = arith.index_cast %add3A_294 : i32 to index
          %get3A_302 = tpu.vector_load %arg11[%get3A_300, %get3A_301] {strides = array<i32>} : memref<32x1024xf32, #tpu.memory_space<vmem>>, vector<16xf32>,
          %sub3A_303 = arith.subf %get3A_297, %get3A_302 : vector<16xf32>
          %mul3A_304 = arith.mulf %sub3A_303, %gather3A : vector<16xf32>
          %swap3A_305 = arith.index_cast %scan3A_145 : i32 to index
          %swap3A_306 = arith.index_cast %add3A_294 : i32 to index
          %swap3A_307 = tpu.vector_load %arg11[%swap3A_305, %swap3A_306] {strides = array<i32>} : memref<32x1024xf32, #tpu.memory_space<vmem>>, vector<16xf32>,
          tpu.vector_store %arg11[%swap3A_305, %swap3A_306], %mul3A_304 {strides = array<i32>} : memref<32x1024xf32, #tpu.memory_space<vmem>>, vector<16xf32>,
          %mul3A_308 = arith.constant 16 : i32
          %mul3A_309 = arith.muli %scan3A_157, %mul3A_308 : i32
          %mul3A_310 = arith.constant 16 : i32
          %mul3A_311 = arith.muli %mul3A_309, %mul3A_310 : i32
          %add3A_312 = arith.constant 128 : i32
          %add3A_313 = arith.addi %mul3A_311, %add3A_312 : i32
          %get3A_314 = arith.index_cast %scan3A_145 : i32 to index
          %get3A_315 = arith.index_cast %add3A_313 : i32 to index
          %get3A_316 = tpu.vector_load %arg11[%get3A_314, %get3A_315] {strides = array<i32>} : memref<32x1024xf32, #tpu.memory_space<vmem>>, vector<16xf32>,
          %add3A_317 = arith.constant 16 : i32
          %add3A_318 = arith.addi %scan3A_145, %add3A_317 : i32
          %get3A_319 = arith.index_cast %add3A_318 : i32 to index
          %get3A_320 = arith.index_cast %add3A_313 : i32 to index
          %get3A_321 = tpu.vector_load %arg11[%get3A_319, %get3A_320] {strides = array<i32>} : memref<32x1024xf32, #tpu.memory_space<vmem>>, vector<16xf32>,
          %sub3A_322 = arith.subf %get3A_316, %get3A_321 : vector<16xf32>
          %mul3A_323 = arith.mulf %sub3A_322, %gather3A : vector<16xf32>
          %swap3A_324 = arith.index_cast %scan3A_145 : i32 to index
          %swap3A_325 = arith.index_cast %add3A_313 : i32 to index
          %swap3A_326 = tpu.vector_load %arg11[%swap3A_324, %swap3A_325] {strides = array<i32>} : memref<32x1024xf32, #tpu.memory_space<vmem>>, vector<16xf32>,
          tpu.vector_store %arg11[%swap3A_324, %swap3A_325], %mul3A_323 {strides = array<i32>} : memref<32x1024xf32, #tpu.memory_space<vmem>>, vector<16xf32>,
          %mul3A_327 = arith.constant 16 : i32
          %mul3A_328 = arith.muli %scan3A_157, %mul3A_327 : i32
          %mul3A_329 = arith.constant 16 : i32
          %mul3A_330 = arith.muli %mul3A_328, %mul3A_329 : i32
          %add3A_331 = arith.constant 144 : i32
          %add3A_332 = arith.addi %mul3A_330, %add3A_331 : i32
          %get3A_333 = arith.index_cast %scan3A_145 : i32 to index
          %get3A_334 = arith.index_cast %add3A_332 : i32 to index
          %get3A_335 = tpu.vector_load %arg11[%get3A_333, %get3A_334] {strides = array<i32>} : memref<32x1024xf32, #tpu.memory_space<vmem>>, vector<16xf32>,
          %add3A_336 = arith.constant 16 : i32
          %add3A_337 = arith.addi %scan3A_145, %add3A_336 : i32
          %get3A_338 = arith.index_cast %add3A_337 : i32 to index
          %get3A_339 = arith.index_cast %add3A_332 : i32 to index
          %get3A_340 = tpu.vector_load %arg11[%get3A_338, %get3A_339] {strides = array<i32>} : memref<32x1024xf32, #tpu.memory_space<vmem>>, vector<16xf32>,
          %sub3A_341 = arith.subf %get3A_335, %get3A_340 : vector<16xf32>
          %mul3A_342 = arith.mulf %sub3A_341, %gather3A : vector<16xf32>
          %swap3A_343 = arith.index_cast %scan3A_145 : i32 to index
          %swap3A_344 = arith.index_cast %add3A_332 : i32 to index
          %swap3A_345 = tpu.vector_load %arg11[%swap3A_343, %swap3A_344] {strides = array<i32>} : memref<32x1024xf32, #tpu.memory_space<vmem>>, vector<16xf32>,
          tpu.vector_store %arg11[%swap3A_343, %swap3A_344], %mul3A_342 {strides = array<i32>} : memref<32x1024xf32, #tpu.memory_space<vmem>>, vector<16xf32>,
          %mul3A_346 = arith.constant 16 : i32
          %mul3A_347 = arith.muli %scan3A_157, %mul3A_346 : i32
          %mul3A_348 = arith.constant 16 : i32
          %mul3A_349 = arith.muli %mul3A_347, %mul3A_348 : i32
          %add3A_350 = arith.constant 160 : i32
          %add3A_351 = arith.addi %mul3A_349, %add3A_350 : i32
          %get3A_352 = arith.index_cast %scan3A_145 : i32 to index
          %get3A_353 = arith.index_cast %add3A_351 : i32 to index
          %get3A_354 = tpu.vector_load %arg11[%get3A_352, %get3A_353] {strides = array<i32>} : memref<32x1024xf32, #tpu.memory_space<vmem>>, vector<16xf32>,
          %add3A_355 = arith.constant 16 : i32
          %add3A_356 = arith.addi %scan3A_145, %add3A_355 : i32
          %get3A_357 = arith.index_cast %add3A_356 : i32 to index
          %get3A_358 = arith.index_cast %add3A_351 : i32 to index
          %get3A_359 = tpu.vector_load %arg11[%get3A_357, %get3A_358] {strides = array<i32>} : memref<32x1024xf32, #tpu.memory_space<vmem>>, vector<16xf32>,
          %sub3A_360 = arith.subf %get3A_354, %get3A_359 : vector<16xf32>
          %mul3A_361 = arith.mulf %sub3A_360, %gather3A : vector<16xf32>
          %swap3A_362 = arith.index_cast %scan3A_145 : i32 to index
          %swap3A_363 = arith.index_cast %add3A_351 : i32 to index
          %swap3A_364 = tpu.vector_load %arg11[%swap3A_362, %swap3A_363] {strides = array<i32>} : memref<32x1024xf32, #tpu.memory_space<vmem>>, vector<16xf32>,
          tpu.vector_store %arg11[%swap3A_362, %swap3A_363], %mul3A_361 {strides = array<i32>} : memref<32x1024xf32, #tpu.memory_space<vmem>>, vector<16xf32>,
          %mul3A_365 = arith.constant 16 : i32
          %mul3A_366 = arith.muli %scan3A_157, %mul3A_365 : i32
          %mul3A_367 = arith.constant 16 : i32
          %mul3A_368 = arith.muli %mul3A_366, %mul3A_367 : i32
          %add3A_369 = arith.constant 176 : i32
          %add3A_370 = arith.addi %mul3A_368, %add3A_369 : i32
          %get3A_371 = arith.index_cast %scan3A_145 : i32 to index
          %get3A_372 = arith.index_cast %add3A_370 : i32 to index
          %get3A_373 = tpu.vector_load %arg11[%get3A_371, %get3A_372] {strides = array<i32>} : memref<32x1024xf32, #tpu.memory_space<vmem>>, vector<16xf32>,
          %add3A_374 = arith.constant 16 : i32
          %add3A_375 = arith.addi %scan3A_145, %add3A_374 : i32
          %get3A_376 = arith.index_cast %add3A_375 : i32 to index
          %get3A_377 = arith.index_cast %add3A_370 : i32 to index
          %get3A_378 = tpu.vector_load %arg11[%get3A_376, %get3A_377] {strides = array<i32>} : memref<32x1024xf32, #tpu.memory_space<vmem>>, vector<16xf32>,
          %sub3A_379 = arith.subf %get3A_373, %get3A_378 : vector<16xf32>
          %mul3A_380 = arith.mulf %sub3A_379, %gather3A : vector<16xf32>
          %swap3A_381 = arith.index_cast %scan3A_145 : i32 to index
          %swap3A_382 = arith.index_cast %add3A_370 : i32 to index
          %swap3A_383 = tpu.vector_load %arg11[%swap3A_381, %swap3A_382] {strides = array<i32>} : memref<32x1024xf32, #tpu.memory_space<vmem>>, vector<16xf32>,
          tpu.vector_store %arg11[%swap3A_381, %swap3A_382], %mul3A_380 {strides = array<i32>} : memref<32x1024xf32, #tpu.memory_space<vmem>>, vector<16xf32>,
          %mul3A_384 = arith.constant 16 : i32
          %mul3A_385 = arith.muli %scan3A_157, %mul3A_384 : i32
          %mul3A_386 = arith.constant 16 : i32
          %mul3A_387 = arith.muli %mul3A_385, %mul3A_386 : i32
          %add3A_388 = arith.constant 192 : i32
          %add3A_389 = arith.addi %mul3A_387, %add3A_388 : i32
          %get3A_390 = arith.index_cast %scan3A_145 : i32 to index
          %get3A_391 = arith.index_cast %add3A_389 : i32 to index
          %get3A_392 = tpu.vector_load %arg11[%get3A_390, %get3A_391] {strides = array<i32>} : memref<32x1024xf32, #tpu.memory_space<vmem>>, vector<16xf32>,
          %add3A_393 = arith.constant 16 : i32
          %add3A_394 = arith.addi %scan3A_145, %add3A_393 : i32
          %get3A_395 = arith.index_cast %add3A_394 : i32 to index
          %get3A_396 = arith.index_cast %add3A_389 : i32 to index
          %get3A_397 = tpu.vector_load %arg11[%get3A_395, %get3A_396] {strides = array<i32>} : memref<32x1024xf32, #tpu.memory_space<vmem>>, vector<16xf32>,
          %sub3A_398 = arith.subf %get3A_392, %get3A_397 : vector<16xf32>
          %mul3A_399 = arith.mulf %sub3A_398, %gather3A : vector<16xf32>
          %swap3A_400 = arith.index_cast %scan3A_145 : i32 to index
          %swap3A_401 = arith.index_cast %add3A_389 : i32 to index
          %swap3A_402 = tpu.vector_load %arg11[%swap3A_400, %swap3A_401] {strides = array<i32>} : memref<32x1024xf32, #tpu.memory_space<vmem>>, vector<16xf32>,
          tpu.vector_store %arg11[%swap3A_400, %swap3A_401], %mul3A_399 {strides = array<i32>} : memref<32x1024xf32, #tpu.memory_space<vmem>>, vector<16xf32>,
          %mul3A_403 = arith.constant 16 : i32
          %mul3A_404 = arith.muli %scan3A_157, %mul3A_403 : i32
          %mul3A_405 = arith.constant 16 : i32
          %mul3A_406 = arith.muli %mul3A_404, %mul3A_405 : i32
          %add3A_407 = arith.constant 208 : i32
          %add3A_408 = arith.addi %mul3A_406, %add3A_407 : i32
          %get3A_409 = arith.index_cast %scan3A_145 : i32 to index
          %get3A_410 = arith.index_cast %add3A_408 : i32 to index
          %get3A_411 = tpu.vector_load %arg11[%get3A_409, %get3A_410] {strides = array<i32>} : memref<32x1024xf32, #tpu.memory_space<vmem>>, vector<16xf32>,
          %add3A_412 = arith.constant 16 : i32
          %add3A_413 = arith.addi %scan3A_145, %add3A_412 : i32
          %get3A_414 = arith.index_cast %add3A_413 : i32 to index
          %get3A_415 = arith.index_cast %add3A_408 : i32 to index
          %get3A_416 = tpu.vector_load %arg11[%get3A_414, %get3A_415] {strides = array<i32>} : memref<32x1024xf32, #tpu.memory_space<vmem>>, vector<16xf32>,
          %sub3A_417 = arith.subf %get3A_411, %get3A_416 : vector<16xf32>
          %mul3A_418 = arith.mulf %sub3A_417, %gather3A : vector<16xf32>
          %swap3A_419 = arith.index_cast %scan3A_145 : i32 to index
          %swap3A_420 = arith.index_cast %add3A_408 : i32 to index
          %swap3A_421 = tpu.vector_load %arg11[%swap3A_419, %swap3A_420] {strides = array<i32>} : memref<32x1024xf32, #tpu.memory_space<vmem>>, vector<16xf32>,
          tpu.vector_store %arg11[%swap3A_419, %swap3A_420], %mul3A_418 {strides = array<i32>} : memref<32x1024xf32, #tpu.memory_space<vmem>>, vector<16xf32>,
          %mul3A_422 = arith.constant 16 : i32
          %mul3A_423 = arith.muli %scan3A_157, %mul3A_422 : i32
          %mul3A_424 = arith.constant 16 : i32
          %mul3A_425 = arith.muli %mul3A_423, %mul3A_424 : i32
          %add3A_426 = arith.constant 224 : i32
          %add3A_427 = arith.addi %mul3A_425, %add3A_426 : i32
          %get3A_428 = arith.index_cast %scan3A_145 : i32 to index
          %get3A_429 = arith.index_cast %add3A_427 : i32 to index
          %get3A_430 = tpu.vector_load %arg11[%get3A_428, %get3A_429] {strides = array<i32>} : memref<32x1024xf32, #tpu.memory_space<vmem>>, vector<16xf32>,
          %add3A_431 = arith.constant 16 : i32
          %add3A_432 = arith.addi %scan3A_145, %add3A_431 : i32
          %get3A_433 = arith.index_cast %add3A_432 : i32 to index
          %get3A_434 = arith.index_cast %add3A_427 : i32 to index
          %get3A_435 = tpu.vector_load %arg11[%get3A_433, %get3A_434] {strides = array<i32>} : memref<32x1024xf32, #tpu.memory_space<vmem>>, vector<16xf32>,
          %sub3A_436 = arith.subf %get3A_430, %get3A_435 : vector<16xf32>
          %mul3A_437 = arith.mulf %sub3A_436, %gather3A : vector<16xf32>
          %swap3A_438 = arith.index_cast %scan3A_145 : i32 to index
          %swap3A_439 = arith.index_cast %add3A_427 : i32 to index
          %swap3A_440 = tpu.vector_load %arg11[%swap3A_438, %swap3A_439] {strides = array<i32>} : memref<32x1024xf32, #tpu.memory_space<vmem>>, vector<16xf32>,
          tpu.vector_store %arg11[%swap3A_438, %swap3A_439], %mul3A_437 {strides = array<i32>} : memref<32x1024xf32, #tpu.memory_space<vmem>>, vector<16xf32>,
          %mul3A_441 = arith.constant 16 : i32
          %mul3A_442 = arith.muli %scan3A_157, %mul3A_441 : i32
          %mul3A_443 = arith.constant 16 : i32
          %mul3A_444 = arith.muli %mul3A_442, %mul3A_443 : i32
          %add3A_445 = arith.constant 240 : i32
          %add3A_446 = arith.addi %mul3A_444, %add3A_445 : i32
          %get3A_447 = arith.index_cast %scan3A_145 : i32 to index
          %get3A_448 = arith.index_cast %add3A_446 : i32 to index
          %get3A_449 = tpu.vector_load %arg11[%get3A_447, %get3A_448] {strides = array<i32>} : memref<32x1024xf32, #tpu.memory_space<vmem>>, vector<16xf32>,
          %add3A_450 = arith.constant 16 : i32
          %add3A_451 = arith.addi %scan3A_145, %add3A_450 : i32
          %get3A_452 = arith.index_cast %add3A_451 : i32 to index
          %get3A_453 = arith.index_cast %add3A_446 : i32 to index
          %get3A_454 = tpu.vector_load %arg11[%get3A_452, %get3A_453] {strides = array<i32>} : memref<32x1024xf32, #tpu.memory_space<vmem>>, vector<16xf32>,
          %sub3A_455 = arith.subf %get3A_449, %get3A_454 : vector<16xf32>
          %mul3A_456 = arith.mulf %sub3A_455, %gather3A : vector<16xf32>
          %swap3A_457 = arith.index_cast %scan3A_145 : i32 to index
          %swap3A_458 = arith.index_cast %add3A_446 : i32 to index
          %swap3A_459 = tpu.vector_load %arg11[%swap3A_457, %swap3A_458] {strides = array<i32>} : memref<32x1024xf32, #tpu.memory_space<vmem>>, vector<16xf32>,
          tpu.vector_store %arg11[%swap3A_457, %swap3A_458], %mul3A_456 {strides = array<i32>} : memref<32x1024xf32, #tpu.memory_space<vmem>>, vector<16xf32>,
        }
        %scan3A_156 = arith.constant 4 : i32
      }
      %scan3A_127 = arith.constant 16 : i32
      %shift_right_arithmetic3A_128 = arith.constant 3 : i32
      %shift_right_arithmetic3A_129 = arith.shrsi %add3A_106, %shift_right_arithmetic3A_128 : i32
      %and3A_130 = arith.constant 7 : i32
      %and3A_131 = arith.andi %add3A_106, %and3A_130 : i32
      %mul3A_132 = arith.constant 16 : i32
      %mul3A_133 = arith.muli %and3A_131, %mul3A_132 : i32
      %add3A_134 = arith.addi %mul3A_2, %mul3A_133 : i32
      %mul3A_135 = arith.constant 1024 : i32
      %mul3A_136 = arith.muli %shift_right_arithmetic3A_129, %mul3A_135 : i32
      %dma_start3A_137 = arith.constant 0 : i32
      %dma_start3A_138 = arith.constant 0 : i32
      %dma_start3A_139 = tpu.memref_slice %arg11[%dma_start3A_137, %dma_start3A_138] : memref<32x1024xf32, #tpu.memory_space<vmem>> -> memref<16x1024xf32, #tpu.memory_space<vmem>>
      %dma_start3A_140 = tpu.memref_slice %arg5[%add3A_134, %mul3A_136] : memref<4096x10240xf32, #tpu.memory_space<hbm>> -> memref<16x1024xf32, #tpu.memory_space<hbm>>
      %dma_start3A_141 = tpu.memref_slice %arg5[%add3A_134, %mul3A_136] : memref<4096x10240xf32, #tpu.memory_space<hbm>> -> memref<16x1024xf32, #tpu.memory_space<hbm>>
      %dma_start3A_142 = arith.constant 0 : i32
      %dma_start3A_143 = arith.constant 0 : i32
      %dma_start3A_144 = tpu.memref_slice %arg11[%dma_start3A_142, %dma_start3A_143] : memref<32x1024xf32, #tpu.memory_space<vmem>> -> memref<16x1024xf32, #tpu.memory_space<vmem>>
      tpu.enqueue_dma source(%dma_start3A_144 : memref<16x1024xf32, #tpu.memory_space<vmem>>) target(%dma_start3A_141 : memref<16x1024xf32, #tpu.memory_space<hbm>>) target_semaphore(%arg15 : memref<!tpu.dma_semaphore, #tpu.memory_space<semaphore_mem>>)
    }
    %scan3A_40 = arith.constant 40 : i32
    %add3A_41 = arith.constant 96 : i32
    %add3A_42 = arith.addi %mul3A_2, %add3A_41 : i32
    %dma_wait3A = arith.constant 0 : i32
    %dma_wait3A_43 = arith.constant 0 : i32
    %dma_wait3A_44 = tpu.memref_slice %arg10[%dma_wait3A, %dma_wait3A_43] : memref<32x1024xf32, #tpu.memory_space<vmem>> -> memref<16x1024xf32, #tpu.memory_space<vmem>>
    %dma_wait3A_45 = arith.constant 9216 : i32
    %dma_wait3A_46 = tpu.memref_slice %arg5[%add3A_42, %dma_wait3A_45] : memref<4096x10240xf32, #tpu.memory_space<hbm>> -> memref<16x1024xf32, #tpu.memory_space<hbm>>
    %dma_wait3A_47 = arith.constant 9216 : i32
    %dma_wait3A_48 = tpu.memref_slice %arg5[%add3A_42, %dma_wait3A_47] : memref<4096x10240xf32, #tpu.memory_space<hbm>> -> memref<16x1024xf32, #tpu.memory_space<hbm>>
    %dma_wait3A_49 = arith.constant 0 : i32
    %dma_wait3A_50 = arith.constant 0 : i32
    %dma_wait3A_51 = tpu.memref_slice %arg10[%dma_wait3A_49, %dma_wait3A_50] : memref<32x1024xf32, #tpu.memory_space<vmem>> -> memref<16x1024xf32, #tpu.memory_space<vmem>>
    tpu.wait_dma2 semaphore(%arg14 : memref<!tpu.dma_semaphore, #tpu.memory_space<semaphore_mem>>) src(%dma_wait3A_51 : memref<16x1024xf32, #tpu.memory_space<vmem>>) dst(%dma_wait3A_48 : memref<16x1024xf32, #tpu.memory_space<hbm>>)
    %add3A_52 = arith.constant 112 : i32
    %add3A_53 = arith.addi %mul3A_2, %add3A_52 : i32
    %dma_wait3A_54 = arith.constant 0 : i32
    %dma_wait3A_55 = arith.constant 0 : i32
    %dma_wait3A_56 = tpu.memref_slice %arg11[%dma_wait3A_54, %dma_wait3A_55] : memref<32x1024xf32, #tpu.memory_space<vmem>> -> memref<16x1024xf32, #tpu.memory_space<vmem>>
    %dma_wait3A_57 = arith.constant 9216 : i32
    %dma_wait3A_58 = tpu.memref_slice %arg5[%add3A_53, %dma_wait3A_57] : memref<4096x10240xf32, #tpu.memory_space<hbm>> -> memref<16x1024xf32, #tpu.memory_space<hbm>>
    %dma_wait3A_59 = arith.constant 9216 : i32
    %dma_wait3A_60 = tpu.memref_slice %arg5[%add3A_53, %dma_wait3A_59] : memref<4096x10240xf32, #tpu.memory_space<hbm>> -> memref<16x1024xf32, #tpu.memory_space<hbm>>
    %dma_wait3A_61 = arith.constant 0 : i32
    %dma_wait3A_62 = arith.constant 0 : i32
    %dma_wait3A_63 = tpu.memref_slice %arg11[%dma_wait3A_61, %dma_wait3A_62] : memref<32x1024xf32, #tpu.memory_space<vmem>> -> memref<16x1024xf32, #tpu.memory_space<vmem>>
    tpu.wait_dma2 semaphore(%arg15 : memref<!tpu.dma_semaphore, #tpu.memory_space<semaphore_mem>>) src(%dma_wait3A_63 : memref<16x1024xf32, #tpu.memory_space<vmem>>) dst(%dma_wait3A_60 : memref<16x1024xf32, #tpu.memory_space<hbm>>)
    return
  }
}

module attributes {stable_mosaic.version = 14 : i64} {
  func.func @_cs_body(%arg0: i32, %arg1: i32, %arg2: memref<1x2048x256xf32, #tpu.memory_space<vmem>>, %arg3: memref<1x2056x256xf32, #tpu.memory_space<vmem>>) attributes {dimension_semantics = [#tpu.dimension_semantics<arbitrary>, #tpu.dimension_semantics<arbitrary>], iteration_bounds = array<i64: 8, 4>, scalar_prefetch = 0 : i64, scratch_operands = 0 : i64, tpu.core_type = #tpu.core_type<tc>, window_params = [{transform_indices = @transform_0, window_bounds = array<i64: 1, 2048, 256>}, {transform_indices = @transform_1, window_bounds = array<i64: 1, 2056, 256>}]} {
    %get3A = arith.constant 0 : index
    %get3A_0 = arith.constant 0 : index
    %get3A_1 = arith.constant 0 : index
    %get3A_2 = vector.load %arg2[%get3A, %get3A_0, %get3A_1] : memref<1x2048x256xf32, #tpu.memory_space<vmem>>, vector<1x2048x256xf32>
    %get3A_3 = vector.shape_cast %get3A_2 : vector<1x2048x256xf32> to vector<2048x256xf32>
    %iota3A = tpu.iota {dimensions = array<i32: 0>} : vector<128x128xi32>
    %iota3A_4 = tpu.iota {dimensions = array<i32: 1>} : vector<128x128xi32>
    %ge3A = arith.cmpi sge, %iota3A, %iota3A_4 : vector<128x128xi32>
    %convert_element_type3A = arith.extui %ge3A : vector<128x128xi1> to vector<128x128xi32>
    %convert_element_type3A_5 = arith.sitofp %convert_element_type3A : vector<128x128xi32> to vector<128x128xf32>
    %broadcast_in_dim3A = arith.constant 0.000000e+00 : f32
    %broadcast_in_dim3A_6 = vector.broadcast %broadcast_in_dim3A : f32 to vector<1x256xf32>
    %broadcast_in_dim3A_7 = arith.constant 0.000000e+00 : f32
    %broadcast_in_dim3A_8 = vector.broadcast %broadcast_in_dim3A_7 : f32 to vector<1x256xf32>
    %slice3A = vector.extract_strided_slice %get3A_3 {offsets = [0, 0], sizes = [128, 256], strides = [1, 1]} : vector<2048x256xf32> to vector<128x256xf32>
    %dot_general3A = arith.constant dense<0.000000e+00> : vector<128x256xf32>
    %dot_general3A_9 = tpu.matmul %convert_element_type3A_5, %slice3A, %dot_general3A {dimension_numbers = #tpu.dot_dimension_numbers<[1], [0], [0], [1], [0, 0, 1, 1], [], []>, precision = #tpu.contract_precision<fp32>, transpose_lhs_hint = false} : vector<128x128xf32>, vector<128x256xf32>, vector<128x256xf32> -> vector<128x256xf32>
    %add3A = vector.broadcast %broadcast_in_dim3A_6 : vector<1x256xf32> to vector<128x256xf32>
    %add3A_10 = arith.addf %dot_general3A_9, %add3A : vector<128x256xf32>
    %slice3A_11 = vector.extract_strided_slice %add3A_10 {offsets = [127, 0], sizes = [1, 256], strides = [1, 1]} : vector<128x256xf32> to vector<1x256xf32>
    %slice3A_12 = vector.extract_strided_slice %get3A_3 {offsets = [128, 0], sizes = [128, 256], strides = [1, 1]} : vector<2048x256xf32> to vector<128x256xf32>
    %dot_general3A_13 = arith.constant dense<0.000000e+00> : vector<128x256xf32>
    %dot_general3A_14 = tpu.matmul %convert_element_type3A_5, %slice3A_12, %dot_general3A_13 {dimension_numbers = #tpu.dot_dimension_numbers<[1], [0], [0], [1], [0, 0, 1, 1], [], []>, precision = #tpu.contract_precision<fp32>, transpose_lhs_hint = false} : vector<128x128xf32>, vector<128x256xf32>, vector<128x256xf32> -> vector<128x256xf32>
    %add3A_15 = vector.broadcast %slice3A_11 : vector<1x256xf32> to vector<128x256xf32>
    %add3A_16 = arith.addf %dot_general3A_14, %add3A_15 : vector<128x256xf32>
    %slice3A_17 = vector.extract_strided_slice %add3A_16 {offsets = [127, 0], sizes = [1, 256], strides = [1, 1]} : vector<128x256xf32> to vector<1x256xf32>
    %slice3A_18 = vector.extract_strided_slice %get3A_3 {offsets = [256, 0], sizes = [128, 256], strides = [1, 1]} : vector<2048x256xf32> to vector<128x256xf32>
    %dot_general3A_19 = arith.constant dense<0.000000e+00> : vector<128x256xf32>
    %dot_general3A_20 = tpu.matmul %convert_element_type3A_5, %slice3A_18, %dot_general3A_19 {dimension_numbers = #tpu.dot_dimension_numbers<[1], [0], [0], [1], [0, 0, 1, 1], [], []>, precision = #tpu.contract_precision<fp32>, transpose_lhs_hint = false} : vector<128x128xf32>, vector<128x256xf32>, vector<128x256xf32> -> vector<128x256xf32>
    %add3A_21 = vector.broadcast %slice3A_17 : vector<1x256xf32> to vector<128x256xf32>
    %add3A_22 = arith.addf %dot_general3A_20, %add3A_21 : vector<128x256xf32>
    %slice3A_23 = vector.extract_strided_slice %add3A_22 {offsets = [127, 0], sizes = [1, 256], strides = [1, 1]} : vector<128x256xf32> to vector<1x256xf32>
    %slice3A_24 = vector.extract_strided_slice %get3A_3 {offsets = [384, 0], sizes = [128, 256], strides = [1, 1]} : vector<2048x256xf32> to vector<128x256xf32>
    %dot_general3A_25 = arith.constant dense<0.000000e+00> : vector<128x256xf32>
    %dot_general3A_26 = tpu.matmul %convert_element_type3A_5, %slice3A_24, %dot_general3A_25 {dimension_numbers = #tpu.dot_dimension_numbers<[1], [0], [0], [1], [0, 0, 1, 1], [], []>, precision = #tpu.contract_precision<fp32>, transpose_lhs_hint = false} : vector<128x128xf32>, vector<128x256xf32>, vector<128x256xf32> -> vector<128x256xf32>
    %add3A_27 = vector.broadcast %slice3A_23 : vector<1x256xf32> to vector<128x256xf32>
    %add3A_28 = arith.addf %dot_general3A_26, %add3A_27 : vector<128x256xf32>
    %slice3A_29 = vector.extract_strided_slice %add3A_28 {offsets = [127, 0], sizes = [1, 256], strides = [1, 1]} : vector<128x256xf32> to vector<1x256xf32>
    %slice3A_30 = vector.extract_strided_slice %get3A_3 {offsets = [512, 0], sizes = [128, 256], strides = [1, 1]} : vector<2048x256xf32> to vector<128x256xf32>
    %dot_general3A_31 = arith.constant dense<0.000000e+00> : vector<128x256xf32>
    %dot_general3A_32 = tpu.matmul %convert_element_type3A_5, %slice3A_30, %dot_general3A_31 {dimension_numbers = #tpu.dot_dimension_numbers<[1], [0], [0], [1], [0, 0, 1, 1], [], []>, precision = #tpu.contract_precision<fp32>, transpose_lhs_hint = false} : vector<128x128xf32>, vector<128x256xf32>, vector<128x256xf32> -> vector<128x256xf32>
    %add3A_33 = vector.broadcast %slice3A_29 : vector<1x256xf32> to vector<128x256xf32>
    %add3A_34 = arith.addf %dot_general3A_32, %add3A_33 : vector<128x256xf32>
    %slice3A_35 = vector.extract_strided_slice %add3A_34 {offsets = [127, 0], sizes = [1, 256], strides = [1, 1]} : vector<128x256xf32> to vector<1x256xf32>
    %slice3A_36 = vector.extract_strided_slice %get3A_3 {offsets = [640, 0], sizes = [128, 256], strides = [1, 1]} : vector<2048x256xf32> to vector<128x256xf32>
    %dot_general3A_37 = arith.constant dense<0.000000e+00> : vector<128x256xf32>
    %dot_general3A_38 = tpu.matmul %convert_element_type3A_5, %slice3A_36, %dot_general3A_37 {dimension_numbers = #tpu.dot_dimension_numbers<[1], [0], [0], [1], [0, 0, 1, 1], [], []>, precision = #tpu.contract_precision<fp32>, transpose_lhs_hint = false} : vector<128x128xf32>, vector<128x256xf32>, vector<128x256xf32> -> vector<128x256xf32>
    %add3A_39 = vector.broadcast %slice3A_35 : vector<1x256xf32> to vector<128x256xf32>
    %add3A_40 = arith.addf %dot_general3A_38, %add3A_39 : vector<128x256xf32>
    %slice3A_41 = vector.extract_strided_slice %add3A_40 {offsets = [127, 0], sizes = [1, 256], strides = [1, 1]} : vector<128x256xf32> to vector<1x256xf32>
    %slice3A_42 = vector.extract_strided_slice %get3A_3 {offsets = [768, 0], sizes = [128, 256], strides = [1, 1]} : vector<2048x256xf32> to vector<128x256xf32>
    %dot_general3A_43 = arith.constant dense<0.000000e+00> : vector<128x256xf32>
    %dot_general3A_44 = tpu.matmul %convert_element_type3A_5, %slice3A_42, %dot_general3A_43 {dimension_numbers = #tpu.dot_dimension_numbers<[1], [0], [0], [1], [0, 0, 1, 1], [], []>, precision = #tpu.contract_precision<fp32>, transpose_lhs_hint = false} : vector<128x128xf32>, vector<128x256xf32>, vector<128x256xf32> -> vector<128x256xf32>
    %add3A_45 = vector.broadcast %slice3A_41 : vector<1x256xf32> to vector<128x256xf32>
    %add3A_46 = arith.addf %dot_general3A_44, %add3A_45 : vector<128x256xf32>
    %slice3A_47 = vector.extract_strided_slice %add3A_46 {offsets = [127, 0], sizes = [1, 256], strides = [1, 1]} : vector<128x256xf32> to vector<1x256xf32>
    %slice3A_48 = vector.extract_strided_slice %get3A_3 {offsets = [896, 0], sizes = [128, 256], strides = [1, 1]} : vector<2048x256xf32> to vector<128x256xf32>
    %dot_general3A_49 = arith.constant dense<0.000000e+00> : vector<128x256xf32>
    %dot_general3A_50 = tpu.matmul %convert_element_type3A_5, %slice3A_48, %dot_general3A_49 {dimension_numbers = #tpu.dot_dimension_numbers<[1], [0], [0], [1], [0, 0, 1, 1], [], []>, precision = #tpu.contract_precision<fp32>, transpose_lhs_hint = false} : vector<128x128xf32>, vector<128x256xf32>, vector<128x256xf32> -> vector<128x256xf32>
    %add3A_51 = vector.broadcast %slice3A_47 : vector<1x256xf32> to vector<128x256xf32>
    %add3A_52 = arith.addf %dot_general3A_50, %add3A_51 : vector<128x256xf32>
    %slice3A_53 = vector.extract_strided_slice %add3A_52 {offsets = [127, 0], sizes = [1, 256], strides = [1, 1]} : vector<128x256xf32> to vector<1x256xf32>
    %slice3A_54 = vector.extract_strided_slice %get3A_3 {offsets = [1024, 0], sizes = [128, 256], strides = [1, 1]} : vector<2048x256xf32> to vector<128x256xf32>
    %dot_general3A_55 = arith.constant dense<0.000000e+00> : vector<128x256xf32>
    %dot_general3A_56 = tpu.matmul %convert_element_type3A_5, %slice3A_54, %dot_general3A_55 {dimension_numbers = #tpu.dot_dimension_numbers<[1], [0], [0], [1], [0, 0, 1, 1], [], []>, precision = #tpu.contract_precision<fp32>, transpose_lhs_hint = false} : vector<128x128xf32>, vector<128x256xf32>, vector<128x256xf32> -> vector<128x256xf32>
    %add3A_57 = vector.broadcast %slice3A_53 : vector<1x256xf32> to vector<128x256xf32>
    %add3A_58 = arith.addf %dot_general3A_56, %add3A_57 : vector<128x256xf32>
    %slice3A_59 = vector.extract_strided_slice %add3A_58 {offsets = [127, 0], sizes = [1, 256], strides = [1, 1]} : vector<128x256xf32> to vector<1x256xf32>
    %slice3A_60 = vector.extract_strided_slice %get3A_3 {offsets = [1152, 0], sizes = [128, 256], strides = [1, 1]} : vector<2048x256xf32> to vector<128x256xf32>
    %dot_general3A_61 = arith.constant dense<0.000000e+00> : vector<128x256xf32>
    %dot_general3A_62 = tpu.matmul %convert_element_type3A_5, %slice3A_60, %dot_general3A_61 {dimension_numbers = #tpu.dot_dimension_numbers<[1], [0], [0], [1], [0, 0, 1, 1], [], []>, precision = #tpu.contract_precision<fp32>, transpose_lhs_hint = false} : vector<128x128xf32>, vector<128x256xf32>, vector<128x256xf32> -> vector<128x256xf32>
    %add3A_63 = vector.broadcast %slice3A_59 : vector<1x256xf32> to vector<128x256xf32>
    %add3A_64 = arith.addf %dot_general3A_62, %add3A_63 : vector<128x256xf32>
    %slice3A_65 = vector.extract_strided_slice %add3A_64 {offsets = [127, 0], sizes = [1, 256], strides = [1, 1]} : vector<128x256xf32> to vector<1x256xf32>
    %slice3A_66 = vector.extract_strided_slice %get3A_3 {offsets = [1280, 0], sizes = [128, 256], strides = [1, 1]} : vector<2048x256xf32> to vector<128x256xf32>
    %dot_general3A_67 = arith.constant dense<0.000000e+00> : vector<128x256xf32>
    %dot_general3A_68 = tpu.matmul %convert_element_type3A_5, %slice3A_66, %dot_general3A_67 {dimension_numbers = #tpu.dot_dimension_numbers<[1], [0], [0], [1], [0, 0, 1, 1], [], []>, precision = #tpu.contract_precision<fp32>, transpose_lhs_hint = false} : vector<128x128xf32>, vector<128x256xf32>, vector<128x256xf32> -> vector<128x256xf32>
    %add3A_69 = vector.broadcast %slice3A_65 : vector<1x256xf32> to vector<128x256xf32>
    %add3A_70 = arith.addf %dot_general3A_68, %add3A_69 : vector<128x256xf32>
    %slice3A_71 = vector.extract_strided_slice %add3A_70 {offsets = [127, 0], sizes = [1, 256], strides = [1, 1]} : vector<128x256xf32> to vector<1x256xf32>
    %slice3A_72 = vector.extract_strided_slice %get3A_3 {offsets = [1408, 0], sizes = [128, 256], strides = [1, 1]} : vector<2048x256xf32> to vector<128x256xf32>
    %dot_general3A_73 = arith.constant dense<0.000000e+00> : vector<128x256xf32>
    %dot_general3A_74 = tpu.matmul %convert_element_type3A_5, %slice3A_72, %dot_general3A_73 {dimension_numbers = #tpu.dot_dimension_numbers<[1], [0], [0], [1], [0, 0, 1, 1], [], []>, precision = #tpu.contract_precision<fp32>, transpose_lhs_hint = false} : vector<128x128xf32>, vector<128x256xf32>, vector<128x256xf32> -> vector<128x256xf32>
    %add3A_75 = vector.broadcast %slice3A_71 : vector<1x256xf32> to vector<128x256xf32>
    %add3A_76 = arith.addf %dot_general3A_74, %add3A_75 : vector<128x256xf32>
    %slice3A_77 = vector.extract_strided_slice %add3A_76 {offsets = [127, 0], sizes = [1, 256], strides = [1, 1]} : vector<128x256xf32> to vector<1x256xf32>
    %slice3A_78 = vector.extract_strided_slice %get3A_3 {offsets = [1536, 0], sizes = [128, 256], strides = [1, 1]} : vector<2048x256xf32> to vector<128x256xf32>
    %dot_general3A_79 = arith.constant dense<0.000000e+00> : vector<128x256xf32>
    %dot_general3A_80 = tpu.matmul %convert_element_type3A_5, %slice3A_78, %dot_general3A_79 {dimension_numbers = #tpu.dot_dimension_numbers<[1], [0], [0], [1], [0, 0, 1, 1], [], []>, precision = #tpu.contract_precision<fp32>, transpose_lhs_hint = false} : vector<128x128xf32>, vector<128x256xf32>, vector<128x256xf32> -> vector<128x256xf32>
    %add3A_81 = vector.broadcast %slice3A_77 : vector<1x256xf32> to vector<128x256xf32>
    %add3A_82 = arith.addf %dot_general3A_80, %add3A_81 : vector<128x256xf32>
    %slice3A_83 = vector.extract_strided_slice %add3A_82 {offsets = [127, 0], sizes = [1, 256], strides = [1, 1]} : vector<128x256xf32> to vector<1x256xf32>
    %slice3A_84 = vector.extract_strided_slice %get3A_3 {offsets = [1664, 0], sizes = [128, 256], strides = [1, 1]} : vector<2048x256xf32> to vector<128x256xf32>
    %dot_general3A_85 = arith.constant dense<0.000000e+00> : vector<128x256xf32>
    %dot_general3A_86 = tpu.matmul %convert_element_type3A_5, %slice3A_84, %dot_general3A_85 {dimension_numbers = #tpu.dot_dimension_numbers<[1], [0], [0], [1], [0, 0, 1, 1], [], []>, precision = #tpu.contract_precision<fp32>, transpose_lhs_hint = false} : vector<128x128xf32>, vector<128x256xf32>, vector<128x256xf32> -> vector<128x256xf32>
    %add3A_87 = vector.broadcast %slice3A_83 : vector<1x256xf32> to vector<128x256xf32>
    %add3A_88 = arith.addf %dot_general3A_86, %add3A_87 : vector<128x256xf32>
    %slice3A_89 = vector.extract_strided_slice %add3A_88 {offsets = [127, 0], sizes = [1, 256], strides = [1, 1]} : vector<128x256xf32> to vector<1x256xf32>
    %slice3A_90 = vector.extract_strided_slice %get3A_3 {offsets = [1792, 0], sizes = [128, 256], strides = [1, 1]} : vector<2048x256xf32> to vector<128x256xf32>
    %dot_general3A_91 = arith.constant dense<0.000000e+00> : vector<128x256xf32>
    %dot_general3A_92 = tpu.matmul %convert_element_type3A_5, %slice3A_90, %dot_general3A_91 {dimension_numbers = #tpu.dot_dimension_numbers<[1], [0], [0], [1], [0, 0, 1, 1], [], []>, precision = #tpu.contract_precision<fp32>, transpose_lhs_hint = false} : vector<128x128xf32>, vector<128x256xf32>, vector<128x256xf32> -> vector<128x256xf32>
    %add3A_93 = vector.broadcast %slice3A_89 : vector<1x256xf32> to vector<128x256xf32>
    %add3A_94 = arith.addf %dot_general3A_92, %add3A_93 : vector<128x256xf32>
    %slice3A_95 = vector.extract_strided_slice %add3A_94 {offsets = [127, 0], sizes = [1, 256], strides = [1, 1]} : vector<128x256xf32> to vector<1x256xf32>
    %slice3A_96 = vector.extract_strided_slice %get3A_3 {offsets = [1920, 0], sizes = [128, 256], strides = [1, 1]} : vector<2048x256xf32> to vector<128x256xf32>
    %dot_general3A_97 = arith.constant dense<0.000000e+00> : vector<128x256xf32>
    %dot_general3A_98 = tpu.matmul %convert_element_type3A_5, %slice3A_96, %dot_general3A_97 {dimension_numbers = #tpu.dot_dimension_numbers<[1], [0], [0], [1], [0, 0, 1, 1], [], []>, precision = #tpu.contract_precision<fp32>, transpose_lhs_hint = false} : vector<128x128xf32>, vector<128x256xf32>, vector<128x256xf32> -> vector<128x256xf32>
    %add3A_99 = vector.broadcast %slice3A_95 : vector<1x256xf32> to vector<128x256xf32>
    %add3A_100 = arith.addf %dot_general3A_98, %add3A_99 : vector<128x256xf32>
    %broadcast_in_dim3A_101 = arith.constant 0.000000e+00 : f32
    %broadcast_in_dim3A_102 = vector.broadcast %broadcast_in_dim3A_101 : f32 to vector<7x256xf32>
    %concatenate3A = tpu.concatenate %broadcast_in_dim3A_8, %add3A_10, %add3A_16, %add3A_22, %add3A_28, %add3A_34, %add3A_40, %add3A_46, %add3A_52, %add3A_58, %add3A_64, %add3A_70, %add3A_76, %add3A_82, %add3A_88, %add3A_94, %add3A_100, %broadcast_in_dim3A_102 in 0 : vector<1x256xf32>, vector<128x256xf32>, vector<128x256xf32>, vector<128x256xf32>, vector<128x256xf32>, vector<128x256xf32>, vector<128x256xf32>, vector<128x256xf32>, vector<128x256xf32>, vector<128x256xf32>, vector<128x256xf32>, vector<128x256xf32>, vector<128x256xf32>, vector<128x256xf32>, vector<128x256xf32>, vector<128x256xf32>, vector<128x256xf32>, vector<7x256xf32> -> vector<2056x256xf32>
    %swap3A = arith.constant 0 : index
    %swap3A_103 = arith.constant 0 : index
    %swap3A_104 = arith.constant 0 : index
    %swap3A_105 = vector.load %arg3[%swap3A, %swap3A_103, %swap3A_104] : memref<1x2056x256xf32, #tpu.memory_space<vmem>>, vector<1x2056x256xf32>
    %swap3A_106 = vector.shape_cast %swap3A_105 : vector<1x2056x256xf32> to vector<2056x256xf32>
    %swap3A_107 = vector.shape_cast %concatenate3A : vector<2056x256xf32> to vector<1x2056x256xf32>
    tpu.vector_store %arg3[%swap3A, %swap3A_103, %swap3A_104], %swap3A_107 {strides = array<i32>} : memref<1x2056x256xf32, #tpu.memory_space<vmem>>, vector<1x2056x256xf32>,
    return
  }
  func.func @transform_0(%arg0: i32, %arg1: i32) -> (i32, i32, i32) {
    %c0_i32 = arith.constant 0 : i32
    %c0_i32_0 = arith.constant 0 : i32
    return %arg0, %c0_i32, %arg1 : i32, i32, i32
  }
  func.func @transform_1(%arg0: i32, %arg1: i32) -> (i32, i32, i32) {
    %c0_i32 = arith.constant 0 : i32
    %c0_i32_0 = arith.constant 0 : i32
    return %arg0, %c0_i32, %arg1 : i32, i32, i32
  }
}

</mosaic_0001>

<sc_bundles>
// kernel: kernel.4.cloned.1.call-start
scs
__scs_entry_jumppad:
0x0: {  	(pc) =	sbr.rel $0x88, $3  }
0x1: {  	(tag) =	ssettag $0x0;
	lr =	simm.s32 $0x1  }
0x2: {  	[smem:$0x3F9F] =	sst lr;
	_ =	strace $0xD0000000  }
0x3: {  	_ = 	snop  }
0x4: {  	_ = 	snop  }
0x5: {  	_ = 	snop  }
0x6: {  	_ = 	snop  }
0x7: {  	_ = 	snop  }
__scs_overlays_trampoline_lowered:
0x8: {  	[smem:$0x3FAE] =	sst s0  }
0x9: {  	[smem:$0x3FAF] =	sst s1  }
0xa: {  	[smem:$0x3FB0] =	sst s2  }
0xb: {  	[smem:$0x3FB1] =	sst s3  }
0xc: {  	[smem:$0x3FB2] =	sst s4  }
0xd: {  	[smem:$0x3FB3] =	sst s5  }
0xe: {  	[smem:$0x3FB4] =	sst s6  }
0xf: {  	[smem:$0x3FB5] =	sst s7  }
0x10: {  	[smem:$0x3FB6] =	sst s8  }
0x11: {  	[smem:$0x3FB7] =	sst s9;
	s0 =	simm.s32 @!p0 $0x0  }
0x12: {  	s1 =	sld [smem:$0x3F9D];
	s0 =	simm.s32 @p0 $0x1  }
0x13: {  	[smem:$0x3FB8] =	sst s0;
	s0 =	simm.s32 @!p1 $0x0  }
0x14: {  	s2 =	sld [smem:$0x3F9C];
	s0 =	simm.s32 @p1 $0x1  }
0x15: {  	[smem:$0x3FB9] =	sst s0;
	s0 =	simm.s32 @!p2 $0x0  }
0x16: {  	s3 =	sld [smem:$0x3FDB];
	s0 =	simm.s32 @p2 $0x1  }
0x17: {  	s4 =	simm.s32 $0x1BF5;
	[smem:$0x3FBB] =	sst s0  }
0x18: {  	s0 =	sld [smem:$0x3F9E];
	_ =	swait.ge [sflag:s4], $0x0  }
0x19: {  	s7 =	sld [smem:$0x3F9F]  }
0x1a: {  	s8 =	sadd.s32 $0xFFFFE003, lr  }
0x1b: {  	s9 =	sadd.s32 $0xFFFFFEF7, lr;
	s5 =	simm.s32 $0xFFFFFFFF;
	p2 =	slt.u32 s8, $0xFFFFF086  }
0x1c: {  	p1 =	slt.u32 s9, $0xF7A;
	s5 =	simm.s32 @!p2 $0x0  }
0x1d: {  	s5 =	simm.s32 @p1 $0x1;
	p0 =	seq.s32 s7, s2  }
0x1e: {  	s7 =	smul.u32 @!p0 $0xF7A, s2;
	p2 =	seq.s32 @!p0 s5, $0x0  }
0x1f: {  	s9 =	smul.u32 $0xF7A, s1;
	s8 =	simm.s32 @!p0 $0x1BF5;
	p2 =	por !p2, p0  }
0x20: {  	[sflag:s8] =	ssyncset.s32 @!p0 $0xFFFFF086;
	s6 =	sadd.s32 @!p0 s3, s7;
	s7 =	simm.s32 @!p0 $0x108  }
0x21: {  	s3 =	sadd.s32 s3, s9;
	s6 =	sadd.s32 @!p0 $0x88, s6;
	s7 =	simm.s32 @p2 $0x1082  }
0x22: {  	[simem:s7], [sflag:s8] =	dma.local @!p0 [hbm:s6], $0xF7A  }
0x23: {  	s9 =	sor.u32 $0xD0000000, s2;
	s6 =	simm.s32 $0x108;
	_ =	swait.ge @!p0 [sflag:s8], $0x0  }
0x24: {  	s3 =	sadd.s32 $0x88, s3;
	s6 =	simm.s32 @!p1 $0x1082;
	[sflag:s4] =	ssyncset.s32 $0xFFFFF086  }
0x25: {  	[simem:s6], [sflag:s4] =	dma.local [hbm:s3], $0xF7A  }
0x26: {  	[smem:$0x3F9F] =	sst s1;
	(tag) =	ssettag s2;
	_ =	strace s9  }
0x27: {  	s1 =	sld [smem:$0x3FAF]  }
0x28: {  	s2 =	sld [smem:$0x3FB0]  }
0x29: {  	s4 =	sld [smem:$0x3FB2]  }
0x2a: {  	p0 =	seq.s32 s5, $0x0;
	s5 =	sld [smem:$0x3FB3]  }
0x2b: {  	s6 =	sld [smem:$0x3FB4]  }
0x2c: {  	s7 =	sld [smem:$0x3FB5]  }
0x2d: {  	s3 =	simm.s32 $0x108;
	s8 =	sld [smem:$0x3FB6]  }
0x2e: {  	s3 =	simm.s32 @!p0 $0x1082;
	s9 =	sld [smem:$0x3FB7]  }
0x2f: {  	lr =	sadd.s32 s0, s3;
	s0 =	sld [smem:$0x3FAE]  }
0x30: {  	s3 =	sld [smem:$0x3FB1]  }
0x31: {  	[smem:$0x3FBA] =	sst s10  }
0x32: {  	s10 =	sld [smem:$0x3FB8];
	_ =	sdelay $0x3  }
0x33: {  	p0 =	seq.s32 s10, $0x1;
	s10 =	sld [smem:$0x3FBA];
	_ =	sdelay $0x3  }
0x34: {  	[smem:$0x3FBA] =	sst s10  }
0x35: {  	s10 =	sld [smem:$0x3FB9];
	_ =	sdelay $0x3  }
0x36: {  	p1 =	seq.s32 s10, $0x1;
	s10 =	sld [smem:$0x3FBA];
	_ =	sdelay $0x3  }
0x37: {  	[smem:$0x3FBA] =	sst s10  }
0x38: {  	s10 =	sld [smem:$0x3FBB]  }
0x39: {  	_ = 	snop;
	(pc) =	sbr.ind lr, $3  }
0x3a: {  	_ = 	snop  }
0x3b: {  	_ = 	snop  }
0x3c: {  	p2 =	seq.s32 s10, $0x1;
	s10 =	sld [smem:$0x3FBA]  }
0x3d: {  	_ =	shalt  }
0x3e: {  	_ =	shalt  }
0x3f: {  	_ =	shalt  }
0x40: {  	_ =	shalt  }
0x41: {  	_ =	shalt  }
0x42: {  	_ =	shalt  }
0x43: {  	_ =	shalt  }
0x44: {  	_ =	shalt  }
0x45: {  	_ =	shalt  }
0x46: {  	_ =	shalt  }
0x47: {  	_ =	shalt  }
0x48: {  	_ =	shalt  }
0x49: {  	_ =	shalt  }
0x4a: {  	_ =	shalt  }
0x4b: {  	_ =	shalt  }
0x4c: {  	_ =	shalt  }
0x4d: {  	_ =	shalt  }
0x4e: {  	_ =	shalt  }
0x4f: {  	_ =	shalt  }
0x50: {  	_ =	shalt  }
0x51: {  	_ =	shalt  }
0x52: {  	_ =	shalt  }
0x53: {  	_ =	shalt  }
0x54: {  	_ =	shalt  }
0x55: {  	_ =	shalt  }
0x56: {  	_ =	shalt  }
0x57: {  	_ =	shalt  }
0x58: {  	_ =	shalt  }
0x59: {  	_ =	shalt  }
0x5a: {  	_ =	shalt  }
0x5b: {  	_ =	shalt  }
0x5c: {  	_ =	shalt  }
0x5d: {  	_ =	shalt  }
0x5e: {  	_ =	shalt  }
0x5f: {  	_ =	shalt  }
0x60: {  	_ =	shalt  }
0x61: {  	_ =	shalt  }
0x62: {  	_ =	shalt  }
0x63: {  	_ =	shalt  }
0x64: {  	_ =	shalt  }
0x65: {  	_ =	shalt  }
0x66: {  	_ =	shalt  }
0x67: {  	_ =	shalt  }
0x68: {  	_ =	shalt  }
0x69: {  	_ =	shalt  }
0x6a: {  	_ =	shalt  }
0x6b: {  	_ =	shalt  }
0x6c: {  	_ =	shalt  }
0x6d: {  	_ =	shalt  }
0x6e: {  	_ =	shalt  }
0x6f: {  	_ =	shalt  }
0x70: {  	_ =	shalt  }
0x71: {  	_ =	shalt  }
0x72: {  	_ =	shalt  }
0x73: {  	_ =	shalt  }
0x74: {  	_ =	shalt  }
0x75: {  	_ =	shalt  }
0x76: {  	_ =	shalt  }
0x77: {  	_ =	shalt  }
0x78: {  	_ =	shalt  }
0x79: {  	_ =	shalt  }
0x7a: {  	_ =	shalt  }
0x7b: {  	_ =	shalt  }
0x7c: {  	_ =	shalt  }
0x7d: {  	_ =	shalt  }
0x7e: {  	_ =	shalt  }
0x7f: {  	_ =	shalt  }
0x80: {  	_ =	shalt  }
0x81: {  	_ =	shalt  }
0x82: {  	_ =	shalt  }
0x83: {  	_ =	shalt  }
0x84: {  	_ =	shalt  }
0x85: {  	_ =	shalt  }
0x86: {  	_ =	shalt  }
0x87: {  	_ =	shalt  }
.Lfunc_end0:
.L_simem_size_0:
called_computation_lowered:
.L_overlay_start_0:
0x88: {  	s2 =	sld [smem:$0x3FD9]  }
0x89: {  	s3 =	sld [smem:$0x3FFE];
	_ =	sdelay $0x1  }
0x8a: {  	s1 =	srdreg.scid  }
0x8b: {  	s0 =	sand.u32 $0x1, s1  }
0x8c: {  	s14 =	sshll.u32 s0, $0xA;
	s2 =	sadd.s32 s3, s2  }
0x8d: {  	s2 =	sadd.s32 s2, s14  }
0x8e: {  	[smem:$0x3FC6] =	sst s2  }
0x8f: {  	_ = 	snop  }
0x90: {  	s2 =	sld [smem:$0x3FD0];
	_ =	sdelay $0x2  }
0x91: {  	s15 =	simm.s32 $0xA;
	s4 =	simm.s32 $0x10  }
0x92: {  	[smem:s4], [sflag:s15] =	dma.local [hbm:s2], $0x1  }
0x93: {  	_ =	swait.eq [sflag:s15], $0x1  }
0x94: {  	[sflag:s15] =	ssyncset.done $0x0  }
0x95: {  	[sflag:s15] =	ssyncadd.s32 $0xFFFFFFFF  }
0x96: {  	s16 =	sld [smem:$0x10];
	(tm) =	ssettm $0x1  }
0x97: {  	s17 =	sld [smem:$0x3FFB];
	_ =	sdelay $0x3  }
0x98: {  	_ =	strace s17  }
0x99: {  	s3 =	sld [smem:$0x3FFC];
	_ =	sdelay $0x3  }
0x9a: {  	_ =	strace s3  }
0x9b: {  	s3 =	sld [smem:$0x3FFD];
	_ =	sdelay $0x3  }
0x9c: {  	_ =	strace s3  }
0x9d: {  	_ =	strace $0x8FFFFFFF  }
0x9e: {  	s18 =	sld [smem:$0x3FDB];
	_ =	sdelay $0x1  }
0x9f: {  	s19 =	simm.s32 $_scs_section_size  }
0xa0: {  	s5 =	simm.s32 $_size__tile_overlayer_lowered;
	s6 =	simm.s32 $_tile_overlayer_lowered  }
0xa1: {  	s22 =	simm.s32 $0x1BFF;
	s21 =	sshll.u32 s6, $0x1;
	s3 =	sadd.s32 s19, s18  }
0xa2: {  	s7 =	simm.s32 $0x0;
	s20 =	sshll.u32 s5, $0x1;
	s5 =	sadd.s32 s21, s3  }
0xa3: {  	[timem:s7], [sflag:s22] =	dma.local [hbm:s5], s20  }
0xa4: {  	_ =	swait.ge [sflag:s22], s20  }
0xa5: {  	s4 =	ssub.s32 $0x0, s20;
	[sflag:s22] =	ssyncset.done $0x0  }
0xa6: {  	[sflag:s22] =	ssyncadd.s32 s4;
	_ =	sdelay $0x1  }
0xa7: {  	s23 =	simm.s32 $0x1B8B  }
0xa8: {  	_ =	swait.ge [sflag:s23], $0x1  }
0xa9: {  	[sflag:s23] =	ssyncset.done $0x0  }
0xaa: {  	s25 =	simm.s32 $0x1B8E;
	s24 =	sld [smem:$0x3FFE];
	[sflag:s23] =	ssyncadd.s32 $0xFFFFFFFF  }
0xab: {  	s26 =	simm.s32 $execute0_lowered;
	[smem:$0x3FD2] =	sst s25  }
0xac: {  	s5 =	sshll.u32 s26, $0x1;
	_ =	strace $0x80000046;
	[dreg:$0x1] =	wrdreg $0xFFFFFFFF  }
0xad: {  	s28 =	simm.s32 $_size_execute0_lowered;
	s3 =	sadd.s32 s3, s5;
	[dreg:$0x0] =	wrdreg $0x0  }
0xae: {  	s5 =	sshll.u32 s28, $0x1;
	[dreg:$0x2] =	wrdreg s3  }
0xaf: {  	[dreg:$0x3] =	wrdreg s5  }
0xb0: {  	[dreg:$0x4] =	wrdreg $0xC0  }
0xb1: {  	_ =	task [dreg:s7], $0x5FFFF  }
0xb2: {  	[dreg:$0x1] =	wrdreg $0xFFFFFFFF  }
0xb3: {  	[dreg:$0x0] =	wrdreg $0x60  }
0xb4: {  	[dreg:$0x2] =	wrdreg s24  }
0xb5: {  	[dreg:$0x3] =	wrdreg s16  }
0xb6: {  	[dreg:$0x4] =	wrdreg $0x9  }
0xb7: {  	_ =	task.clear_ibuf [dreg:s7], $0x5FFFF;
	_ =	strace $0x90000046  }
0xb8: {  	s29 =	simm.s32 $0x9;
	_ =	strace $0x80000048  }
0xb9: {  	_ =	swait.ge [sflag:s29], $0x1  }
0xba: {  	[sflag:s29] =	ssyncadd.s32 $0xFFFFFFFF  }
0xbb: {  	_ =	strace $0x90000048  }
0xbc: {  	_ =	sfence  }
0xbd: {  	s30 =	sld [smem:$0x0];
	_ =	sdelay $0x2  }
0xbe: {  	s31 =	sshll.u32 s1, $0xD;
	s1 =	sshrl.u32 s1, $0x2  }
0xbf: {  	s3 =	sand.u32 $0x4000, s31;
	s1 =	sadd.s32 s1, s30  }
0xc0: {  	s0 =	sor.u32 s3, s0;
	s1 =	sshll.u32 s1, $0x11  }
0xc1: {  	s0 =	sor.u32 s1, s0  }
0xc2: {  	s0 =	sadd.s32 $0x8F2B, s0  }
0xc3: {  	[sflag:s0] =	ssyncadd.remote.s32 $0x1  }
0xc4: {  	_ =	sfence.sel $0xFFFF  }
0xc5: {  	[dreg:$0x0] =	wrdreg $0xFFFFFFFF;
	(pc) =	sbr.abs _section_cstart, $3  }
0xc6: {  	[dreg:$0x1] =	wrdreg $0xFFFFFFFF  }
0xc7: {  	_ =	task.clear_ibuf [dreg:s7], $0x2FFFF;
	_ =	strace $0x9FFFFFFF  }
0xc8: {  	(tm) =	ssettm $0x7FFFFFFF  }
0xc9: {  	_ =	shalt  }
tec
execute0_lowered:
.L_overlay_start_1:
0x0: {  	(tag) =	ssettag $0x1  }
0x1: {  	s0 =	rddreg [dreg:$0x0]  }
0x2: {  	s2 =	rddreg [dreg:$0x1];
	s1 =	srdreg.scid;
	s3 =	simm.s32 $0x0  }
0x3: {  	s7 =	stileid.u32;
	s13 =	simm.s32 $0x100;
	s14 =	simm.s32 $0xB00  }
0x4: {  	s15 =	simm.s32 $0x1000;
	s17 =	simm.s32 $0x2000;
	s28 =	simm.s32 $0xF000  }
0x5: {  	s29 =	simm.s32 $0xF800;
	s30 =	simm.s32 $0x10000;
	s31 =	simm.s32 $0x10800  }
0x6: {  	s12 =	simm.s32 $0x0;
	s1 =	sand.u32 $0x1, s1;
	[smem:$0x7FF] =	sst s3  }
0x7: {  	s23 =	sshll.u32 s7, $0x8;
	s5 =	sadd.s32 $0xA00, s0;
	s24 =	sshrl.u32 s7, $0x1  }
0x8: {  	s8 =	sadd.s32 $0xB00, s0;
	s9 =	sadd.s32 $0xC00, s0;
	s10 =	sadd.s32 $0xD00, s0  }
0x9: {  	s7 =	simm.s32 $0x2;
	s4 =	sshll.u32 s1, $0x7;
	s1 =	ssub.s32 $0x2, s1  }
0xa: {  	_ =	strace $0x80000047;
	s4 =	sor.u32 s4, s23;
	s6 =	sshrl.u32 s1, $0x1  }
0xb: {  	v0 =	vlaneseq.u32;
	v3 =	vimm.f32 $1.000000000e+00;
	v4 =	vimm.f32 $0.0e+00;
	s3 =	sshrl.u32 s4, $0x3;
	s1 =	ssub.s32 s1, s6;
	s6 =	smul.u32 $0x808, s24  }
0xc: {  	vm0 =	vmmov $0xffff;
	v2 =	vor.u32 $0x10, v0;
	v5 =	vor.u32 $0x80, v0;
	s3 =	sadd.s32 s3, s0;
	s26 =	smax.u32 s1, $0x1;
	s0 =	simm.s32 $0x9000  }
0xd: {  	v6 =	vor.u32 $0x100, v0;
	v7 =	vor.u32 $0x180, v0;
	v8 =	vor.u32 $0x200, v0;
	s25 =	sadd.s32 $0x800, s3;
	s3 =	sadd.s32 $0x600, s3;
	[dreg:$0x5] =	wrdreg s26  }
0xe: {  	v9 =	vor.u32 $0x280, v0;
	v10 =	vor.u32 $0x300, v0;
	v1 =	vmov s6;
	s26 =	simm.s32 $0xE800;
	s6 =	simm.s32 $0x14000;
	[dreg:$0x3] =	wrdreg s25  }
0xf: {  	v11 =	vor.u32 $0x380, v0;
	v12 =	vor.u32 $0x400, v0;
	v13 =	vor.u32 $0x480, v0;
	[dreg:$0x4] =	wrdreg s3;
	s25 =	simm.s32 $0xE000;
	s3 =	simm.s32 $0x1  }
.LBB2_1:
0x10: {  	[dreg:$0x6] =	wrdreg s12  }
0x11: {  	s11 =	simm.s32 $0x0;
	s1 =	rddreg [dreg:$0x3];
	s16 =	simm.s32 $0x5  }
0x12: {  	[tilespmem:s11], [sflag:$0x5] =	stream.linear.gather [hbm4b:s1+s11], $0x80, $0x38;
	[tilespmem:$0x11000] =	vst v63  }
0x13: {  	_ =	swait.ge [sflag:s16], $0x80  }
0x14: {  	[sflag:s16] =	ssyncset.done $0x0  }
0x15: {  	s1 =	simm.s32 $0x80;
	s24 =	rddreg [dreg:$0x4];
	[sflag:s16] =	ssyncadd.s32 $0xFFFFFF80  }
0x16: {  	[tilespmem:s1], [sflag:$0x5] =	stream.linear.gather [hbm4b:s24+s11], $0x80, $0x38;
	[tilespmem:$0x11000] =	vst v63  }
0x17: {  	_ =	swait.ge [sflag:s16], $0x80  }
0x18: {  	[sflag:s16] =	ssyncset.done $0x0  }
0x19: {  	s12 =	simm.s32 $0x0;
	s11 =	simm.s32 $0x0;
	[sflag:s16] =	ssyncadd.s32 $0xFFFFFF80  }
.LBB2_2:
0x1a: {  	v17 =	vld [tilespmem:s11+$0x0]  }
0x1b: {  	v14 =	vld [tilespmem:s1+$0x0];
	v29 =	vor.u32 s12, v5  }
0x1c: {  	v31 =	vshll.u32 v29, $0x1  }
0x1d: {  	v48 =	vmov s12;
	v32 =	vand.u32 $0x1E0, v31  }
0x1e: {  	v27 =	vor.u32 s12, v0;
	v35 =	vor.u32 v0, v32;
	v32 =	vor.u32 v2, v32  }
0x1f: {  	v31 =	vand.u32 $0x180, v31;
	v35 =	vand.u32 $0x6F, v35;
	v32 =	vand.u32 $0x7F, v32  }
0x20: {  	v15 =	vsub.s32 v14, v17;
	v20 =	vadd.s32 $0x1, v17;
	v24 =	vadd.s32 v1, v17  }
0x21: {  	v28 =	vadd.s32 $0x2, v17;
	v35 =	vor.u32 v31, v35;
	v52 =	vadd.s32 $0x3, v17  }
0x22: {  	v31 =	vor.u32 v31, v32;
	v44 =	vadd.s32 $0x4, v17;
	v16 =	vadd.s32 $0xFFFFFFFE, v15  }
0x23: {  	v23 =	vadd.s32 v1, v20;
	v25 =	vadd.s32 $0xFFFFFFFD, v15;
	vm3 =	vgt.s32 v15, $0x2  }
0x24: {  	v36 =	vadd.s32 $0xFFFFFFFC, v15;
	v55 =	vadd.s32 $0xFFFFFFFB, v15;
	v59 =	vadd.s32 $0xFFFFFFFA, v15  }
0x25: {  	v62 =	vadd.s32 $0xFFFFFFF9, v15;
	vm1 =	vgt.s32 v16, $0x0;
	vm2 =	vlt.u32 v25, $0x8  }
0x26: {  	v33 =	vnsel vm3, $0x0, v20;
	vm3 =	vlt.u32 v59, $0x5;
	v19 =	vnsel vm1, $0x0, v16  }
0x27: {  	vm1 =	vgt.s32 v15, $0xA;
	v30 =	vnsel vm2, $0x0, v28;
	v34 =	vsel vm2, $0x3F800000, v4  }
0x28: {  	v33 =	vadd.s32 v1, v33;
	vm2 =	vlt.u32 v36, $0x7;
	v21 =	vshrl.u32 v19, $0x3  }
0x29: {  	v18 =	vand.u32 $0x7, v19;
	v39 =	vnsel vm2, $0x0, v52;
	v28 =	vnsel vm2, $0x0, v28  }
0x2a: {  	v53 =	vsel vm2, $0x3F800000, v4;
	vm2 =	vlt.u32 v55, $0x6;
	v19 =	vand.u32 $0x7FFFFFF8, v19  }
0x2b: {  	v47 =	vadd.s32 v18, v21;
	v49 =	vadd.s32 v20, v21;
	v37 =	vshll.u32 v21, $0x1  }
0x2c: {  	v42 =	vmul.u32 $0x3, v21;
	v46 =	vnsel vm2, $0x0, v44;
	v44 =	vnsel vm3, $0x0, v44  }
0x2d: {  	v19 =	vadd.s32 v20, v19;
	v16 =	vmax.u32 v47, $0x1;
	v50 =	vadd.s32 v18, v49  }
0x2e: {  	v51 =	vadd.s32 v20, v37;
	v25 =	vsel vm1, v49, v28;
	v37 =	vnsel vm2, $0x0, v52  }
0x2f: {  	v16 =	vcvt.s32.f32 v16;
	v30 =	vsel vm1, v50, v30;
	v38 =	vadd.s32 v18, v51  }
0x30: {  	v56 =	vadd.s32 v20, v42;
	v42 =	vor.u32 s12, v7;
	v36 =	vsel vm1, v51, v37  }
0x31: {  	v50 =	vadd.s32 $0x5, v17;
	v30 =	vadd.s32 v1, v30;
	v32 =	vsel vm1, v38, v39  }
0x32: {  	v38 =	vor.u32 s12, v6;
	v43 =	vadd.s32 v18, v56;
	v45 =	vshll.u32 v42, $0x1  }
0x33: {  	v52 =	vnsel vm3, $0x0, v50;
	(erf) = vrcp.f32 v16;
	v16 =	vshll.u32 v48, $0x1  }
0x34: {  	v40 =	vshll.u32 v38, $0x1;
	v47 =	vand.u32 $0x3E0, v45;
	v43 =	vsel vm1, v43, v46  }
0x35: {  	v45 =	vand.u32 $0x380, v45;
	v48 =	vshll.u32 v21, $0x2;
	v32 =	vadd.s32 v1, v32  }
0x36: {  	v22 =	vor.u32 v0, v16;
	v26 =	vor.u32 v2, v16;
	v54 =	vand.u32 $0x2E0, v40  }
0x37: {  	v40 =	vand.u32 $0x280, v40;
	v57 =	vor.u32 v0, v47;
	v58 =	vor.u32 v2, v47  }
0x38: {  	v47 =	vsel vm2, $0x3F800000, v4;
	vm2 =	vlt.u32 v62, $0x4;
	v41 =	vor.u32 v0, v54  }
0x39: {  	v39 =	vor.u32 v2, v54;
	v37 =	vand.u32 $0x6F, v57;
	v46 =	vand.u32 $0x7F, v58  }
0x3a: {  	v54 =	vmul.u32 $0x5, v21;
	v50 =	vnsel vm2, $0x0, v50;
	v41 =	vand.u32 $0x6F, v41  }
0x3b: {  	v39 =	vand.u32 $0x7F, v39;
	v37 =	vor.u32 v45, v37;
	v45 =	vor.u32 v45, v46  }
0x3c: {  	v46 =	vadd.s32 v20, v48;
	v41 =	vor.u32 v40, v41;
	v39 =	vor.u32 v40, v39  }
0x3d: {  	v48 =	vor.u32 s12, v8;
	v49 =	vadd.s32 v18, v46;
	v40 =	vsel vm1, v56, v44;
	[tilespmem:v22+s13+$0x0] =	vst.idx.msk $0xffff, v23  }
0x3e: {  	v51 =	vshll.u32 v48, $0x1;
	v46 =	vsel vm1, v46, v50;
	v50 =	vadd.s32 v1, v36;
	[tilespmem:v26+s13+$0x0] =	vst.idx.msk $0xffff, v24  }
0x3f: {  	v49 =	vsel vm1, v49, v52;
	v22 =	vadd.s32 v1, v25;
	v24 =	vsel vm3, $0x3F800000, v4;
	[tilespmem:v27+s14+$0x0] =	vst.idx.msk $0xffff, v3;
	v16 =	vpop (erf)  }
0x40: {  	v27 =	vadd.s32 $0x7, v17;
	[tilespmem:v35+s13+$0x0] =	vst.idx.msk $0xffff, v30;
	v30 =	vor.u32 s12, v10;
	v34 =	vsel vm1, v16, v34  }
0x41: {  	v28 =	vsel vm1, v16, v53;
	v53 =	vand.u32 $0x4E0, v51;
	v51 =	vand.u32 $0x480, v51  }
0x42: {  	v47 =	vsel vm1, v16, v47;
	v24 =	vsel vm1, v16, v24;
	v60 =	vor.u32 v0, v53  }
0x43: {  	[tilespmem:v31+s13+$0x0] =	vst.idx.msk $0xffff, v33;
	v61 =	vor.u32 v2, v53;
	v53 =	vadd.s32 $0x6, v17;
	v44 =	vand.u32 $0x6F, v60  }
0x44: {  	[tilespmem:v29+s14+$0x0] =	vst.idx.msk $0xffff, v34;
	v34 =	vor.u32 s12, v11;
	v52 =	vand.u32 $0x7F, v61;
	v44 =	vor.u32 v51, v44  }
0x45: {  	v51 =	vor.u32 v51, v52;
	v52 =	vadd.s32 v20, v54;
	v54 =	vor.u32 s12, v9  }
0x46: {  	v56 =	vnsel vm2, $0x0, v53;
	v55 =	vadd.s32 v18, v52;
	v57 =	vshll.u32 v54, $0x1  }
0x47: {  	v55 =	vsel vm1, v55, v56;
	v63 =	vand.u32 $0x5E0, v57;
	v59 =	vand.u32 $0x580, v57  }
0x48: {  	v56 =	vmul.u32 $0x6, v21;
	v21 =	vmul.u32 $0x7, v21;
	v58 =	vor.u32 v0, v63  }
0x49: {  	v61 =	vor.u32 v2, v63;
	v63 =	vadd.s32 $0xFFFFFFF8, v15;
	v60 =	vand.u32 $0x6F, v58  }
0x4a: {  	v62 =	vand.u32 $0x7F, v61;
	vm3 =	vlt.u32 v63, $0x3;
	v26 =	vadd.s32 v20, v56  }
0x4b: {  	v21 =	vadd.s32 v20, v21;
	v25 =	vor.u32 v59, v60;
	v23 =	vor.u32 v59, v62  }
0x4c: {  	v57 =	vadd.s32 v18, v26;
	v58 =	vnsel vm3, $0x0, v27;
	v59 =	vshll.u32 v30, $0x1  }
0x4d: {  	v60 =	vnsel vm3, $0x0, v53;
	v62 =	vadd.s32 v1, v43;
	v53 =	vadd.s32 v1, v49  }
0x4e: {  	[tilespmem:v41+s13+$0x0] =	vst.idx.msk $0xffff, v32;
	v43 =	vsel vm3, $0x3F800000, v4;
	v29 =	vsel vm1, v57, v58;
	v61 =	vand.u32 $0x6E0, v59  }
0x4f: {  	[tilespmem:v39+s13+$0x0] =	vst.idx.msk $0xffff, v22;
	v31 =	vsel vm1, v52, v60;
	v35 =	vand.u32 $0x680, v59;
	v57 =	vadd.s32 $0xFFFFFFF7, v15  }
0x50: {  	[tilespmem:v38+s14+$0x0] =	vst.idx.msk $0xffff, v28;
	v58 =	vsel vm2, $0x3F800000, v4;
	v59 =	vadd.s32 v18, v21;
	v18 =	vadd.s32 v18, v19  }
0x51: {  	[tilespmem:v37+s13+$0x0] =	vst.idx.msk $0xffff, v62;
	v63 =	vor.u32 v0, v61;
	v33 =	vor.u32 v2, v61;
	vm2 =	vlt.u32 v57, $0x2  }
0x52: {  	[tilespmem:v45+s13+$0x0] =	vst.idx.msk $0xffff, v50;
	v61 =	vshll.u32 v34, $0x1;
	v28 =	vsel vm1, v16, v58;
	v45 =	vadd.s32 v1, v46  }
0x53: {  	v46 =	vadd.s32 v1, v29;
	v50 =	vor.u32 s12, v12;
	v52 =	vand.u32 $0x6F, v63  }
0x54: {  	v56 =	vand.u32 $0x7F, v33;
	v33 =	vadd.s32 $0x8, v17;
	v27 =	vnsel vm2, $0x0, v27  }
0x55: {  	[tilespmem:v42+s14+$0x0] =	vst.idx.msk $0xffff, v47;
	v62 =	vand.u32 $0x7E0, v61;
	v37 =	vand.u32 $0x780, v61;
	v42 =	vadd.s32 v1, v40  }
0x56: {  	v47 =	vadd.s32 v1, v31;
	v17 =	vadd.s32 $0x9, v17;
	v36 =	vor.u32 v35, v52  }
0x57: {  	v22 =	vor.u32 v35, v56;
	v26 =	vsel vm1, v26, v27;
	v63 =	vor.u32 v0, v62  }
0x58: {  	v60 =	vnsel vm2, $0x0, v33;
	v35 =	vor.u32 v2, v62;
	[tilespmem:v44+s13+$0x0] =	vst.idx.msk $0xffff, v53;
	v44 =	vadd.s32 v1, v55  }
0x59: {  	v55 =	vor.u32 s12, v13;
	v32 =	vsel vm1, v59, v60;
	v27 =	vand.u32 $0x6F, v63;
	[tilespmem:v51+s13+$0x0] =	vst.idx.msk $0xffff, v42  }
0x5a: {  	v35 =	vand.u32 $0x7F, v35;
	v51 =	vshll.u32 v50, $0x1;
	v26 =	vadd.s32 v1, v26;
	[tilespmem:v48+s14+$0x0] =	vst.idx.msk $0xffff, v24  }
0x5b: {  	v56 =	vshll.u32 v55, $0x1;
	v27 =	vor.u32 v37, v27;
	v35 =	vor.u32 v37, v35;
	[tilespmem:v25+s13+$0x0] =	vst.idx.msk $0xffff, v44  }
0x5c: {  	v37 =	vsel vm1, v16, v43;
	v48 =	vsel vm2, $0x3F800000, v4;
	vm2 =	veq.s32 v15, $0xA;
	[tilespmem:v23+s13+$0x0] =	vst.idx.msk $0xffff, v45  }
0x5d: {  	v52 =	vadd.s32 v1, v32;
	v53 =	vand.u32 $0x8E0, v51;
	v19 =	vand.u32 $0x880, v51;
	[tilespmem:v54+s14+$0x0] =	vst.idx.msk $0xffff, v28  }
0x5e: {  	v57 =	vand.u32 $0x9E0, v56;
	v17 =	vnsel vm2, $0x0, v17;
	v54 =	vor.u32 v0, v53;
	[tilespmem:v36+s13+$0x0] =	vst.idx.msk $0xffff, v46  }
0x5f: {  	v17 =	vsel vm1, v18, v17;
	v18 =	vor.u32 v2, v53;
	[tilespmem:v22+s13+$0x0] =	vst.idx.msk $0xffff, v47;
	v22 =	vand.u32 $0x6F, v54  }
0x60: {  	v49 =	vsel vm1, v16, v48;
	v18 =	vand.u32 $0x7F, v18;
	v22 =	vor.u32 v19, v22  }
0x61: {  	v59 =	vand.u32 $0x980, v56;
	v58 =	vor.u32 v0, v57;
	v18 =	vor.u32 v19, v18;
	[tilespmem:v30+s14+$0x0] =	vst.idx.msk $0xffff, v37  }
0x62: {  	v60 =	vnsel vm2, $0x0, v33;
	v23 =	vor.u32 v2, v57;
	v19 =	vand.u32 $0x6F, v58;
	[tilespmem:v27+s13+$0x0] =	vst.idx.msk $0xffff, v52  }
0x63: {  	v21 =	vsel vm1, v21, v60;
	v23 =	vand.u32 $0x7F, v23;
	v19 =	vor.u32 v59, v19;
	[tilespmem:v35+s13+$0x0] =	vst.idx.msk $0xffff, v26  }
0x64: {  	v17 =	vadd.s32 v1, v17;
	v23 =	vor.u32 v59, v23;
	[tilespmem:v34+s14+$0x0] =	vst.idx.msk $0xffff, v49  }
0x65: {  	p0 =	sne.s32 s12, $0x70;
	v61 =	vsel vm2, $0x3F800000, v4;
	vm2 =	vgt.s32 v15, $0x1;
	v62 =	vadd.s32 v1, v21;
	[tilespmem:v22+s13+$0x0] =	vst.idx.msk $0xffff, v17  }
.Ltmp0:
0x66: {  	v15 =	vsel vm1, v16, v61;
	v63 =	vnsel vm2, $0x0, v14;
	v14 =	vadd.s32 $0xFFFFFFFF, v14;
	[tilespmem:v18+s13+$0x0] =	vst.idx.msk $0xffff, v62;
	(pc) =	sbr.rel @p0 .LBB2_2-.Ltmp0, $4  }
0x67: {  	v14 =	vnsel vm2, $0x0, v14;
	[tilespmem:v50+s14+$0x0] =	vst.idx.msk $0xffff, v15;
	v15 =	vadd.s32 v1, v63  }
0x68: {  	v14 =	vadd.s32 v1, v14;
	[tilespmem:v19+s13+$0x0] =	vst.idx.msk $0xffff, v15  }
0x69: {  	v15 =	vsel vm2, $0x3F800000, v4;
	[tilespmem:v23+s13+$0x0] =	vst.idx.msk $0xffff, v14  }
0x6a: {  	s11 =	sadd.s32 $0x10, s11;
	s1 =	sadd.s32 $0x10, s1;
	s12 =	sadd.s32 $0x10, s12;
	[tilespmem:v55+s14+$0x0] =	vst.idx.msk $0xffff, v15  }
0x6b: {  	v14 =	vld [tilespmem:$0x100];
	_ =	sdelay $0x4  }
0x6c: {  	v15 =	vshll.u32 v14, $0x3  }
0x6d: {  	v14 =	vand.u32 $0x7, v14;
	v15 =	vand.u32 $0xFFFFFFC0, v15  }
0x6e: {  	v17 =	vor.u32 v14, v15;
	v14 =	vand.u32 $0x7, v0;
	v15 =	vshrl.u32 v0, $0x3  }
0x6f: {  	v16 =	vperm.xlane v17, v14;
	v15 =	vmul.u32 $0x8, v15;
	_ =	sdelay $0x1  }
0x70: {  	v18 =	vadd.s32 v15, v16;
	_ =	sdelay $0x3  }
0x71: {  	s12 =	simm.s32 $0x0  }
0x72: {  	v16 =	vor.u32 $0x8, v0;
	[tilespmem:s15], [sflag:$0x1] =	stream.indirect_vreg.gather [hbm4b:s5+s12], $0x80, v18, vm0, $0xb8;
	[tilespmem:$0x11000] =	vst v63  }
0x73: {  	s1 =	simm.s32 $0x1800;
	v17 =	vperm.xlane v17, v16  }
0x74: {  	[tilespmem:s1], [sflag:$0x1] =	stream.indirect_vreg.gather [hbm4b:s8+s12], $0x80, v18, vm0, $0xb8;
	[tilespmem:$0x11000] =	vst v63  }
0x75: {  	v17 =	vadd.s32 v15, v17  }
0x76: {  	[tilespmem:s17], [sflag:$0x1] =	stream.indirect_vreg.gather [hbm4b:s9+s12], $0x80, v18, vm0, $0xb8;
	[tilespmem:$0x11000] =	vst v63  }
0x77: {  	s21 =	simm.s32 $0x2800  }
0x78: {  	[tilespmem:s21], [sflag:$0x1] =	stream.indirect_vreg.gather [hbm4b:s10+s12], $0x80, v18, vm0, $0xb8;
	[tilespmem:$0x11000] =	vst v63  }
0x79: {  	s22 =	simm.s32 $0x3000  }
0x7a: {  	[tilespmem:s22], [sflag:$0x1] =	stream.indirect_vreg.gather [hbm4b:s5+s12], $0x80, v17, vm0, $0xb8;
	[tilespmem:$0x11000] =	vst v63  }
0x7b: {  	s23 =	simm.s32 $0x3800  }
0x7c: {  	[tilespmem:s23], [sflag:$0x1] =	stream.indirect_vreg.gather [hbm4b:s8+s12], $0x80, v17, vm0, $0xb8;
	[tilespmem:$0x11000] =	vst v63  }
0x7d: {  	s24 =	simm.s32 $0x4000  }
0x7e: {  	[tilespmem:s24], [sflag:$0x1] =	stream.indirect_vreg.gather [hbm4b:s9+s12], $0x80, v17, vm0, $0xb8;
	[tilespmem:$0x11000] =	vst v63  }
0x7f: {  	s11 =	simm.s32 $0x4800  }
0x80: {  	[tilespmem:s11], [sflag:$0x1] =	stream.indirect_vreg.gather [hbm4b:s10+s12], $0x80, v17, vm0, $0xb8;
	[tilespmem:$0x11000] =	vst v63  }
0x81: {  	v17 =	vld [tilespmem:$0x110];
	_ =	sdelay $0x4  }
0x82: {  	v18 =	vshll.u32 v17, $0x3  }
0x83: {  	v17 =	vand.u32 $0x7, v17;
	v18 =	vand.u32 $0xFFFFFFC0, v18  }
0x84: {  	v17 =	vor.u32 v17, v18  }
0x85: {  	v18 =	vperm.xlane v17, v14;
	_ =	sdelay $0x1  }
0x86: {  	v18 =	vadd.s32 v15, v18;
	_ =	sdelay $0x3  }
0x87: {  	s16 =	simm.s32 $0x5000  }
0x88: {  	[tilespmem:s16], [sflag:$0x1] =	stream.indirect_vreg.gather [hbm4b:s5+s12], $0x80, v18, vm0, $0xb8;
	[tilespmem:$0x11000] =	vst v63  }
0x89: {  	s18 =	simm.s32 $0x5800;
	v17 =	vperm.xlane v17, v16  }
0x8a: {  	[tilespmem:s18], [sflag:$0x1] =	stream.indirect_vreg.gather [hbm4b:s8+s12], $0x80, v18, vm0, $0xb8;
	[tilespmem:$0x11000] =	vst v63  }
0x8b: {  	s19 =	simm.s32 $0x6000;
	v17 =	vadd.s32 v15, v17  }
0x8c: {  	[tilespmem:s19], [sflag:$0x1] =	stream.indirect_vreg.gather [hbm4b:s9+s12], $0x80, v18, vm0, $0xb8;
	[tilespmem:$0x11000] =	vst v63  }
0x8d: {  	s20 =	simm.s32 $0x6800  }
0x8e: {  	[tilespmem:s20], [sflag:$0x1] =	stream.indirect_vreg.gather [hbm4b:s10+s12], $0x80, v18, vm0, $0xb8;
	[tilespmem:$0x11000] =	vst v63  }
0x8f: {  	s21 =	simm.s32 $0x7000  }
0x90: {  	[tilespmem:s21], [sflag:$0x1] =	stream.indirect_vreg.gather [hbm4b:s5+s12], $0x80, v17, vm0, $0xb8;
	[tilespmem:$0x11000] =	vst v63  }
0x91: {  	s22 =	simm.s32 $0x7800  }
0x92: {  	[tilespmem:s22], [sflag:$0x1] =	stream.indirect_vreg.gather [hbm4b:s8+s12], $0x80, v17, vm0, $0xb8;
	[tilespmem:$0x11000] =	vst v63  }
0x93: {  	s23 =	simm.s32 $0x8000  }
0x94: {  	[tilespmem:s23], [sflag:$0x1] =	stream.indirect_vreg.gather [hbm4b:s9+s12], $0x80, v17, vm0, $0xb8;
	[tilespmem:$0x11000] =	vst v63  }
0x95: {  	s24 =	simm.s32 $0x8800;
	s11 =	simm.s32 $0x0  }
0x96: {  	[tilespmem:s24], [sflag:$0x1] =	stream.indirect_vreg.gather [hbm4b:s10+s12], $0x80, v17, vm0, $0xb8;
	[tilespmem:$0x11000] =	vst v63  }
.LBB2_4:
0x97: {  	p0 =	seq.s32 s11, $0x0  }
0x98: {  	s16 =	simm.s32 @!p0 $0x4  }
0x99: {  	s1 =	sshllo.u32 s11, $0x1;
	_ =	swait.ge @!p0 [sflag:s16], $0x4000  }
0x9a: {  	s18 =	sshll.u32 s1, $0x5;
	[sflag:s16] =	ssyncset.done @!p0 $0x0  }
0x9b: {  	[sflag:s16] =	ssyncadd.s32 @!p0 $0xFFFFC000;
	s16 =	sand.u32 $0x3FFFFFE0, s18  }
0x9c: {  	v17 =	vld [tilespmem:s16+$0x100];
	_ =	sdelay $0x4  }
0x9d: {  	v18 =	vshll.u32 v17, $0x3  }
0x9e: {  	v17 =	vand.u32 $0x7, v17;
	v18 =	vand.u32 $0xFFFFFFC0, v18  }
0x9f: {  	v17 =	vor.u32 v17, v18  }
0xa0: {  	v18 =	vperm.xlane v17, v14;
	_ =	sdelay $0x1  }
0xa1: {  	v18 =	vadd.s32 v15, v18;
	_ =	sdelay $0x4  }
0xa2: {  	[tilespmem:s0], [sflag:$0x2] =	stream.indirect_vreg.gather [hbm4b:s5+s12], $0x80, v18, vm0, $0xb8;
	[tilespmem:$0x11000] =	vst v63  }
0xa3: {  	s22 =	simm.s32 $0x9800;
	v17 =	vperm.xlane v17, v16  }
0xa4: {  	[tilespmem:s22], [sflag:$0x2] =	stream.indirect_vreg.gather [hbm4b:s8+s12], $0x80, v18, vm0, $0xb8;
	[tilespmem:$0x11000] =	vst v63  }
0xa5: {  	s23 =	simm.s32 $0xA000;
	v17 =	vadd.s32 v15, v17  }
0xa6: {  	[tilespmem:s23], [sflag:$0x2] =	stream.indirect_vreg.gather [hbm4b:s9+s12], $0x80, v18, vm0, $0xb8;
	[tilespmem:$0x11000] =	vst v63  }
0xa7: {  	s24 =	simm.s32 $0xA800  }
0xa8: {  	[tilespmem:s24], [sflag:$0x2] =	stream.indirect_vreg.gather [hbm4b:s10+s12], $0x80, v18, vm0, $0xb8;
	[tilespmem:$0x11000] =	vst v63  }
0xa9: {  	s19 =	simm.s32 $0xB000  }
0xaa: {  	[tilespmem:s19], [sflag:$0x2] =	stream.indirect_vreg.gather [hbm4b:s5+s12], $0x80, v17, vm0, $0xb8;
	[tilespmem:$0x11000] =	vst v63  }
0xab: {  	s20 =	simm.s32 $0xB800  }
0xac: {  	[tilespmem:s20], [sflag:$0x2] =	stream.indirect_vreg.gather [hbm4b:s8+s12], $0x80, v17, vm0, $0xb8;
	[tilespmem:$0x11000] =	vst v63  }
0xad: {  	s21 =	simm.s32 $0xC000  }
0xae: {  	[tilespmem:s21], [sflag:$0x2] =	stream.indirect_vreg.gather [hbm4b:s9+s12], $0x80, v17, vm0, $0xb8;
	[tilespmem:$0x11000] =	vst v63  }
0xaf: {  	s22 =	simm.s32 $0xC800  }
0xb0: {  	[tilespmem:s22], [sflag:$0x2] =	stream.indirect_vreg.gather [hbm4b:s10+s12], $0x80, v17, vm0, $0xb8;
	[tilespmem:$0x11000] =	vst v63  }
0xb1: {  	v17 =	vld [tilespmem:s16+$0x110];
	_ =	sdelay $0x4  }
0xb2: {  	v18 =	vshll.u32 v17, $0x3  }
0xb3: {  	v17 =	vand.u32 $0x7, v17;
	v18 =	vand.u32 $0xFFFFFFC0, v18  }
0xb4: {  	v17 =	vor.u32 v17, v18  }
0xb5: {  	v18 =	vperm.xlane v17, v14;
	_ =	sdelay $0x1  }
0xb6: {  	v18 =	vadd.s32 v15, v18;
	_ =	sdelay $0x3  }
0xb7: {  	s23 =	simm.s32 $0xD000  }
0xb8: {  	[tilespmem:s23], [sflag:$0x2] =	stream.indirect_vreg.gather [hbm4b:s5+s12], $0x80, v18, vm0, $0xb8;
	[tilespmem:$0x11000] =	vst v63  }
0xb9: {  	s24 =	simm.s32 $0xD800;
	v17 =	vperm.xlane v17, v16  }
0xba: {  	[tilespmem:s24], [sflag:$0x2] =	stream.indirect_vreg.gather [hbm4b:s8+s12], $0x80, v18, vm0, $0xb8;
	[tilespmem:$0x11000] =	vst v63  }
0xbb: {  	v17 =	vadd.s32 v15, v17  }
0xbc: {  	[tilespmem:s25], [sflag:$0x2] =	stream.indirect_vreg.gather [hbm4b:s9+s12], $0x80, v18, vm0, $0xb8;
	[tilespmem:$0x11000] =	vst v63  }
0xbd: {  	_ = 	snop  }
0xbe: {  	[tilespmem:s26], [sflag:$0x2] =	stream.indirect_vreg.gather [hbm4b:s10+s12], $0x80, v18, vm0, $0xb8;
	[tilespmem:$0x11000] =	vst v63  }
0xbf: {  	_ = 	snop  }
0xc0: {  	[tilespmem:s28], [sflag:$0x2] =	stream.indirect_vreg.gather [hbm4b:s5+s12], $0x80, v17, vm0, $0xb8;
	[tilespmem:$0x11000] =	vst v63  }
0xc1: {  	_ = 	snop  }
0xc2: {  	[tilespmem:s29], [sflag:$0x2] =	stream.indirect_vreg.gather [hbm4b:s8+s12], $0x80, v17, vm0, $0xb8;
	[tilespmem:$0x11000] =	vst v63  }
0xc3: {  	_ = 	snop  }
0xc4: {  	[tilespmem:s30], [sflag:$0x2] =	stream.indirect_vreg.gather [hbm4b:s9+s12], $0x80, v17, vm0, $0xb8;
	[tilespmem:$0x11000] =	vst v63  }
0xc5: {  	_ = 	snop  }
0xc6: {  	[tilespmem:s31], [sflag:$0x2] =	stream.indirect_vreg.gather [hbm4b:s10+s12], $0x80, v17, vm0, $0xb8;
	[tilespmem:$0x11000] =	vst v63  }
0xc7: {  	_ =	swait.ge [sflag:s3], $0x8000  }
0xc8: {  	s18 =	simm.s32 $0x0;
	s19 =	simm.s32 $0x0;
	[sflag:s3] =	ssyncset.done $0x0  }
0xc9: {  	s20 =	simm.s32 $0x0;
	s16 =	sshll.u32 s11, $0x5;
	[sflag:s3] =	ssyncadd.s32 $0xFFFF8000  }
.LBB2_5:
0xca: {  	s21 =	sshll.u32 s19, $0x2;
	s22 =	sand.u32 $0x7, s18  }
0xcb: {  	s21 =	sand.u32 $0xFFFF8000, s21;
	s22 =	sshll.u32 s22, $0x9  }
0xcc: {  	s21 =	sor.u32 s22, s21  }
0xcd: {  	s21 =	sshrl.u32 s21, $0x2  }
0xce: {  	s21 =	sor.u32 $0x1000, s21  }
0xcf: {  	v17 =	vmov s21;
	_ =	sdelay $0x1  }
0xd0: {  	s24 =	sadd.s32 s16, s20  }
0xd1: {  	v18 =	vmov s24  }
0xd2: {  	s22 =	simm.s32 $0x0  }
0xd3: {  	v19 =	vld.idx.msk [tilespmem:v17+s22+$0x4000 ss:$0x1], $0xffff  }
0xd4: {  	v20 =	vld.idx.msk [tilespmem:v17+s22+$0x0 ss:$0x1], $0xffff;
	_ =	sdelay $0x1  }
0xd5: {  	v18 =	vld.idx.msk [tilespmem:v18+s14+$0x0], $0xffff  }
0xd6: {  	v21 =	vld.idx.msk [tilespmem:v17+s22+$0x4400 ss:$0x1], $0xffff  }
0xd7: {  	v22 =	vld.idx.msk [tilespmem:v17+s22+$0x400 ss:$0x1], $0xffff  }
0xd8: {  	v19 =	vsub.f32 v20, v19;
	_ =	sdelay $0x1  }
0xd9: {  	v19 =	vmul.f32 v19, v18;
	_ =	sdelay $0x1  }
0xda: {  	[tilespmem:v17+s22+$0x0 ss:$0x1] =	vst.idx.msk $0xffff, v19;
	v19 =	vsub.f32 v22, v21  }
0xdb: {  	v20 =	vld.idx.msk [tilespmem:v17+s22+$0x10 ss:$0x1], $0xffff  }
0xdc: {  	v21 =	vld.idx.msk [tilespmem:v17+s22+$0x4010 ss:$0x1], $0xffff;
	v19 =	vmul.f32 v19, v18;
	_ =	sdelay $0x1  }
0xdd: {  	[tilespmem:v17+s22+$0x400 ss:$0x1] =	vst.idx.msk $0xffff, v19  }
0xde: {  	v19 =	vld.idx.msk [tilespmem:v17+s22+$0x410 ss:$0x1], $0xffff  }
0xdf: {  	v22 =	vld.idx.msk [tilespmem:v17+s22+$0x4410 ss:$0x1], $0xffff  }
0xe0: {  	v20 =	vsub.f32 v20, v21;
	_ =	sdelay $0x1  }
0xe1: {  	v20 =	vmul.f32 v20, v18;
	_ =	sdelay $0x1  }
0xe2: {  	[tilespmem:v17+s22+$0x10 ss:$0x1] =	vst.idx.msk $0xffff, v20;
	v19 =	vsub.f32 v19, v22  }
0xe3: {  	v20 =	vld.idx.msk [tilespmem:v17+s22+$0x20 ss:$0x1], $0xffff  }
0xe4: {  	v21 =	vld.idx.msk [tilespmem:v17+s22+$0x4020 ss:$0x1], $0xffff;
	v19 =	vmul.f32 v19, v18;
	_ =	sdelay $0x1  }
0xe5: {  	[tilespmem:v17+s22+$0x410 ss:$0x1] =	vst.idx.msk $0xffff, v19  }
0xe6: {  	v19 =	vld.idx.msk [tilespmem:v17+s22+$0x420 ss:$0x1], $0xffff  }
0xe7: {  	v22 =	vld.idx.msk [tilespmem:v17+s22+$0x4420 ss:$0x1], $0xffff  }
0xe8: {  	v20 =	vsub.f32 v20, v21;
	_ =	sdelay $0x1  }
0xe9: {  	v20 =	vmul.f32 v20, v18;
	_ =	sdelay $0x1  }
0xea: {  	[tilespmem:v17+s22+$0x20 ss:$0x1] =	vst.idx.msk $0xffff, v20;
	v19 =	vsub.f32 v19, v22  }
0xeb: {  	v20 =	vld.idx.msk [tilespmem:v17+s22+$0x30 ss:$0x1], $0xffff  }
0xec: {  	v21 =	vld.idx.msk [tilespmem:v17+s22+$0x4030 ss:$0x1], $0xffff;
	v19 =	vmul.f32 v19, v18;
	_ =	sdelay $0x1  }
0xed: {  	[tilespmem:v17+s22+$0x420 ss:$0x1] =	vst.idx.msk $0xffff, v19  }
0xee: {  	v19 =	vld.idx.msk [tilespmem:v17+s22+$0x430 ss:$0x1], $0xffff  }
0xef: {  	v22 =	vld.idx.msk [tilespmem:v17+s22+$0x4430 ss:$0x1], $0xffff  }
0xf0: {  	v20 =	vsub.f32 v20, v21;
	_ =	sdelay $0x1  }
0xf1: {  	v20 =	vmul.f32 v20, v18;
	_ =	sdelay $0x1  }
0xf2: {  	[tilespmem:v17+s22+$0x30 ss:$0x1] =	vst.idx.msk $0xffff, v20;
	v19 =	vsub.f32 v19, v22  }
0xf3: {  	v20 =	vld.idx.msk [tilespmem:v17+s22+$0x40 ss:$0x1], $0xffff  }
0xf4: {  	s21 =	simm.s32 $0x800;
	v21 =	vld.idx.msk [tilespmem:v17+s22+$0x4040 ss:$0x1], $0xffff;
	v19 =	vmul.f32 v19, v18  }
0xf5: {  	v22 =	vld.idx.msk [tilespmem:v17+s21+$0x4000 ss:$0x1], $0xffff  }
0xf6: {  	v23 =	vld.idx.msk [tilespmem:v17+s21+$0x0 ss:$0x1], $0xffff;
	[tilespmem:v17+s22+$0x430 ss:$0x1] =	vst.idx.msk $0xffff, v19  }
0xf7: {  	v19 =	vld.idx.msk [tilespmem:v17+s22+$0x440 ss:$0x1], $0xffff  }
0xf8: {  	v24 =	vld.idx.msk [tilespmem:v17+s22+$0x4440 ss:$0x1], $0xffff  }
0xf9: {  	v25 =	vld.idx.msk [tilespmem:v17+s21+$0x4400 ss:$0x1], $0xffff;
	v20 =	vsub.f32 v20, v21  }
0xfa: {  	v26 =	vld.idx.msk [tilespmem:v17+s21+$0x400 ss:$0x1], $0xffff  }
0xfb: {  	v21 =	vsub.f32 v23, v22;
	v20 =	vmul.f32 v20, v18;
	_ =	sdelay $0x1  }
0xfc: {  	v21 =	vmul.f32 v21, v18;
	[tilespmem:v17+s22+$0x40 ss:$0x1] =	vst.idx.msk $0xffff, v20;
	v20 =	vsub.f32 v19, v24  }
0xfd: {  	v19 =	vld.idx.msk [tilespmem:v17+s22+$0x50 ss:$0x1], $0xffff  }
0xfe: {  	[tilespmem:v17+s21+$0x0 ss:$0x1] =	vst.idx.msk $0xffff, v21;
	v23 =	vsub.f32 v26, v25;
	v21 =	vld.idx.msk [tilespmem:v17+s22+$0x4050 ss:$0x1], $0xffff;
	v24 =	vmul.f32 v20, v18  }
0xff: {  	v22 =	vld.idx.msk [tilespmem:v17+s21+$0x4010 ss:$0x1], $0xffff  }
0x100: {  	s23 =	simm.s32 $0x4000;
	v20 =	vld.idx.msk [tilespmem:v17+s21+$0x10 ss:$0x1], $0xffff;
	v23 =	vmul.f32 v23, v18;
	[tilespmem:v17+s22+$0x440 ss:$0x1] =	vst.idx.msk $0xffff, v24  }
.LBB2_6:
0x101: {  	p0 =	sne.s32 s23, $0x6000;
	v24 =	vld.idx.msk [tilespmem:v17+s22+$0x4450 ss:$0x1], $0xffff;
	s24 =	smov.u32 s23;
	s23 =	sadd.s32 $0x2000, s23  }
0x102: {  	[tilespmem:v17+s21+$0x400 ss:$0x1] =	vst.idx.msk $0xffff, v23;
	v23 =	vld.idx.msk [tilespmem:v17+s22+$0x450 ss:$0x1], $0xffff  }
0x103: {  	v19 =	vsub.f32 v19, v21;
	v25 =	vld.idx.msk [tilespmem:v17+s21+$0x410 ss:$0x1], $0xffff  }
0x104: {  	v21 =	vld.idx.msk [tilespmem:v17+s21+$0x4410 ss:$0x1], $0xffff  }
0x105: {  	v20 =	vsub.f32 v20, v22;
	v19 =	vmul.f32 v19, v18;
	_ =	sdelay $0x1  }
0x106: {  	v20 =	vmul.f32 v20, v18;
	[tilespmem:v17+s22+$0x50 ss:$0x1] =	vst.idx.msk $0xffff, v19  }
0x107: {  	v22 =	vsub.f32 v23, v24;
	v19 =	vld.idx.msk [tilespmem:v17+s22+$0x60 ss:$0x1], $0xffff  }
0x108: {  	[tilespmem:v17+s21+$0x10 ss:$0x1] =	vst.idx.msk $0xffff, v20;
	v20 =	vld.idx.msk [tilespmem:v17+s22+$0x4060 ss:$0x1], $0xffff  }
0x109: {  	v21 =	vsub.f32 v25, v21;
	v22 =	vmul.f32 v22, v18;
	v23 =	vld.idx.msk [tilespmem:v17+s21+$0x20 ss:$0x1], $0xffff  }
0x10a: {  	v24 =	vld.idx.msk [tilespmem:v17+s21+$0x4020 ss:$0x1], $0xffff  }
0x10b: {  	v21 =	vmul.f32 v21, v18;
	[tilespmem:v17+s22+$0x450 ss:$0x1] =	vst.idx.msk $0xffff, v22  }
0x10c: {  	s24 =	sshra.s32 s24, $0x2;
	v22 =	vld.idx.msk [tilespmem:v17+s22+$0x460 ss:$0x1], $0xffff  }
0x10d: {  	[tilespmem:v17+s21+$0x410 ss:$0x1] =	vst.idx.msk $0xffff, v21;
	v21 =	vld.idx.msk [tilespmem:v17+s22+$0x4460 ss:$0x1], $0xffff  }
0x10e: {  	v19 =	vsub.f32 v19, v20;
	v25 =	vld.idx.msk [tilespmem:v17+s21+$0x420 ss:$0x1], $0xffff  }
0x10f: {  	v20 =	vld.idx.msk [tilespmem:v17+s21+$0x4420 ss:$0x1], $0xffff  }
0x110: {  	v23 =	vsub.f32 v23, v24;
	v19 =	vmul.f32 v19, v18;
	_ =	sdelay $0x1  }
0x111: {  	v23 =	vmul.f32 v23, v18;
	[tilespmem:v17+s22+$0x60 ss:$0x1] =	vst.idx.msk $0xffff, v19  }
0x112: {  	v21 =	vsub.f32 v22, v21;
	v19 =	vld.idx.msk [tilespmem:v17+s22+$0x4070 ss:$0x1], $0xffff  }
0x113: {  	[tilespmem:v17+s21+$0x20 ss:$0x1] =	vst.idx.msk $0xffff, v23;
	v22 =	vld.idx.msk [tilespmem:v17+s22+$0x70 ss:$0x1], $0xffff  }
0x114: {  	v20 =	vsub.f32 v25, v20;
	v21 =	vmul.f32 v21, v18;
	v23 =	vld.idx.msk [tilespmem:v17+s21+$0x30 ss:$0x1], $0xffff  }
0x115: {  	v24 =	vld.idx.msk [tilespmem:v17+s21+$0x4030 ss:$0x1], $0xffff  }
0x116: {  	v20 =	vmul.f32 v20, v18;
	[tilespmem:v17+s22+$0x460 ss:$0x1] =	vst.idx.msk $0xffff, v21  }
0x117: {  	v21 =	vld.idx.msk [tilespmem:v17+s22+$0x470 ss:$0x1], $0xffff  }
0x118: {  	[tilespmem:v17+s21+$0x420 ss:$0x1] =	vst.idx.msk $0xffff, v20;
	v20 =	vld.idx.msk [tilespmem:v17+s22+$0x4470 ss:$0x1], $0xffff  }
0x119: {  	v19 =	vsub.f32 v22, v19;
	v25 =	vld.idx.msk [tilespmem:v17+s21+$0x430 ss:$0x1], $0xffff  }
0x11a: {  	v22 =	vld.idx.msk [tilespmem:v17+s21+$0x4430 ss:$0x1], $0xffff  }
0x11b: {  	v23 =	vsub.f32 v23, v24;
	v19 =	vmul.f32 v19, v18;
	_ =	sdelay $0x1  }
0x11c: {  	v23 =	vmul.f32 v23, v18;
	[tilespmem:v17+s22+$0x70 ss:$0x1] =	vst.idx.msk $0xffff, v19  }
0x11d: {  	v19 =	vsub.f32 v21, v20  }
0x11e: {  	[tilespmem:v17+s21+$0x30 ss:$0x1] =	vst.idx.msk $0xffff, v23  }
0x11f: {  	v21 =	vsub.f32 v25, v22;
	v19 =	vmul.f32 v19, v18;
	v20 =	vld.idx.msk [tilespmem:v17+s21+$0x40 ss:$0x1], $0xffff  }
0x120: {  	v22 =	vld.idx.msk [tilespmem:v17+s21+$0x4040 ss:$0x1], $0xffff  }
0x121: {  	v21 =	vmul.f32 v21, v18;
	v23 =	vld.idx.msk [tilespmem:v17+s24+$0x4000 ss:$0x1], $0xffff;
	[tilespmem:v17+s22+$0x470 ss:$0x1] =	vst.idx.msk $0xffff, v19;
	s22 =	smov.u32 s21;
	s21 =	smov.u32 s24  }
0x122: {  	v19 =	vld.idx.msk [tilespmem:v17+s21+$0x0 ss:$0x1], $0xffff  }
0x123: {  	[tilespmem:v17+s22+$0x430 ss:$0x1] =	vst.idx.msk $0xffff, v21  }
0x124: {  	v21 =	vld.idx.msk [tilespmem:v17+s22+$0x440 ss:$0x1], $0xffff  }
0x125: {  	v24 =	vld.idx.msk [tilespmem:v17+s22+$0x4440 ss:$0x1], $0xffff  }
0x126: {  	v20 =	vsub.f32 v20, v22;
	v25 =	vld.idx.msk [tilespmem:v17+s21+$0x4400 ss:$0x1], $0xffff  }
0x127: {  	v22 =	vld.idx.msk [tilespmem:v17+s21+$0x400 ss:$0x1], $0xffff  }
0x128: {  	v19 =	vsub.f32 v19, v23;
	v20 =	vmul.f32 v20, v18;
	_ =	sdelay $0x1  }
0x129: {  	v23 =	vmul.f32 v19, v18;
	[tilespmem:v17+s22+$0x40 ss:$0x1] =	vst.idx.msk $0xffff, v20  }
.Ltmp1:
0x12a: {  	v24 =	vsub.f32 v21, v24;
	v19 =	vld.idx.msk [tilespmem:v17+s22+$0x50 ss:$0x1], $0xffff;
	(pc) =	sbr.rel @p0 .LBB2_6-.Ltmp1, $4  }
0x12b: {  	[tilespmem:v17+s21+$0x0 ss:$0x1] =	vst.idx.msk $0xffff, v23;
	v21 =	vld.idx.msk [tilespmem:v17+s22+$0x4050 ss:$0x1], $0xffff  }
0x12c: {  	v23 =	vsub.f32 v22, v25;
	v24 =	vmul.f32 v24, v18;
	v20 =	vld.idx.msk [tilespmem:v17+s21+$0x10 ss:$0x1], $0xffff  }
0x12d: {  	v22 =	vld.idx.msk [tilespmem:v17+s21+$0x4010 ss:$0x1], $0xffff  }
0x12e: {  	v23 =	vmul.f32 v23, v18;
	[tilespmem:v17+s22+$0x440 ss:$0x1] =	vst.idx.msk $0xffff, v24  }
0x12f: {  	_ =	sdelay $0x3  }
0x130: {  	v24 =	vld.idx.msk [tilespmem:v17+s22+$0x4450 ss:$0x1], $0xffff  }
0x131: {  	v40 =	vld.idx.msk [tilespmem:v17+s22+$0x450 ss:$0x1], $0xffff;
	[tilespmem:v17+s21+$0x400 ss:$0x1] =	vst.idx.msk $0xffff, v23  }
0x132: {  	v19 =	vsub.f32 v19, v21;
	v25 =	vld.idx.msk [tilespmem:v17+s21+$0x410 ss:$0x1], $0xffff  }
0x133: {  	v41 =	vld.idx.msk [tilespmem:v17+s21+$0x4410 ss:$0x1], $0xffff  }
0x134: {  	v20 =	vsub.f32 v20, v22;
	v19 =	vmul.f32 v19, v18;
	_ =	sdelay $0x1  }
0x135: {  	v20 =	vmul.f32 v20, v18;
	[tilespmem:v17+s22+$0x50 ss:$0x1] =	vst.idx.msk $0xffff, v19;
	v19 =	vsub.f32 v40, v24  }
0x136: {  	v42 =	vld.idx.msk [tilespmem:v17+s22+$0x60 ss:$0x1], $0xffff  }
0x137: {  	v43 =	vld.idx.msk [tilespmem:v17+s22+$0x4060 ss:$0x1], $0xffff;
	[tilespmem:v17+s21+$0x10 ss:$0x1] =	vst.idx.msk $0xffff, v20;
	v21 =	vsub.f32 v25, v41;
	v19 =	vmul.f32 v19, v18  }
0x138: {  	v44 =	vld.idx.msk [tilespmem:v17+s21+$0x20 ss:$0x1], $0xffff  }
0x139: {  	v45 =	vld.idx.msk [tilespmem:v17+s21+$0x4020 ss:$0x1], $0xffff;
	v21 =	vmul.f32 v21, v18;
	[tilespmem:v17+s22+$0x450 ss:$0x1] =	vst.idx.msk $0xffff, v19  }
0x13a: {  	v19 =	vld.idx.msk [tilespmem:v17+s22+$0x460 ss:$0x1], $0xffff  }
0x13b: {  	v46 =	vld.idx.msk [tilespmem:v17+s22+$0x4460 ss:$0x1], $0xffff;
	[tilespmem:v17+s21+$0x410 ss:$0x1] =	vst.idx.msk $0xffff, v21  }
0x13c: {  	v20 =	vsub.f32 v42, v43;
	v47 =	vld.idx.msk [tilespmem:v17+s21+$0x420 ss:$0x1], $0xffff  }
0x13d: {  	v48 =	vld.idx.msk [tilespmem:v17+s21+$0x4420 ss:$0x1], $0xffff  }
0x13e: {  	v23 =	vsub.f32 v44, v45;
	v20 =	vmul.f32 v20, v18;
	_ =	sdelay $0x1  }
0x13f: {  	v23 =	vmul.f32 v23, v18;
	[tilespmem:v17+s22+$0x60 ss:$0x1] =	vst.idx.msk $0xffff, v20;
	v19 =	vsub.f32 v19, v46  }
0x140: {  	v20 =	vld.idx.msk [tilespmem:v17+s22+$0x4070 ss:$0x1], $0xffff  }
0x141: {  	v49 =	vld.idx.msk [tilespmem:v17+s22+$0x70 ss:$0x1], $0xffff;
	[tilespmem:v17+s21+$0x20 ss:$0x1] =	vst.idx.msk $0xffff, v23;
	v22 =	vsub.f32 v47, v48;
	v19 =	vmul.f32 v19, v18  }
0x142: {  	v23 =	vld.idx.msk [tilespmem:v17+s21+$0x30 ss:$0x1], $0xffff  }
0x143: {  	v50 =	vld.idx.msk [tilespmem:v17+s21+$0x4030 ss:$0x1], $0xffff;
	v22 =	vmul.f32 v22, v18;
	[tilespmem:v17+s22+$0x460 ss:$0x1] =	vst.idx.msk $0xffff, v19  }
0x144: {  	v19 =	vld.idx.msk [tilespmem:v17+s22+$0x470 ss:$0x1], $0xffff  }
0x145: {  	v51 =	vld.idx.msk [tilespmem:v17+s22+$0x4470 ss:$0x1], $0xffff;
	[tilespmem:v17+s21+$0x420 ss:$0x1] =	vst.idx.msk $0xffff, v22  }
0x146: {  	v52 =	vld.idx.msk [tilespmem:v17+s21+$0x430 ss:$0x1], $0xffff  }
0x147: {  	v26 =	vld.idx.msk [tilespmem:v17+s21+$0x4430 ss:$0x1], $0xffff;
	_ =	sdelay $0x1  }
0x148: {  	v20 =	vsub.f32 v49, v20  }
0x149: {  	v53 =	vsub.f32 v23, v50  }
0x14a: {  	v20 =	vmul.f32 v20, v18;
	v19 =	vsub.f32 v19, v51  }
0x14b: {  	v21 =	vmul.f32 v53, v18;
	v54 =	vsub.f32 v52, v26  }
0x14c: {  	[tilespmem:v17+s22+$0x70 ss:$0x1] =	vst.idx.msk $0xffff, v20;
	v19 =	vmul.f32 v19, v18  }
0x14d: {  	[tilespmem:v17+s21+$0x30 ss:$0x1] =	vst.idx.msk $0xffff, v21;
	v55 =	vmul.f32 v54, v18  }
0x14e: {  	v21 =	vld.idx.msk [tilespmem:v17+s21+$0x40 ss:$0x1], $0xffff;
	[tilespmem:v17+s22+$0x470 ss:$0x1] =	vst.idx.msk $0xffff, v19  }
0x14f: {  	v19 =	vld.idx.msk [tilespmem:v17+s21+$0x4040 ss:$0x1], $0xffff;
	[tilespmem:v17+s21+$0x430 ss:$0x1] =	vst.idx.msk $0xffff, v55  }
0x150: {  	v20 =	vld.idx.msk [tilespmem:v17+s21+$0x440 ss:$0x1], $0xffff  }
0x151: {  	v56 =	vld.idx.msk [tilespmem:v17+s21+$0x4440 ss:$0x1], $0xffff;
	_ =	sdelay $0x2  }
0x152: {  	v19 =	vsub.f32 v21, v19;
	_ =	sdelay $0x1  }
0x153: {  	v19 =	vmul.f32 v19, v18;
	v20 =	vsub.f32 v20, v56;
	_ =	sdelay $0x1  }
0x154: {  	[tilespmem:v17+s21+$0x40 ss:$0x1] =	vst.idx.msk $0xffff, v19;
	v19 =	vmul.f32 v20, v18  }
0x155: {  	v57 =	vld.idx.msk [tilespmem:v17+s21+$0x50 ss:$0x1], $0xffff  }
0x156: {  	v58 =	vld.idx.msk [tilespmem:v17+s21+$0x4050 ss:$0x1], $0xffff;
	[tilespmem:v17+s21+$0x440 ss:$0x1] =	vst.idx.msk $0xffff, v19  }
0x157: {  	v19 =	vld.idx.msk [tilespmem:v17+s21+$0x4450 ss:$0x1], $0xffff  }
0x158: {  	v59 =	vld.idx.msk [tilespmem:v17+s21+$0x450 ss:$0x1], $0xffff;
	_ =	sdelay $0x2  }
0x159: {  	v20 =	vsub.f32 v57, v58;
	_ =	sdelay $0x1  }
0x15a: {  	v20 =	vmul.f32 v20, v18;
	v19 =	vsub.f32 v59, v19;
	_ =	sdelay $0x1  }
0x15b: {  	[tilespmem:v17+s21+$0x50 ss:$0x1] =	vst.idx.msk $0xffff, v20;
	v19 =	vmul.f32 v19, v18  }
0x15c: {  	v20 =	vld.idx.msk [tilespmem:v17+s21+$0x60 ss:$0x1], $0xffff  }
0x15d: {  	v60 =	vld.idx.msk [tilespmem:v17+s21+$0x4060 ss:$0x1], $0xffff;
	[tilespmem:v17+s21+$0x450 ss:$0x1] =	vst.idx.msk $0xffff, v19  }
0x15e: {  	v19 =	vld.idx.msk [tilespmem:v17+s21+$0x460 ss:$0x1], $0xffff  }
0x15f: {  	v61 =	vld.idx.msk [tilespmem:v17+s21+$0x4460 ss:$0x1], $0xffff;
	_ =	sdelay $0x2  }
0x160: {  	v20 =	vsub.f32 v20, v60;
	_ =	sdelay $0x1  }
0x161: {  	v20 =	vmul.f32 v20, v18;
	v19 =	vsub.f32 v19, v61;
	_ =	sdelay $0x1  }
0x162: {  	[tilespmem:v17+s21+$0x60 ss:$0x1] =	vst.idx.msk $0xffff, v20;
	v19 =	vmul.f32 v19, v18  }
0x163: {  	v20 =	vld.idx.msk [tilespmem:v17+s21+$0x4070 ss:$0x1], $0xffff  }
0x164: {  	v62 =	vld.idx.msk [tilespmem:v17+s21+$0x70 ss:$0x1], $0xffff;
	[tilespmem:v17+s21+$0x460 ss:$0x1] =	vst.idx.msk $0xffff, v19  }
0x165: {  	v19 =	vld.idx.msk [tilespmem:v17+s21+$0x470 ss:$0x1], $0xffff  }
0x166: {  	v63 =	vld.idx.msk [tilespmem:v17+s21+$0x4470 ss:$0x1], $0xffff;
	_ =	sdelay $0x2  }
0x167: {  	s20 =	sadd.s32 $0x1, s20  }
0x168: {  	p0 =	sne.s32 s20, $0x10;
	v20 =	vsub.f32 v62, v20  }
.Ltmp2:
0x169: {  	v19 =	vsub.f32 v19, v63;
	(pc) =	sbr.rel @p0 .LBB2_5-.Ltmp2, $4  }
0x16a: {  	v20 =	vmul.f32 v20, v18  }
0x16b: {  	v18 =	vmul.f32 v19, v18  }
0x16c: {  	[tilespmem:v17+s21+$0x70 ss:$0x1] =	vst.idx.msk $0xffff, v20  }
0x16d: {  	s19 =	sadd.s32 $0x400, s19;
	s18 =	sadd.s32 $0x1, s18;
	[tilespmem:v17+s21+$0x470 ss:$0x1] =	vst.idx.msk $0xffff, v18  }
0x16e: {  	s16 =	sand.u32 $0x60, s16  }
0x16f: {  	s16 =	sor.u32 s4, s16  }
0x170: {  	s16 =	sshrl.u32 s16, $0x3  }
0x171: {  	s24 =	sshll.u32 s11, $0xB;
	s18 =	smul.u32 $0x14000, s16  }
0x172: {  	s16 =	sand.u32 $0x1E000, s24  }
0x173: {  	s18 =	sadd.s32 s16, s18  }
0x174: {  	s18 =	sshrl.u32 s18, $0x3  }
0x175: {  	p0 =	seq.s32 s11, $0x27;
	s18 =	sadd.s32 s2, s18  }
0x176: {  	[hbm4b:s18+s17] =	stream.strided.scatter [tilespmem:s15], [sflag:$0x3], $0x4000, s6, s17, $0x38;
	[tilespmem:$0x11000] =	vst v63  }
0x177: {  	s18 =	simm.s32 @!p0 $0x3  }
0x178: {  	_ =	swait.ge @!p0 [sflag:s18], $0x4000  }
0x179: {  	s19 =	sshll.u32 @!p0 s11, $0x6;
	[sflag:s18] =	ssyncset.done @!p0 $0x0  }
0x17a: {  	[sflag:s18] =	ssyncadd.s32 @!p0 $0xFFFFC000;
	s18 =	sand.u32 @!p0 $0x3FFFFFC0, s19  }
0x17b: {  	v17 =	vld @!p0 [tilespmem:s18+$0x140];
	_ =	sdelay $0x4  }
0x17c: {  	v18 =	vshll.u32 @!p0 v17, $0x3  }
0x17d: {  	v19 =	vlaneseq.u32 @!p0;
	v17 =	vand.u32 @!p0 $0x7, v17;
	v18 =	vand.u32 @!p0 $0xFFFFFFC0, v18  }
0x17e: {  	v20 =	vshrl.u32 @!p0 v19, $0x3;
	v17 =	vor.u32 @!p0 v17, v18;
	v18 =	vand.u32 @!p0 $0x7, v19  }
0x17f: {  	v20 =	vmul.u32 @!p0 $0x8, v20;
	v21 =	vperm.xlane @!p0 v17, v18;
	_ =	sdelay $0x1  }
0x180: {  	v21 =	vadd.s32 @!p0 v20, v21;
	_ =	sdelay $0x3  }
0x181: {  	vm1 =	vmmov @!p0 $0xffff;
	s20 =	simm.s32 @!p0 $0x1000;
	s19 =	simm.s32 @!p0 $0x0  }
0x182: {  	v19 =	vor.u32 @!p0 $0x8, v19;
	[tilespmem:s20], [sflag:$0x1] =	stream.indirect_vreg.gather @!p0 [hbm4b:s5+s19], $0x80, v21, vm1, $0xb8;
	[tilespmem:$0x11000] =	vst v63  }
0x183: {  	v17 =	vperm.xlane @!p0 v17, v19;
	s20 =	simm.s32 @!p0 $0x1800  }
0x184: {  	[tilespmem:s20], [sflag:$0x1] =	stream.indirect_vreg.gather @!p0 [hbm4b:s8+s19], $0x80, v21, vm1, $0xb8;
	[tilespmem:$0x11000] =	vst v63  }
0x185: {  	v17 =	vadd.s32 @!p0 v20, v17;
	s20 =	simm.s32 @!p0 $0x2000  }
0x186: {  	[tilespmem:s20], [sflag:$0x1] =	stream.indirect_vreg.gather @!p0 [hbm4b:s9+s19], $0x80, v21, vm1, $0xb8;
	[tilespmem:$0x11000] =	vst v63  }
0x187: {  	s20 =	simm.s32 @!p0 $0x2800  }
0x188: {  	[tilespmem:s20], [sflag:$0x1] =	stream.indirect_vreg.gather @!p0 [hbm4b:s10+s19], $0x80, v21, vm1, $0xb8;
	[tilespmem:$0x11000] =	vst v63  }
0x189: {  	s20 =	simm.s32 @!p0 $0x3000  }
0x18a: {  	[tilespmem:s20], [sflag:$0x1] =	stream.indirect_vreg.gather @!p0 [hbm4b:s5+s19], $0x80, v17, vm1, $0xb8;
	[tilespmem:$0x11000] =	vst v63  }
0x18b: {  	s20 =	simm.s32 @!p0 $0x3800  }
0x18c: {  	[tilespmem:s20], [sflag:$0x1] =	stream.indirect_vreg.gather @!p0 [hbm4b:s8+s19], $0x80, v17, vm1, $0xb8;
	[tilespmem:$0x11000] =	vst v63  }
0x18d: {  	s20 =	simm.s32 @!p0 $0x4000  }
0x18e: {  	[tilespmem:s20], [sflag:$0x1] =	stream.indirect_vreg.gather @!p0 [hbm4b:s9+s19], $0x80, v17, vm1, $0xb8;
	[tilespmem:$0x11000] =	vst v63  }
0x18f: {  	s20 =	simm.s32 @!p0 $0x4800  }
0x190: {  	[tilespmem:s20], [sflag:$0x1] =	stream.indirect_vreg.gather @!p0 [hbm4b:s10+s19], $0x80, v17, vm1, $0xb8;
	[tilespmem:$0x11000] =	vst v63  }
0x191: {  	v17 =	vld @!p0 [tilespmem:s18+$0x150];
	_ =	sdelay $0x4  }
0x192: {  	v21 =	vshll.u32 @!p0 v17, $0x3  }
0x193: {  	v17 =	vand.u32 @!p0 $0x7, v17;
	v21 =	vand.u32 @!p0 $0xFFFFFFC0, v21  }
0x194: {  	v17 =	vor.u32 @!p0 v17, v21  }
0x195: {  	v18 =	vperm.xlane @!p0 v17, v18;
	_ =	sdelay $0x1  }
0x196: {  	v18 =	vadd.s32 @!p0 v20, v18;
	_ =	sdelay $0x3  }
0x197: {  	s18 =	simm.s32 @!p0 $0x5000  }
0x198: {  	[tilespmem:s18], [sflag:$0x1] =	stream.indirect_vreg.gather @!p0 [hbm4b:s5+s19], $0x80, v18, vm1, $0xb8;
	[tilespmem:$0x11000] =	vst v63  }
0x199: {  	v17 =	vperm.xlane @!p0 v17, v19;
	s18 =	simm.s32 @!p0 $0x5800  }
0x19a: {  	[tilespmem:s18], [sflag:$0x1] =	stream.indirect_vreg.gather @!p0 [hbm4b:s8+s19], $0x80, v18, vm1, $0xb8;
	[tilespmem:$0x11000] =	vst v63  }
0x19b: {  	v17 =	vadd.s32 @!p0 v20, v17;
	s18 =	simm.s32 @!p0 $0x6000  }
0x19c: {  	[tilespmem:s18], [sflag:$0x1] =	stream.indirect_vreg.gather @!p0 [hbm4b:s9+s19], $0x80, v18, vm1, $0xb8;
	[tilespmem:$0x11000] =	vst v63  }
0x19d: {  	s18 =	simm.s32 @!p0 $0x6800  }
0x19e: {  	[tilespmem:s18], [sflag:$0x1] =	stream.indirect_vreg.gather @!p0 [hbm4b:s10+s19], $0x80, v18, vm1, $0xb8;
	[tilespmem:$0x11000] =	vst v63  }
0x19f: {  	s18 =	simm.s32 @!p0 $0x7000  }
0x1a0: {  	[tilespmem:s18], [sflag:$0x1] =	stream.indirect_vreg.gather @!p0 [hbm4b:s5+s19], $0x80, v17, vm1, $0xb8;
	[tilespmem:$0x11000] =	vst v63  }
0x1a1: {  	s18 =	simm.s32 @!p0 $0x7800  }
0x1a2: {  	[tilespmem:s18], [sflag:$0x1] =	stream.indirect_vreg.gather @!p0 [hbm4b:s8+s19], $0x80, v17, vm1, $0xb8;
	[tilespmem:$0x11000] =	vst v63  }
0x1a3: {  	s18 =	simm.s32 @!p0 $0x8000  }
0x1a4: {  	[tilespmem:s18], [sflag:$0x1] =	stream.indirect_vreg.gather @!p0 [hbm4b:s9+s19], $0x80, v17, vm1, $0xb8;
	[tilespmem:$0x11000] =	vst v63  }
0x1a5: {  	s18 =	simm.s32 @!p0 $0x8800  }
0x1a6: {  	[tilespmem:s18], [sflag:$0x1] =	stream.indirect_vreg.gather @!p0 [hbm4b:s10+s19], $0x80, v17, vm1, $0xb8;
	[tilespmem:$0x11000] =	vst v63  }
0x1a7: {  	_ =	swait.ge [sflag:s7], $0x8000  }
0x1a8: {  	s1 =	sshll.u32 s1, $0x4;
	s20 =	simm.s32 $0x0;
	[sflag:s7] =	ssyncset.done $0x0  }
0x1a9: {  	s18 =	simm.s32 $0x0;
	s19 =	simm.s32 $0x0;
	[sflag:s7] =	ssyncadd.s32 $0xFFFF8000  }
.LBB2_9:
0x1aa: {  	s21 =	sshll.u32 s19, $0x2;
	s22 =	sand.u32 $0x7, s18  }
0x1ab: {  	s21 =	sand.u32 $0xFFFF8000, s21;
	s22 =	sshll.u32 s22, $0x9  }
0x1ac: {  	s21 =	sor.u32 s22, s21  }
0x1ad: {  	s21 =	sshrl.u32 s21, $0x2  }
0x1ae: {  	s21 =	sadd.s32 $0x9000, s21  }
0x1af: {  	v17 =	vmov s21;
	_ =	sdelay $0x1  }
0x1b0: {  	s24 =	sadd.s32 s1, s20  }
0x1b1: {  	v18 =	vmov s24  }
0x1b2: {  	s22 =	simm.s32 $0x0  }
0x1b3: {  	v19 =	vld.idx.msk [tilespmem:v17+s22+$0x4000 ss:$0x1], $0xffff  }
0x1b4: {  	v20 =	vld.idx.msk [tilespmem:v17+s22+$0x0 ss:$0x1], $0xffff;
	_ =	sdelay $0x1  }
0x1b5: {  	v18 =	vld.idx.msk [tilespmem:v18+s14+$0x0], $0xffff  }
0x1b6: {  	v21 =	vld.idx.msk [tilespmem:v17+s22+$0x4400 ss:$0x1], $0xffff  }
0x1b7: {  	v22 =	vld.idx.msk [tilespmem:v17+s22+$0x400 ss:$0x1], $0xffff  }
0x1b8: {  	v19 =	vsub.f32 v20, v19;
	_ =	sdelay $0x1  }
0x1b9: {  	v19 =	vmul.f32 v19, v18;
	_ =	sdelay $0x1  }
0x1ba: {  	[tilespmem:v17+s22+$0x0 ss:$0x1] =	vst.idx.msk $0xffff, v19;
	v19 =	vsub.f32 v22, v21  }
0x1bb: {  	v20 =	vld.idx.msk [tilespmem:v17+s22+$0x10 ss:$0x1], $0xffff  }
0x1bc: {  	v21 =	vld.idx.msk [tilespmem:v17+s22+$0x4010 ss:$0x1], $0xffff;
	v19 =	vmul.f32 v19, v18;
	_ =	sdelay $0x1  }
0x1bd: {  	[tilespmem:v17+s22+$0x400 ss:$0x1] =	vst.idx.msk $0xffff, v19  }
0x1be: {  	v19 =	vld.idx.msk [tilespmem:v17+s22+$0x410 ss:$0x1], $0xffff  }
0x1bf: {  	v22 =	vld.idx.msk [tilespmem:v17+s22+$0x4410 ss:$0x1], $0xffff  }
0x1c0: {  	v20 =	vsub.f32 v20, v21;
	_ =	sdelay $0x1  }
0x1c1: {  	v20 =	vmul.f32 v20, v18;
	_ =	sdelay $0x1  }
0x1c2: {  	[tilespmem:v17+s22+$0x10 ss:$0x1] =	vst.idx.msk $0xffff, v20;
	v19 =	vsub.f32 v19, v22  }
0x1c3: {  	v20 =	vld.idx.msk [tilespmem:v17+s22+$0x20 ss:$0x1], $0xffff  }
0x1c4: {  	v21 =	vld.idx.msk [tilespmem:v17+s22+$0x4020 ss:$0x1], $0xffff;
	v19 =	vmul.f32 v19, v18;
	_ =	sdelay $0x1  }
0x1c5: {  	[tilespmem:v17+s22+$0x410 ss:$0x1] =	vst.idx.msk $0xffff, v19  }
0x1c6: {  	v19 =	vld.idx.msk [tilespmem:v17+s22+$0x420 ss:$0x1], $0xffff  }
0x1c7: {  	v22 =	vld.idx.msk [tilespmem:v17+s22+$0x4420 ss:$0x1], $0xffff  }
0x1c8: {  	v20 =	vsub.f32 v20, v21;
	_ =	sdelay $0x1  }
0x1c9: {  	v20 =	vmul.f32 v20, v18;
	_ =	sdelay $0x1  }
0x1ca: {  	[tilespmem:v17+s22+$0x20 ss:$0x1] =	vst.idx.msk $0xffff, v20;
	v19 =	vsub.f32 v19, v22  }
0x1cb: {  	v20 =	vld.idx.msk [tilespmem:v17+s22+$0x30 ss:$0x1], $0xffff  }
0x1cc: {  	v21 =	vld.idx.msk [tilespmem:v17+s22+$0x4030 ss:$0x1], $0xffff;
	v19 =	vmul.f32 v19, v18;
	_ =	sdelay $0x1  }
0x1cd: {  	[tilespmem:v17+s22+$0x420 ss:$0x1] =	vst.idx.msk $0xffff, v19  }
0x1ce: {  	v19 =	vld.idx.msk [tilespmem:v17+s22+$0x430 ss:$0x1], $0xffff  }
0x1cf: {  	v22 =	vld.idx.msk [tilespmem:v17+s22+$0x4430 ss:$0x1], $0xffff  }
0x1d0: {  	v20 =	vsub.f32 v20, v21;
	_ =	sdelay $0x1  }
0x1d1: {  	v20 =	vmul.f32 v20, v18;
	_ =	sdelay $0x1  }
0x1d2: {  	[tilespmem:v17+s22+$0x30 ss:$0x1] =	vst.idx.msk $0xffff, v20;
	v19 =	vsub.f32 v19, v22  }
0x1d3: {  	v20 =	vld.idx.msk [tilespmem:v17+s22+$0x40 ss:$0x1], $0xffff  }
0x1d4: {  	s21 =	simm.s32 $0x800;
	v21 =	vld.idx.msk [tilespmem:v17+s22+$0x4040 ss:$0x1], $0xffff;
	v19 =	vmul.f32 v19, v18  }
0x1d5: {  	v22 =	vld.idx.msk [tilespmem:v17+s21+$0x4000 ss:$0x1], $0xffff  }
0x1d6: {  	v23 =	vld.idx.msk [tilespmem:v17+s21+$0x0 ss:$0x1], $0xffff;
	[tilespmem:v17+s22+$0x430 ss:$0x1] =	vst.idx.msk $0xffff, v19  }
0x1d7: {  	v19 =	vld.idx.msk [tilespmem:v17+s22+$0x440 ss:$0x1], $0xffff  }
0x1d8: {  	v24 =	vld.idx.msk [tilespmem:v17+s22+$0x4440 ss:$0x1], $0xffff  }
0x1d9: {  	v25 =	vld.idx.msk [tilespmem:v17+s21+$0x4400 ss:$0x1], $0xffff;
	v20 =	vsub.f32 v20, v21  }
0x1da: {  	v26 =	vld.idx.msk [tilespmem:v17+s21+$0x400 ss:$0x1], $0xffff  }
0x1db: {  	v21 =	vsub.f32 v23, v22;
	v20 =	vmul.f32 v20, v18;
	_ =	sdelay $0x1  }
0x1dc: {  	v21 =	vmul.f32 v21, v18;
	[tilespmem:v17+s22+$0x40 ss:$0x1] =	vst.idx.msk $0xffff, v20;
	v20 =	vsub.f32 v19, v24  }
0x1dd: {  	v19 =	vld.idx.msk [tilespmem:v17+s22+$0x50 ss:$0x1], $0xffff  }
0x1de: {  	[tilespmem:v17+s21+$0x0 ss:$0x1] =	vst.idx.msk $0xffff, v21;
	v23 =	vsub.f32 v26, v25;
	v21 =	vld.idx.msk [tilespmem:v17+s22+$0x4050 ss:$0x1], $0xffff;
	v24 =	vmul.f32 v20, v18  }
0x1df: {  	v22 =	vld.idx.msk [tilespmem:v17+s21+$0x4010 ss:$0x1], $0xffff  }
0x1e0: {  	s23 =	simm.s32 $0x4000;
	v20 =	vld.idx.msk [tilespmem:v17+s21+$0x10 ss:$0x1], $0xffff;
	v23 =	vmul.f32 v23, v18;
	[tilespmem:v17+s22+$0x440 ss:$0x1] =	vst.idx.msk $0xffff, v24  }
.LBB2_10:
0x1e1: {  	p0 =	sne.s32 s23, $0x6000;
	v24 =	vld.idx.msk [tilespmem:v17+s22+$0x4450 ss:$0x1], $0xffff;
	s24 =	smov.u32 s23;
	s23 =	sadd.s32 $0x2000, s23  }
0x1e2: {  	[tilespmem:v17+s21+$0x400 ss:$0x1] =	vst.idx.msk $0xffff, v23;
	v23 =	vld.idx.msk [tilespmem:v17+s22+$0x450 ss:$0x1], $0xffff  }
0x1e3: {  	v19 =	vsub.f32 v19, v21;
	v25 =	vld.idx.msk [tilespmem:v17+s21+$0x410 ss:$0x1], $0xffff  }
0x1e4: {  	v21 =	vld.idx.msk [tilespmem:v17+s21+$0x4410 ss:$0x1], $0xffff  }
0x1e5: {  	v20 =	vsub.f32 v20, v22;
	v19 =	vmul.f32 v19, v18;
	_ =	sdelay $0x1  }
0x1e6: {  	v20 =	vmul.f32 v20, v18;
	[tilespmem:v17+s22+$0x50 ss:$0x1] =	vst.idx.msk $0xffff, v19  }
0x1e7: {  	v22 =	vsub.f32 v23, v24;
	v19 =	vld.idx.msk [tilespmem:v17+s22+$0x60 ss:$0x1], $0xffff  }
0x1e8: {  	[tilespmem:v17+s21+$0x10 ss:$0x1] =	vst.idx.msk $0xffff, v20;
	v20 =	vld.idx.msk [tilespmem:v17+s22+$0x4060 ss:$0x1], $0xffff  }
0x1e9: {  	v21 =	vsub.f32 v25, v21;
	v22 =	vmul.f32 v22, v18;
	v23 =	vld.idx.msk [tilespmem:v17+s21+$0x20 ss:$0x1], $0xffff  }
0x1ea: {  	v24 =	vld.idx.msk [tilespmem:v17+s21+$0x4020 ss:$0x1], $0xffff  }
0x1eb: {  	v21 =	vmul.f32 v21, v18;
	[tilespmem:v17+s22+$0x450 ss:$0x1] =	vst.idx.msk $0xffff, v22  }
0x1ec: {  	s24 =	sshra.s32 s24, $0x2;
	v22 =	vld.idx.msk [tilespmem:v17+s22+$0x460 ss:$0x1], $0xffff  }
0x1ed: {  	[tilespmem:v17+s21+$0x410 ss:$0x1] =	vst.idx.msk $0xffff, v21;
	v21 =	vld.idx.msk [tilespmem:v17+s22+$0x4460 ss:$0x1], $0xffff  }
0x1ee: {  	v19 =	vsub.f32 v19, v20;
	v25 =	vld.idx.msk [tilespmem:v17+s21+$0x420 ss:$0x1], $0xffff  }
0x1ef: {  	v20 =	vld.idx.msk [tilespmem:v17+s21+$0x4420 ss:$0x1], $0xffff  }
0x1f0: {  	v23 =	vsub.f32 v23, v24;
	v19 =	vmul.f32 v19, v18;
	_ =	sdelay $0x1  }
0x1f1: {  	v23 =	vmul.f32 v23, v18;
	[tilespmem:v17+s22+$0x60 ss:$0x1] =	vst.idx.msk $0xffff, v19  }
0x1f2: {  	v21 =	vsub.f32 v22, v21;
	v19 =	vld.idx.msk [tilespmem:v17+s22+$0x4070 ss:$0x1], $0xffff  }
0x1f3: {  	[tilespmem:v17+s21+$0x20 ss:$0x1] =	vst.idx.msk $0xffff, v23;
	v22 =	vld.idx.msk [tilespmem:v17+s22+$0x70 ss:$0x1], $0xffff  }
0x1f4: {  	v20 =	vsub.f32 v25, v20;
	v21 =	vmul.f32 v21, v18;
	v23 =	vld.idx.msk [tilespmem:v17+s21+$0x30 ss:$0x1], $0xffff  }
0x1f5: {  	v24 =	vld.idx.msk [tilespmem:v17+s21+$0x4030 ss:$0x1], $0xffff  }
0x1f6: {  	v20 =	vmul.f32 v20, v18;
	[tilespmem:v17+s22+$0x460 ss:$0x1] =	vst.idx.msk $0xffff, v21  }
0x1f7: {  	v21 =	vld.idx.msk [tilespmem:v17+s22+$0x470 ss:$0x1], $0xffff  }
0x1f8: {  	[tilespmem:v17+s21+$0x420 ss:$0x1] =	vst.idx.msk $0xffff, v20;
	v20 =	vld.idx.msk [tilespmem:v17+s22+$0x4470 ss:$0x1], $0xffff  }
0x1f9: {  	v19 =	vsub.f32 v22, v19;
	v25 =	vld.idx.msk [tilespmem:v17+s21+$0x430 ss:$0x1], $0xffff  }
0x1fa: {  	v22 =	vld.idx.msk [tilespmem:v17+s21+$0x4430 ss:$0x1], $0xffff  }
0x1fb: {  	v23 =	vsub.f32 v23, v24;
	v19 =	vmul.f32 v19, v18;
	_ =	sdelay $0x1  }
0x1fc: {  	v23 =	vmul.f32 v23, v18;
	[tilespmem:v17+s22+$0x70 ss:$0x1] =	vst.idx.msk $0xffff, v19  }
0x1fd: {  	v19 =	vsub.f32 v21, v20  }
0x1fe: {  	[tilespmem:v17+s21+$0x30 ss:$0x1] =	vst.idx.msk $0xffff, v23  }
0x1ff: {  	v21 =	vsub.f32 v25, v22;
	v19 =	vmul.f32 v19, v18;
	v20 =	vld.idx.msk [tilespmem:v17+s21+$0x40 ss:$0x1], $0xffff  }
0x200: {  	v22 =	vld.idx.msk [tilespmem:v17+s21+$0x4040 ss:$0x1], $0xffff  }
0x201: {  	v21 =	vmul.f32 v21, v18;
	v23 =	vld.idx.msk [tilespmem:v17+s24+$0x4000 ss:$0x1], $0xffff;
	[tilespmem:v17+s22+$0x470 ss:$0x1] =	vst.idx.msk $0xffff, v19;
	s22 =	smov.u32 s21;
	s21 =	smov.u32 s24  }
0x202: {  	v19 =	vld.idx.msk [tilespmem:v17+s21+$0x0 ss:$0x1], $0xffff  }
0x203: {  	[tilespmem:v17+s22+$0x430 ss:$0x1] =	vst.idx.msk $0xffff, v21  }
0x204: {  	v21 =	vld.idx.msk [tilespmem:v17+s22+$0x440 ss:$0x1], $0xffff  }
0x205: {  	v24 =	vld.idx.msk [tilespmem:v17+s22+$0x4440 ss:$0x1], $0xffff  }
0x206: {  	v20 =	vsub.f32 v20, v22;
	v25 =	vld.idx.msk [tilespmem:v17+s21+$0x4400 ss:$0x1], $0xffff  }
0x207: {  	v22 =	vld.idx.msk [tilespmem:v17+s21+$0x400 ss:$0x1], $0xffff  }
0x208: {  	v19 =	vsub.f32 v19, v23;
	v20 =	vmul.f32 v20, v18;
	_ =	sdelay $0x1  }
0x209: {  	v23 =	vmul.f32 v19, v18;
	[tilespmem:v17+s22+$0x40 ss:$0x1] =	vst.idx.msk $0xffff, v20  }
.Ltmp3:
0x20a: {  	v24 =	vsub.f32 v21, v24;
	v19 =	vld.idx.msk [tilespmem:v17+s22+$0x50 ss:$0x1], $0xffff;
	(pc) =	sbr.rel @p0 .LBB2_10-.Ltmp3, $4  }
0x20b: {  	[tilespmem:v17+s21+$0x0 ss:$0x1] =	vst.idx.msk $0xffff, v23;
	v21 =	vld.idx.msk [tilespmem:v17+s22+$0x4050 ss:$0x1], $0xffff  }
0x20c: {  	v23 =	vsub.f32 v22, v25;
	v24 =	vmul.f32 v24, v18;
	v20 =	vld.idx.msk [tilespmem:v17+s21+$0x10 ss:$0x1], $0xffff  }
0x20d: {  	v22 =	vld.idx.msk [tilespmem:v17+s21+$0x4010 ss:$0x1], $0xffff  }
0x20e: {  	v23 =	vmul.f32 v23, v18;
	[tilespmem:v17+s22+$0x440 ss:$0x1] =	vst.idx.msk $0xffff, v24  }
0x20f: {  	_ =	sdelay $0x3  }
0x210: {  	v24 =	vld.idx.msk [tilespmem:v17+s22+$0x4450 ss:$0x1], $0xffff  }
0x211: {  	v40 =	vld.idx.msk [tilespmem:v17+s22+$0x450 ss:$0x1], $0xffff;
	[tilespmem:v17+s21+$0x400 ss:$0x1] =	vst.idx.msk $0xffff, v23  }
0x212: {  	v19 =	vsub.f32 v19, v21;
	v25 =	vld.idx.msk [tilespmem:v17+s21+$0x410 ss:$0x1], $0xffff  }
0x213: {  	v41 =	vld.idx.msk [tilespmem:v17+s21+$0x4410 ss:$0x1], $0xffff  }
0x214: {  	v20 =	vsub.f32 v20, v22;
	v19 =	vmul.f32 v19, v18;
	_ =	sdelay $0x1  }
0x215: {  	v20 =	vmul.f32 v20, v18;
	[tilespmem:v17+s22+$0x50 ss:$0x1] =	vst.idx.msk $0xffff, v19;
	v19 =	vsub.f32 v40, v24  }
0x216: {  	v42 =	vld.idx.msk [tilespmem:v17+s22+$0x60 ss:$0x1], $0xffff  }
0x217: {  	v43 =	vld.idx.msk [tilespmem:v17+s22+$0x4060 ss:$0x1], $0xffff;
	[tilespmem:v17+s21+$0x10 ss:$0x1] =	vst.idx.msk $0xffff, v20;
	v21 =	vsub.f32 v25, v41;
	v19 =	vmul.f32 v19, v18  }
0x218: {  	v44 =	vld.idx.msk [tilespmem:v17+s21+$0x20 ss:$0x1], $0xffff  }
0x219: {  	v45 =	vld.idx.msk [tilespmem:v17+s21+$0x4020 ss:$0x1], $0xffff;
	v21 =	vmul.f32 v21, v18;
	[tilespmem:v17+s22+$0x450 ss:$0x1] =	vst.idx.msk $0xffff, v19  }
0x21a: {  	v19 =	vld.idx.msk [tilespmem:v17+s22+$0x460 ss:$0x1], $0xffff  }
0x21b: {  	v46 =	vld.idx.msk [tilespmem:v17+s22+$0x4460 ss:$0x1], $0xffff;
	[tilespmem:v17+s21+$0x410 ss:$0x1] =	vst.idx.msk $0xffff, v21  }
0x21c: {  	v20 =	vsub.f32 v42, v43;
	v47 =	vld.idx.msk [tilespmem:v17+s21+$0x420 ss:$0x1], $0xffff  }
0x21d: {  	v48 =	vld.idx.msk [tilespmem:v17+s21+$0x4420 ss:$0x1], $0xffff  }
0x21e: {  	v23 =	vsub.f32 v44, v45;
	v20 =	vmul.f32 v20, v18;
	_ =	sdelay $0x1  }
0x21f: {  	v23 =	vmul.f32 v23, v18;
	[tilespmem:v17+s22+$0x60 ss:$0x1] =	vst.idx.msk $0xffff, v20;
	v19 =	vsub.f32 v19, v46  }
0x220: {  	v20 =	vld.idx.msk [tilespmem:v17+s22+$0x4070 ss:$0x1], $0xffff  }
0x221: {  	v49 =	vld.idx.msk [tilespmem:v17+s22+$0x70 ss:$0x1], $0xffff;
	[tilespmem:v17+s21+$0x20 ss:$0x1] =	vst.idx.msk $0xffff, v23;
	v22 =	vsub.f32 v47, v48;
	v19 =	vmul.f32 v19, v18  }
0x222: {  	v23 =	vld.idx.msk [tilespmem:v17+s21+$0x30 ss:$0x1], $0xffff  }
0x223: {  	v50 =	vld.idx.msk [tilespmem:v17+s21+$0x4030 ss:$0x1], $0xffff;
	v22 =	vmul.f32 v22, v18;
	[tilespmem:v17+s22+$0x460 ss:$0x1] =	vst.idx.msk $0xffff, v19  }
0x224: {  	v19 =	vld.idx.msk [tilespmem:v17+s22+$0x470 ss:$0x1], $0xffff  }
0x225: {  	v51 =	vld.idx.msk [tilespmem:v17+s22+$0x4470 ss:$0x1], $0xffff;
	[tilespmem:v17+s21+$0x420 ss:$0x1] =	vst.idx.msk $0xffff, v22  }
0x226: {  	v52 =	vld.idx.msk [tilespmem:v17+s21+$0x430 ss:$0x1], $0xffff  }
0x227: {  	v26 =	vld.idx.msk [tilespmem:v17+s21+$0x4430 ss:$0x1], $0xffff;
	_ =	sdelay $0x1  }
0x228: {  	v20 =	vsub.f32 v49, v20  }
0x229: {  	v53 =	vsub.f32 v23, v50  }
0x22a: {  	v20 =	vmul.f32 v20, v18;
	v19 =	vsub.f32 v19, v51  }
0x22b: {  	v21 =	vmul.f32 v53, v18;
	v54 =	vsub.f32 v52, v26  }
0x22c: {  	[tilespmem:v17+s22+$0x70 ss:$0x1] =	vst.idx.msk $0xffff, v20;
	v19 =	vmul.f32 v19, v18  }
0x22d: {  	[tilespmem:v17+s21+$0x30 ss:$0x1] =	vst.idx.msk $0xffff, v21;
	v55 =	vmul.f32 v54, v18  }
0x22e: {  	v21 =	vld.idx.msk [tilespmem:v17+s21+$0x40 ss:$0x1], $0xffff;
	[tilespmem:v17+s22+$0x470 ss:$0x1] =	vst.idx.msk $0xffff, v19  }
0x22f: {  	v19 =	vld.idx.msk [tilespmem:v17+s21+$0x4040 ss:$0x1], $0xffff;
	[tilespmem:v17+s21+$0x430 ss:$0x1] =	vst.idx.msk $0xffff, v55  }
0x230: {  	v20 =	vld.idx.msk [tilespmem:v17+s21+$0x440 ss:$0x1], $0xffff  }
0x231: {  	v56 =	vld.idx.msk [tilespmem:v17+s21+$0x4440 ss:$0x1], $0xffff;
	_ =	sdelay $0x2  }
0x232: {  	v19 =	vsub.f32 v21, v19;
	_ =	sdelay $0x1  }
0x233: {  	v19 =	vmul.f32 v19, v18;
	v20 =	vsub.f32 v20, v56;
	_ =	sdelay $0x1  }
0x234: {  	[tilespmem:v17+s21+$0x40 ss:$0x1] =	vst.idx.msk $0xffff, v19;
	v19 =	vmul.f32 v20, v18  }
0x235: {  	v57 =	vld.idx.msk [tilespmem:v17+s21+$0x50 ss:$0x1], $0xffff  }
0x236: {  	v58 =	vld.idx.msk [tilespmem:v17+s21+$0x4050 ss:$0x1], $0xffff;
	[tilespmem:v17+s21+$0x440 ss:$0x1] =	vst.idx.msk $0xffff, v19  }
0x237: {  	v19 =	vld.idx.msk [tilespmem:v17+s21+$0x4450 ss:$0x1], $0xffff  }
0x238: {  	v59 =	vld.idx.msk [tilespmem:v17+s21+$0x450 ss:$0x1], $0xffff;
	_ =	sdelay $0x2  }
0x239: {  	v20 =	vsub.f32 v57, v58;
	_ =	sdelay $0x1  }
0x23a: {  	v20 =	vmul.f32 v20, v18;
	v19 =	vsub.f32 v59, v19;
	_ =	sdelay $0x1  }
0x23b: {  	[tilespmem:v17+s21+$0x50 ss:$0x1] =	vst.idx.msk $0xffff, v20;
	v19 =	vmul.f32 v19, v18  }
0x23c: {  	v20 =	vld.idx.msk [tilespmem:v17+s21+$0x60 ss:$0x1], $0xffff  }
0x23d: {  	v60 =	vld.idx.msk [tilespmem:v17+s21+$0x4060 ss:$0x1], $0xffff;
	[tilespmem:v17+s21+$0x450 ss:$0x1] =	vst.idx.msk $0xffff, v19  }
0x23e: {  	v19 =	vld.idx.msk [tilespmem:v17+s21+$0x460 ss:$0x1], $0xffff  }
0x23f: {  	v61 =	vld.idx.msk [tilespmem:v17+s21+$0x4460 ss:$0x1], $0xffff;
	_ =	sdelay $0x2  }
0x240: {  	v20 =	vsub.f32 v20, v60;
	_ =	sdelay $0x1  }
0x241: {  	v20 =	vmul.f32 v20, v18;
	v19 =	vsub.f32 v19, v61;
	_ =	sdelay $0x1  }
0x242: {  	[tilespmem:v17+s21+$0x60 ss:$0x1] =	vst.idx.msk $0xffff, v20;
	v19 =	vmul.f32 v19, v18  }
0x243: {  	v20 =	vld.idx.msk [tilespmem:v17+s21+$0x4070 ss:$0x1], $0xffff  }
0x244: {  	v62 =	vld.idx.msk [tilespmem:v17+s21+$0x70 ss:$0x1], $0xffff;
	[tilespmem:v17+s21+$0x460 ss:$0x1] =	vst.idx.msk $0xffff, v19  }
0x245: {  	v19 =	vld.idx.msk [tilespmem:v17+s21+$0x470 ss:$0x1], $0xffff  }
0x246: {  	v63 =	vld.idx.msk [tilespmem:v17+s21+$0x4470 ss:$0x1], $0xffff;
	_ =	sdelay $0x2  }
0x247: {  	s20 =	sadd.s32 $0x1, s20  }
0x248: {  	p0 =	sne.s32 s20, $0x10;
	v20 =	vsub.f32 v62, v20  }
.Ltmp4:
0x249: {  	v19 =	vsub.f32 v19, v63;
	(pc) =	sbr.rel @p0 .LBB2_9-.Ltmp4, $4  }
0x24a: {  	v20 =	vmul.f32 v20, v18  }
0x24b: {  	v18 =	vmul.f32 v19, v18  }
0x24c: {  	[tilespmem:v17+s21+$0x70 ss:$0x1] =	vst.idx.msk $0xffff, v20  }
0x24d: {  	s19 =	sadd.s32 $0x400, s19;
	s18 =	sadd.s32 $0x1, s18;
	[tilespmem:v17+s21+$0x470 ss:$0x1] =	vst.idx.msk $0xffff, v18  }
0x24e: {  	s1 =	sand.u32 $0x70, s1  }
0x24f: {  	s1 =	sor.u32 s4, s1  }
0x250: {  	s11 =	sadd.s32 $0x1, s11;
	s1 =	sshrl.u32 s1, $0x3  }
0x251: {  	p0 =	sne.s32 s11, $0x28;
	s1 =	smul.u32 $0x14000, s1  }
.Ltmp5:
0x252: {  	_ = 	snop;
	(pc) =	sbr.rel @p0 .LBB2_4-.Ltmp5, $4  }
0x253: {  	s1 =	sadd.s32 s16, s1  }
0x254: {  	s1 =	sshrl.u32 s1, $0x3  }
0x255: {  	s1 =	sadd.s32 s2, s1  }
0x256: {  	[hbm4b:s1+s17] =	stream.strided.scatter [tilespmem:s0], [sflag:$0x4], $0x4000, s6, s17, $0x38;
	[tilespmem:$0x11000] =	vst v63  }
0x257: {  	s1 =	simm.s32 $0x3  }
0x258: {  	_ =	swait.ge [sflag:s1], $0x4000  }
0x259: {  	[sflag:s1] =	ssyncset.done $0x0  }
0x25a: {  	s11 =	simm.s32 $0x4;
	[sflag:s1] =	ssyncadd.s32 $0xFFFFC000  }
0x25b: {  	_ =	swait.ge [sflag:s11], $0x4000  }
0x25c: {  	s12 =	rddreg [dreg:$0x6]  }
0x25d: {  	s24 =	rddreg [dreg:$0x5];
	s12 =	sadd.s32 $0x1, s12  }
0x25e: {  	p0 =	sne.s32 s12, s24  }
.Ltmp6:
0x25f: {  	_ = 	snop;
	(pc) =	sbr.rel @p0 .LBB2_1-.Ltmp6, $3  }
0x260: {  	_ =	sdelay $0x1  }
0x261: {  	[sflag:s11] =	ssyncset.done $0x0  }
0x262: {  	[sflag:s11] =	ssyncadd.s32 $0xFFFFC000  }
0x263: {  	_ =	sfence.sel $0x180000  }
0x264: {  	[bflag:$0x0] =	sbarrier.arrive $0xFFFF  }
0x265: {  	_ =	strace $0x90000047  }
0x266: {  	s0 =	stileid.u32;
	[bflag:$0x2] =	sbarrier.arrive $0xFFFF  }
0x267: {  	p0 =	sne.s32 s0, $0x0;
	s0 =	rddreg [dreg:$0x2]  }
0x268: {  	s0 =	sadd.s32 @!p0 $0x100000, s0  }
0x269: {  	[sflag:s0] =	ssyncadd.tile.s32 @!p0 $0x1;
	_ =	shalt  }
.Lfunc_end2:
_tile_overlayer_lowered:
.L_overlay_start_2:
0x26a: {  	(tag) =	ssettag $0x2  }
0x26b: {  	s0 =	rddreg [dreg:$0x0];
	s2 =	stileid.u32  }
0x26c: {  	s1 =	rddreg [dreg:$0x1];
	p0 =	sne.s32 s2, $0x0  }
0x26d: {  	s3 =	rddreg [dreg:$0x2];
	[bflag:$0x3] =	sbarrier.arrive $0xFFFF;
	s2 =	simm.s32 @!p0 $0x1C05  }
0x26e: {  	[timem:s3], [sflag:s2] =	dma.local @!p0 [hbm:s0], s1  }
0x26f: {  	s0 =	simm.s32 @!p0 $0x5  }
0x270: {  	_ =	swait.ge @!p0 [sflag:s0], s1  }
0x271: {  	s1 =	ssub.s32 @!p0 $0x0, s1;
	[sflag:s0] =	ssyncset.done @!p0 $0x0  }
0x272: {  	[sflag:s0] =	ssyncadd.s32 @!p0 s1  }
0x273: {  	[bflag:$0x3] =	sbarrier.arrive $0xFFFF  }
0x274: {  	_ =	shalt  }

</sc_bundles>
